<compile_context>
chip_gen: v7x
topology: tpu7x:2x2x1
jax: 0.10.2.dev20260603
libtpu: 0.0.44.dev20260713+nightly
codegen_flags: <defaults>
</compile_context>

<pallas_src>
import functools

import jax
import jax.numpy as jnp
from jax import lax
from jax.experimental import pallas as pl
from jax.experimental.pallas import tpu as pltpu
from jax.experimental.pallas import tpu_sc as plsc

B = 4096
HIST = 50
N_CAT = 26
N_NUM = 13
NFEAT = 2 * HIST + N_CAT
NC, NS = 2, 16
NW = NC * NS
RPW = B // NW
LANES = 16
CHUNKS = RPW // LANES


def _sc_body(idx_hbm, num_hbm, wb_hbm, seq0_t, seq1_t, *rest):
    cat_ts = rest[:N_CAT]
    out_hbm = rest[N_CAT]
    idx_v, num_v, wb_v, val_v, res_v, sem = rest[N_CAT + 1:]

    wid = lax.axis_index("s") * NC + lax.axis_index("c")
    base = wid * RPW
    seq_n = HIST * RPW

    pltpu.sync_copy(idx_hbm.at[wid], idx_v)
    pltpu.sync_copy(num_hbm.at[:, pl.ds(base, RPW)], num_v)
    pltpu.sync_copy(wb_hbm, wb_v)

    cps = [
        pltpu.async_copy(seq0_t.at[idx_v.at[pl.ds(0, seq_n)]],
                         val_v.at[pl.ds(0, seq_n)], sem),
        pltpu.async_copy(seq1_t.at[idx_v.at[pl.ds(seq_n, seq_n)]],
                         val_v.at[pl.ds(seq_n, seq_n)], sem),
    ]
    for t in range(N_CAT):
        off = 2 * seq_n + t * RPW
        cps.append(pltpu.async_copy(cat_ts[t].at[idx_v.at[pl.ds(off, RPW)]],
                                    val_v.at[pl.ds(off, RPW)], sem))
    for cp in cps:
        cp.wait()

    for c in range(CHUNKS):
        sl = pl.ds(c * LANES, LANES)
        acc = wb_v[N_NUM, :]
        for i in range(N_NUM):
            acc = acc + num_v[i, sl] * wb_v[i, :]

        def kbody(k, a):
            return a + val_v[pl.ds(k * RPW + c * LANES, LANES)]

        acc = lax.fori_loop(0, NFEAT, kbody, acc)
        res_v[sl] = acc

    pltpu.sync_copy(res_v, out_hbm.at[pl.ds(base, RPW)])


@jax.jit
def _run(idx_all, num_all, wb, seq0_t, seq1_t, *cat_tables):
    mesh = plsc.VectorSubcoreMesh(core_axis_name="c", subcore_axis_name="s")
    fn = functools.partial(
        pl.kernel,
        mesh=mesh,
        out_type=jax.ShapeDtypeStruct((B,), jnp.float32),
        scratch_types=[
            pltpu.VMEM((NFEAT * RPW,), jnp.int32),
            pltpu.VMEM((N_NUM, RPW), jnp.float32),
            pltpu.VMEM((N_NUM + 1, LANES), jnp.float32),
            pltpu.VMEM((NFEAT * RPW,), jnp.float32),
            pltpu.VMEM((RPW,), jnp.float32),
            pltpu.SemaphoreType.DMA,
        ],
    )(_sc_body)
    return fn(idx_all, num_all, wb, seq0_t, seq1_t, *cat_tables)


def kernel(seq_0, seq_0_table, seq_1, seq_1_table, cat_0, cat_0_table, cat_1, cat_1_table, cat_2, cat_2_table, cat_3, cat_3_table, cat_4, cat_4_table, cat_5, cat_5_table, cat_6, cat_6_table, cat_7, cat_7_table, cat_8, cat_8_table, cat_9, cat_9_table, cat_10, cat_10_table, cat_11, cat_11_table, cat_12, cat_12_table, cat_13, cat_13_table, cat_14, cat_14_table, cat_15, cat_15_table, cat_16, cat_16_table, cat_17, cat_17_table, cat_18, cat_18_table, cat_19, cat_19_table, cat_20, cat_20_table, cat_21, cat_21_table, cat_22, cat_22_table, cat_23, cat_23_table, cat_24, cat_24_table, cat_25, cat_25_table, num_0, num_1, num_2, num_3, num_4, num_5, num_6, num_7, num_8, num_9, num_10, num_11, num_12, dense_W, dense_b, bn_gamma, bn_beta, bn_mean, bn_var):
    cats = [cat_0, cat_1, cat_2, cat_3, cat_4, cat_5, cat_6, cat_7, cat_8,
            cat_9, cat_10, cat_11, cat_12, cat_13, cat_14, cat_15, cat_16,
            cat_17, cat_18, cat_19, cat_20, cat_21, cat_22, cat_23, cat_24,
            cat_25]
    cat_tables = [cat_0_table, cat_1_table, cat_2_table, cat_3_table,
                  cat_4_table, cat_5_table, cat_6_table, cat_7_table,
                  cat_8_table, cat_9_table, cat_10_table, cat_11_table,
                  cat_12_table, cat_13_table, cat_14_table, cat_15_table,
                  cat_16_table, cat_17_table, cat_18_table, cat_19_table,
                  cat_20_table, cat_21_table, cat_22_table, cat_23_table,
                  cat_24_table, cat_25_table]
    nums = [num_0, num_1, num_2, num_3, num_4, num_5, num_6, num_7, num_8,
            num_9, num_10, num_11, num_12]

    idx_all = jnp.concatenate(
        [seq_0.astype(jnp.int32).T, seq_1.astype(jnp.int32).T]
        + [c.astype(jnp.int32).T for c in cats], axis=0)
    idx_all = (idx_all.reshape(NFEAT, NW, RPW)
               .transpose(1, 0, 2).reshape(NW, NFEAT * RPW))
    num_all = jnp.stack(nums, axis=0).astype(jnp.float32)

    inv = bn_gamma / jnp.sqrt(bn_var + 1e-3)
    wfold = dense_W[:, 0] * inv
    bfold = dense_b[0] + jnp.sum((bn_beta - bn_mean * inv) * dense_W[:, 0])
    wb = jnp.broadcast_to(
        jnp.concatenate([wfold, bfold[None]]).astype(jnp.float32)[:, None],
        (N_NUM + 1, LANES))

    out = _run(idx_all, num_all, wb,
               seq_0_table.reshape(-1), seq_1_table.reshape(-1),
               *[t.reshape(-1) for t in cat_tables])
    return out[:, None]

# --- scband reference (transcript-rebuilt; emitter-appended) ---
"""Pipeline reference for scband-lrreg-model-29076928594382 (READ-ONLY COPY).

The authoritative reference and input builder live on the scoring server;
editing this copy changes nothing except your own understanding.
"""

import jax, jax.numpy as jnp
import numpy as np

B = 4096
N_CAT = 26
N_NUM = 13
HIST = 50
CAT_VOCAB = 100000
SEQ_VOCAB = 1000000
CAT_NAMES = ["cat_%d" % i for i in range(N_CAT)]
SEQ_NAMES = ["seq_0", "seq_1"]
NUM_NAMES = ["num_%d" % i for i in range(N_NUM)]


def setup_inputs(seed: int = 0) -> dict:
    key = jax.random.key(seed)
    inp = {}
    for i, name in enumerate(CAT_NAMES):
        inp[name] = jax.random.randint(jax.random.fold_in(key, i), (B, 1), 0, CAT_VOCAB)
        inp[name + "_table"] = jax.random.normal(jax.random.fold_in(key, 100 + i), (CAT_VOCAB, 1), dtype=jnp.float32) * 0.01
    for i, name in enumerate(SEQ_NAMES):
        inp[name] = jax.random.randint(jax.random.fold_in(key, 200 + i), (B, HIST), 0, SEQ_VOCAB)
        inp[name + "_table"] = jax.random.normal(jax.random.fold_in(key, 300 + i), (SEQ_VOCAB, 1), dtype=jnp.float32) * 0.01
    for i, name in enumerate(NUM_NAMES):
        inp[name] = jax.random.normal(jax.random.fold_in(key, 400 + i), (B,), dtype=jnp.float32)
    inp["dense_W"] = jax.random.normal(jax.random.fold_in(key, 500), (N_NUM, 1), dtype=jnp.float32) * 0.1
    inp["dense_b"] = jnp.zeros((1,), dtype=jnp.float32)
    inp["bn_gamma"] = jnp.ones((N_NUM,), dtype=jnp.float32)
    inp["bn_beta"] = jnp.zeros((N_NUM,), dtype=jnp.float32)
    inp["bn_mean"] = jnp.zeros((N_NUM,), dtype=jnp.float32)
    inp["bn_var"] = jnp.ones((N_NUM,), dtype=jnp.float32)
    return inp


def reference(
    seq_0, seq_0_table, seq_1, seq_1_table,
    cat_0, cat_0_table, cat_1, cat_1_table, cat_2, cat_2_table,
    cat_3, cat_3_table, cat_4, cat_4_table, cat_5, cat_5_table,
    cat_6, cat_6_table, cat_7, cat_7_table, cat_8, cat_8_table,
    cat_9, cat_9_table, cat_10, cat_10_table, cat_11, cat_11_table,
    cat_12, cat_12_table, cat_13, cat_13_table, cat_14, cat_14_table,
    cat_15, cat_15_table, cat_16, cat_16_table, cat_17, cat_17_table,
    cat_18, cat_18_table, cat_19, cat_19_table, cat_20, cat_20_table,
    cat_21, cat_21_table, cat_22, cat_22_table, cat_23, cat_23_table,
    cat_24, cat_24_table, cat_25, cat_25_table,
    num_0, num_1, num_2, num_3, num_4, num_5, num_6,
    num_7, num_8, num_9, num_10, num_11, num_12,
    dense_W, dense_b, bn_gamma, bn_beta, bn_mean, bn_var,
):
    inp = dict(locals())
    # cate_list embeddings registered first in __init__, then cate embeddings
    embs = []
    for name in SEQ_NAMES:
        embs.append(jnp.take(inp[name + "_table"], inp[name], axis=0))  # [B, HIST, 1]
    for name in CAT_NAMES:
        embs.append(jnp.take(inp[name + "_table"], inp[name], axis=0))  # [B, 1, 1]
    cat_out = jnp.sum(jnp.concatenate(embs, axis=1), axis=1)  # [B, 1]
    # continuous branch: stack -> BatchNorm(inference) -> Dense(1)
    x = jnp.stack([inp[n] for n in NUM_NAMES], axis=-1)  # [B, N_NUM]
    x = (x - inp["bn_mean"]) / jnp.sqrt(inp["bn_var"] + 1e-3) * inp["bn_gamma"] + inp["bn_beta"]
    conti_out = x @ inp["dense_W"] + inp["dense_b"]  # [B, 1]
    return cat_out + conti_out

if __name__ == "__main__":
    import jax
    _d = setup_inputs()
    print(jax.jit(kernel)(*tuple(_d.values())))

</pallas_src>

<mosaic_0001>
#map = affine_map<(d0, d1) -> (0, 0)>
#map1 = affine_map<(d0, d1) -> (0)>
module attributes {stable_mosaic.version = 14 : i64} {
  func.func @_sc_body(%arg0: i32, %arg1: i32, %arg2: memref<32x16128xi32, #tpu.memory_space<hbm>>, %arg3: memref<13x4096xf32, #tpu.memory_space<hbm>>, %arg4: memref<14x16xf32, #tpu.memory_space<hbm>>, %arg5: memref<100000xf32, #tpu.memory_space<hbm>>, %arg6: memref<100000xf32, #tpu.memory_space<hbm>>, %arg7: memref<100000xf32, #tpu.memory_space<hbm>>, %arg8: memref<100000xf32, #tpu.memory_space<hbm>>, %arg9: memref<100000xf32, #tpu.memory_space<hbm>>, %arg10: memref<100000xf32, #tpu.memory_space<hbm>>, %arg11: memref<100000xf32, #tpu.memory_space<hbm>>, %arg12: memref<100000xf32, #tpu.memory_space<hbm>>, %arg13: memref<100000xf32, #tpu.memory_space<hbm>>, %arg14: memref<100000xf32, #tpu.memory_space<hbm>>, %arg15: memref<100000xf32, #tpu.memory_space<hbm>>, %arg16: memref<100000xf32, #tpu.memory_space<hbm>>, %arg17: memref<100000xf32, #tpu.memory_space<hbm>>, %arg18: memref<100000xf32, #tpu.memory_space<hbm>>, %arg19: memref<100000xf32, #tpu.memory_space<hbm>>, %arg20: memref<100000xf32, #tpu.memory_space<hbm>>, %arg21: memref<100000xf32, #tpu.memory_space<hbm>>, %arg22: memref<100000xf32, #tpu.memory_space<hbm>>, %arg23: memref<100000xf32, #tpu.memory_space<hbm>>, %arg24: memref<100000xf32, #tpu.memory_space<hbm>>, %arg25: memref<100000xf32, #tpu.memory_space<hbm>>, %arg26: memref<100000xf32, #tpu.memory_space<hbm>>, %arg27: memref<100000xf32, #tpu.memory_space<hbm>>, %arg28: memref<100000xf32, #tpu.memory_space<hbm>>, %arg29: memref<100000xf32, #tpu.memory_space<hbm>>, %arg30: memref<100000xf32, #tpu.memory_space<hbm>>, %arg31: memref<1000000xf32, #tpu.memory_space<hbm>>, %arg32: memref<1000000xf32, #tpu.memory_space<hbm>>, %arg33: memref<4096xf32, #tpu.memory_space<hbm>>, %arg34: memref<16128xi32, #tpu.memory_space<vmem>>, %arg35: memref<13x128xf32, #tpu.memory_space<vmem>>, %arg36: memref<14x16xf32, #tpu.memory_space<vmem>>, %arg37: memref<16128xf32, #tpu.memory_space<vmem>>, %arg38: memref<128xf32, #tpu.memory_space<vmem>>, %arg39: memref<!tpu.dma_semaphore, #tpu.memory_space<semaphore_mem>>) attributes {dimension_semantics = [#tpu.dimension_semantics<core_parallel>, #tpu.dimension_semantics<subcore_parallel>], iteration_bounds = array<i64: 2, 16>, scalar_prefetch = 0 : i64, scratch_operands = 6 : i64, tpu.core_type = #tpu.core_type<sc_vector_subcore>, window_params = [{transform_indices = #map}, {transform_indices = #map}, {transform_indices = #map}, {transform_indices = #map1}, {transform_indices = #map1}, {transform_indices = #map1}, {transform_indices = #map1}, {transform_indices = #map1}, {transform_indices = #map1}, {transform_indices = #map1}, {transform_indices = #map1}, {transform_indices = #map1}, {transform_indices = #map1}, {transform_indices = #map1}, {transform_indices = #map1}, {transform_indices = #map1}, {transform_indices = #map1}, {transform_indices = #map1}, {transform_indices = #map1}, {transform_indices = #map1}, {transform_indices = #map1}, {transform_indices = #map1}, {transform_indices = #map1}, {transform_indices = #map1}, {transform_indices = #map1}, {transform_indices = #map1}, {transform_indices = #map1}, {transform_indices = #map1}, {transform_indices = #map1}, {transform_indices = #map1}, {transform_indices = #map1}, {transform_indices = #map1}]} {
    %mul3A = arith.constant 2 : i32
    %mul3A_0 = arith.muli %arg1, %mul3A : i32
    %add3A = arith.addi %mul3A_0, %arg0 : i32
    %mul3A_1 = arith.constant 128 : i32
    %mul3A_2 = arith.muli %add3A, %mul3A_1 : i32
    "tpu.region"() ({
      %run_scoped3A = tpu.sem_alloc : memref<!tpu.dma_semaphore, #tpu.memory_space<semaphore_mem>>
      %dma_start3A_1702 = arith.constant 0 : i32
      %dma_start3A_1703 = tpu.memref_slice %arg2[%add3A, %dma_start3A_1702] : memref<32x16128xi32, #tpu.memory_space<hbm>> -> memref<1x16128xi32, #tpu.memory_space<hbm>>
      %dma_start3A_1704 = tpu.memref_squeeze %dma_start3A_1703 : memref<1x16128xi32, #tpu.memory_space<hbm>> -> memref<16128xi32, #tpu.memory_space<hbm>>
      %dma_start3A_1705 = arith.constant 0 : i32
      %dma_start3A_1706 = tpu.memref_slice %arg2[%add3A, %dma_start3A_1705] : memref<32x16128xi32, #tpu.memory_space<hbm>> -> memref<1x16128xi32, #tpu.memory_space<hbm>>
      %dma_start3A_1707 = tpu.memref_squeeze %dma_start3A_1706 : memref<1x16128xi32, #tpu.memory_space<hbm>> -> memref<16128xi32, #tpu.memory_space<hbm>>
      tpu.enqueue_dma source(%dma_start3A_1707 : memref<16128xi32, #tpu.memory_space<hbm>>) target(%arg34 : memref<16128xi32, #tpu.memory_space<vmem>>) target_semaphore(%run_scoped3A : memref<!tpu.dma_semaphore, #tpu.memory_space<semaphore_mem>>)
      %dma_wait3A_1708 = arith.constant 0 : i32
      %dma_wait3A_1709 = tpu.memref_slice %arg2[%add3A, %dma_wait3A_1708] : memref<32x16128xi32, #tpu.memory_space<hbm>> -> memref<1x16128xi32, #tpu.memory_space<hbm>>
      %dma_wait3A_1710 = tpu.memref_squeeze %dma_wait3A_1709 : memref<1x16128xi32, #tpu.memory_space<hbm>> -> memref<16128xi32, #tpu.memory_space<hbm>>
      %dma_wait3A_1711 = arith.constant 0 : i32
      %dma_wait3A_1712 = tpu.memref_slice %arg2[%add3A, %dma_wait3A_1711] : memref<32x16128xi32, #tpu.memory_space<hbm>> -> memref<1x16128xi32, #tpu.memory_space<hbm>>
      %dma_wait3A_1713 = tpu.memref_squeeze %dma_wait3A_1712 : memref<1x16128xi32, #tpu.memory_space<hbm>> -> memref<16128xi32, #tpu.memory_space<hbm>>
      tpu.wait_dma2 semaphore(%run_scoped3A : memref<!tpu.dma_semaphore, #tpu.memory_space<semaphore_mem>>) src(%dma_wait3A_1713 : memref<16128xi32, #tpu.memory_space<hbm>>) dst(%arg34 : memref<16128xi32, #tpu.memory_space<vmem>>)
      tpu.yield
    }) : () -> ()
    "tpu.region"() ({
      %run_scoped3A = tpu.sem_alloc : memref<!tpu.dma_semaphore, #tpu.memory_space<semaphore_mem>>
      %dma_start3A_1702 = arith.constant 0 : i32
      %dma_start3A_1703 = tpu.memref_slice %arg3[%dma_start3A_1702, %mul3A_2] : memref<13x4096xf32, #tpu.memory_space<hbm>> -> memref<13x128xf32, #tpu.memory_space<hbm>>
      %dma_start3A_1704 = arith.constant 0 : i32
      %dma_start3A_1705 = tpu.memref_slice %arg3[%dma_start3A_1704, %mul3A_2] : memref<13x4096xf32, #tpu.memory_space<hbm>> -> memref<13x128xf32, #tpu.memory_space<hbm>>
      tpu.enqueue_dma source(%dma_start3A_1705 : memref<13x128xf32, #tpu.memory_space<hbm>>) target(%arg35 : memref<13x128xf32, #tpu.memory_space<vmem>>) target_semaphore(%run_scoped3A : memref<!tpu.dma_semaphore, #tpu.memory_space<semaphore_mem>>)
      %dma_wait3A_1706 = arith.constant 0 : i32
      %dma_wait3A_1707 = tpu.memref_slice %arg3[%dma_wait3A_1706, %mul3A_2] : memref<13x4096xf32, #tpu.memory_space<hbm>> -> memref<13x128xf32, #tpu.memory_space<hbm>>
      %dma_wait3A_1708 = arith.constant 0 : i32
      %dma_wait3A_1709 = tpu.memref_slice %arg3[%dma_wait3A_1708, %mul3A_2] : memref<13x4096xf32, #tpu.memory_space<hbm>> -> memref<13x128xf32, #tpu.memory_space<hbm>>
      tpu.wait_dma2 semaphore(%run_scoped3A : memref<!tpu.dma_semaphore, #tpu.memory_space<semaphore_mem>>) src(%dma_wait3A_1709 : memref<13x128xf32, #tpu.memory_space<hbm>>) dst(%arg35 : memref<13x128xf32, #tpu.memory_space<vmem>>)
      tpu.yield
    }) : () -> ()
    "tpu.region"() ({
      %run_scoped3A = tpu.sem_alloc : memref<!tpu.dma_semaphore, #tpu.memory_space<semaphore_mem>>
      tpu.enqueue_dma source(%arg4 : memref<14x16xf32, #tpu.memory_space<hbm>>) target(%arg36 : memref<14x16xf32, #tpu.memory_space<vmem>>) target_semaphore(%run_scoped3A : memref<!tpu.dma_semaphore, #tpu.memory_space<semaphore_mem>>)
      tpu.wait_dma2 semaphore(%run_scoped3A : memref<!tpu.dma_semaphore, #tpu.memory_space<semaphore_mem>>) src(%arg4 : memref<14x16xf32, #tpu.memory_space<hbm>>) dst(%arg36 : memref<14x16xf32, #tpu.memory_space<vmem>>)
      tpu.yield
    }) : () -> ()
    %dma_start3A = arith.constant 0 : i32
    %dma_start3A_3 = tpu.memref_slice %arg37[%dma_start3A] : memref<16128xf32, #tpu.memory_space<vmem>> -> memref<6400xf32, #tpu.memory_space<vmem>>
    %dma_start3A_4 = arith.constant 0 : i32
    %dma_start3A_5 = tpu.memref_slice %arg34[%dma_start3A_4] : memref<16128xi32, #tpu.memory_space<vmem>> -> memref<6400xi32, #tpu.memory_space<vmem>>
    %dma_start3A_6 = arith.constant 0 : i32
    %dma_start3A_7 = tpu.memref_slice %arg5[%dma_start3A_6] : memref<100000xf32, #tpu.memory_space<hbm>> -> memref<100000xf32, #tpu.memory_space<hbm>>
    tpu.enqueue_indirect_dma source(%dma_start3A_7 : memref<100000xf32, #tpu.memory_space<hbm>>) target(%dma_start3A_3 : memref<6400xf32, #tpu.memory_space<vmem>>) offsets(%dma_start3A_5 : memref<6400xi32, #tpu.memory_space<vmem>>) semaphore(%arg39 : memref<!tpu.dma_semaphore, #tpu.memory_space<semaphore_mem>>)
    %dma_start3A_8 = arith.constant 6400 : i32
    %dma_start3A_9 = tpu.memref_slice %arg37[%dma_start3A_8] : memref<16128xf32, #tpu.memory_space<vmem>> -> memref<6400xf32, #tpu.memory_space<vmem>>
    %dma_start3A_10 = arith.constant 6400 : i32
    %dma_start3A_11 = tpu.memref_slice %arg34[%dma_start3A_10] : memref<16128xi32, #tpu.memory_space<vmem>> -> memref<6400xi32, #tpu.memory_space<vmem>>
    %dma_start3A_12 = arith.constant 0 : i32
    %dma_start3A_13 = tpu.memref_slice %arg6[%dma_start3A_12] : memref<100000xf32, #tpu.memory_space<hbm>> -> memref<100000xf32, #tpu.memory_space<hbm>>
    tpu.enqueue_indirect_dma source(%dma_start3A_13 : memref<100000xf32, #tpu.memory_space<hbm>>) target(%dma_start3A_9 : memref<6400xf32, #tpu.memory_space<vmem>>) offsets(%dma_start3A_11 : memref<6400xi32, #tpu.memory_space<vmem>>) semaphore(%arg39 : memref<!tpu.dma_semaphore, #tpu.memory_space<semaphore_mem>>)
    %dma_start3A_14 = arith.constant 12800 : i32
    %dma_start3A_15 = tpu.memref_slice %arg37[%dma_start3A_14] : memref<16128xf32, #tpu.memory_space<vmem>> -> memref<128xf32, #tpu.memory_space<vmem>>
    %dma_start3A_16 = arith.constant 12800 : i32
    %dma_start3A_17 = tpu.memref_slice %arg34[%dma_start3A_16] : memref<16128xi32, #tpu.memory_space<vmem>> -> memref<128xi32, #tpu.memory_space<vmem>>
    %dma_start3A_18 = arith.constant 0 : i32
    %dma_start3A_19 = tpu.memref_slice %arg7[%dma_start3A_18] : memref<100000xf32, #tpu.memory_space<hbm>> -> memref<100000xf32, #tpu.memory_space<hbm>>
    tpu.enqueue_indirect_dma source(%dma_start3A_19 : memref<100000xf32, #tpu.memory_space<hbm>>) target(%dma_start3A_15 : memref<128xf32, #tpu.memory_space<vmem>>) offsets(%dma_start3A_17 : memref<128xi32, #tpu.memory_space<vmem>>) semaphore(%arg39 : memref<!tpu.dma_semaphore, #tpu.memory_space<semaphore_mem>>)
    %dma_start3A_20 = arith.constant 12928 : i32
    %dma_start3A_21 = tpu.memref_slice %arg37[%dma_start3A_20] : memref<16128xf32, #tpu.memory_space<vmem>> -> memref<128xf32, #tpu.memory_space<vmem>>
    %dma_start3A_22 = arith.constant 12928 : i32
    %dma_start3A_23 = tpu.memref_slice %arg34[%dma_start3A_22] : memref<16128xi32, #tpu.memory_space<vmem>> -> memref<128xi32, #tpu.memory_space<vmem>>
    %dma_start3A_24 = arith.constant 0 : i32
    %dma_start3A_25 = tpu.memref_slice %arg8[%dma_start3A_24] : memref<100000xf32, #tpu.memory_space<hbm>> -> memref<100000xf32, #tpu.memory_space<hbm>>
    tpu.enqueue_indirect_dma source(%dma_start3A_25 : memref<100000xf32, #tpu.memory_space<hbm>>) target(%dma_start3A_21 : memref<128xf32, #tpu.memory_space<vmem>>) offsets(%dma_start3A_23 : memref<128xi32, #tpu.memory_space<vmem>>) semaphore(%arg39 : memref<!tpu.dma_semaphore, #tpu.memory_space<semaphore_mem>>)
    %dma_start3A_26 = arith.constant 13056 : i32
    %dma_start3A_27 = tpu.memref_slice %arg37[%dma_start3A_26] : memref<16128xf32, #tpu.memory_space<vmem>> -> memref<128xf32, #tpu.memory_space<vmem>>
    %dma_start3A_28 = arith.constant 13056 : i32
    %dma_start3A_29 = tpu.memref_slice %arg34[%dma_start3A_28] : memref<16128xi32, #tpu.memory_space<vmem>> -> memref<128xi32, #tpu.memory_space<vmem>>
    %dma_start3A_30 = arith.constant 0 : i32
    %dma_start3A_31 = tpu.memref_slice %arg9[%dma_start3A_30] : memref<100000xf32, #tpu.memory_space<hbm>> -> memref<100000xf32, #tpu.memory_space<hbm>>
    tpu.enqueue_indirect_dma source(%dma_start3A_31 : memref<100000xf32, #tpu.memory_space<hbm>>) target(%dma_start3A_27 : memref<128xf32, #tpu.memory_space<vmem>>) offsets(%dma_start3A_29 : memref<128xi32, #tpu.memory_space<vmem>>) semaphore(%arg39 : memref<!tpu.dma_semaphore, #tpu.memory_space<semaphore_mem>>)
    %dma_start3A_32 = arith.constant 13184 : i32
    %dma_start3A_33 = tpu.memref_slice %arg37[%dma_start3A_32] : memref<16128xf32, #tpu.memory_space<vmem>> -> memref<128xf32, #tpu.memory_space<vmem>>
    %dma_start3A_34 = arith.constant 13184 : i32
    %dma_start3A_35 = tpu.memref_slice %arg34[%dma_start3A_34] : memref<16128xi32, #tpu.memory_space<vmem>> -> memref<128xi32, #tpu.memory_space<vmem>>
    %dma_start3A_36 = arith.constant 0 : i32
    %dma_start3A_37 = tpu.memref_slice %arg10[%dma_start3A_36] : memref<100000xf32, #tpu.memory_space<hbm>> -> memref<100000xf32, #tpu.memory_space<hbm>>
    tpu.enqueue_indirect_dma source(%dma_start3A_37 : memref<100000xf32, #tpu.memory_space<hbm>>) target(%dma_start3A_33 : memref<128xf32, #tpu.memory_space<vmem>>) offsets(%dma_start3A_35 : memref<128xi32, #tpu.memory_space<vmem>>) semaphore(%arg39 : memref<!tpu.dma_semaphore, #tpu.memory_space<semaphore_mem>>)
    %dma_start3A_38 = arith.constant 13312 : i32
    %dma_start3A_39 = tpu.memref_slice %arg37[%dma_start3A_38] : memref<16128xf32, #tpu.memory_space<vmem>> -> memref<128xf32, #tpu.memory_space<vmem>>
    %dma_start3A_40 = arith.constant 13312 : i32
    %dma_start3A_41 = tpu.memref_slice %arg34[%dma_start3A_40] : memref<16128xi32, #tpu.memory_space<vmem>> -> memref<128xi32, #tpu.memory_space<vmem>>
    %dma_start3A_42 = arith.constant 0 : i32
    %dma_start3A_43 = tpu.memref_slice %arg11[%dma_start3A_42] : memref<100000xf32, #tpu.memory_space<hbm>> -> memref<100000xf32, #tpu.memory_space<hbm>>
    tpu.enqueue_indirect_dma source(%dma_start3A_43 : memref<100000xf32, #tpu.memory_space<hbm>>) target(%dma_start3A_39 : memref<128xf32, #tpu.memory_space<vmem>>) offsets(%dma_start3A_41 : memref<128xi32, #tpu.memory_space<vmem>>) semaphore(%arg39 : memref<!tpu.dma_semaphore, #tpu.memory_space<semaphore_mem>>)
    %dma_start3A_44 = arith.constant 13440 : i32
    %dma_start3A_45 = tpu.memref_slice %arg37[%dma_start3A_44] : memref<16128xf32, #tpu.memory_space<vmem>> -> memref<128xf32, #tpu.memory_space<vmem>>
    %dma_start3A_46 = arith.constant 13440 : i32
    %dma_start3A_47 = tpu.memref_slice %arg34[%dma_start3A_46] : memref<16128xi32, #tpu.memory_space<vmem>> -> memref<128xi32, #tpu.memory_space<vmem>>
    %dma_start3A_48 = arith.constant 0 : i32
    %dma_start3A_49 = tpu.memref_slice %arg12[%dma_start3A_48] : memref<100000xf32, #tpu.memory_space<hbm>> -> memref<100000xf32, #tpu.memory_space<hbm>>
    tpu.enqueue_indirect_dma source(%dma_start3A_49 : memref<100000xf32, #tpu.memory_space<hbm>>) target(%dma_start3A_45 : memref<128xf32, #tpu.memory_space<vmem>>) offsets(%dma_start3A_47 : memref<128xi32, #tpu.memory_space<vmem>>) semaphore(%arg39 : memref<!tpu.dma_semaphore, #tpu.memory_space<semaphore_mem>>)
    %dma_start3A_50 = arith.constant 13568 : i32
    %dma_start3A_51 = tpu.memref_slice %arg37[%dma_start3A_50] : memref<16128xf32, #tpu.memory_space<vmem>> -> memref<128xf32, #tpu.memory_space<vmem>>
    %dma_start3A_52 = arith.constant 13568 : i32
    %dma_start3A_53 = tpu.memref_slice %arg34[%dma_start3A_52] : memref<16128xi32, #tpu.memory_space<vmem>> -> memref<128xi32, #tpu.memory_space<vmem>>
    %dma_start3A_54 = arith.constant 0 : i32
    %dma_start3A_55 = tpu.memref_slice %arg13[%dma_start3A_54] : memref<100000xf32, #tpu.memory_space<hbm>> -> memref<100000xf32, #tpu.memory_space<hbm>>
    tpu.enqueue_indirect_dma source(%dma_start3A_55 : memref<100000xf32, #tpu.memory_space<hbm>>) target(%dma_start3A_51 : memref<128xf32, #tpu.memory_space<vmem>>) offsets(%dma_start3A_53 : memref<128xi32, #tpu.memory_space<vmem>>) semaphore(%arg39 : memref<!tpu.dma_semaphore, #tpu.memory_space<semaphore_mem>>)
    %dma_start3A_56 = arith.constant 13696 : i32
    %dma_start3A_57 = tpu.memref_slice %arg37[%dma_start3A_56] : memref<16128xf32, #tpu.memory_space<vmem>> -> memref<128xf32, #tpu.memory_space<vmem>>
    %dma_start3A_58 = arith.constant 13696 : i32
    %dma_start3A_59 = tpu.memref_slice %arg34[%dma_start3A_58] : memref<16128xi32, #tpu.memory_space<vmem>> -> memref<128xi32, #tpu.memory_space<vmem>>
    %dma_start3A_60 = arith.constant 0 : i32
    %dma_start3A_61 = tpu.memref_slice %arg14[%dma_start3A_60] : memref<100000xf32, #tpu.memory_space<hbm>> -> memref<100000xf32, #tpu.memory_space<hbm>>
    tpu.enqueue_indirect_dma source(%dma_start3A_61 : memref<100000xf32, #tpu.memory_space<hbm>>) target(%dma_start3A_57 : memref<128xf32, #tpu.memory_space<vmem>>) offsets(%dma_start3A_59 : memref<128xi32, #tpu.memory_space<vmem>>) semaphore(%arg39 : memref<!tpu.dma_semaphore, #tpu.memory_space<semaphore_mem>>)
    %dma_start3A_62 = arith.constant 13824 : i32
    %dma_start3A_63 = tpu.memref_slice %arg37[%dma_start3A_62] : memref<16128xf32, #tpu.memory_space<vmem>> -> memref<128xf32, #tpu.memory_space<vmem>>
    %dma_start3A_64 = arith.constant 13824 : i32
    %dma_start3A_65 = tpu.memref_slice %arg34[%dma_start3A_64] : memref<16128xi32, #tpu.memory_space<vmem>> -> memref<128xi32, #tpu.memory_space<vmem>>
    %dma_start3A_66 = arith.constant 0 : i32
    %dma_start3A_67 = tpu.memref_slice %arg15[%dma_start3A_66] : memref<100000xf32, #tpu.memory_space<hbm>> -> memref<100000xf32, #tpu.memory_space<hbm>>
    tpu.enqueue_indirect_dma source(%dma_start3A_67 : memref<100000xf32, #tpu.memory_space<hbm>>) target(%dma_start3A_63 : memref<128xf32, #tpu.memory_space<vmem>>) offsets(%dma_start3A_65 : memref<128xi32, #tpu.memory_space<vmem>>) semaphore(%arg39 : memref<!tpu.dma_semaphore, #tpu.memory_space<semaphore_mem>>)
    %dma_start3A_68 = arith.constant 13952 : i32
    %dma_start3A_69 = tpu.memref_slice %arg37[%dma_start3A_68] : memref<16128xf32, #tpu.memory_space<vmem>> -> memref<128xf32, #tpu.memory_space<vmem>>
    %dma_start3A_70 = arith.constant 13952 : i32
    %dma_start3A_71 = tpu.memref_slice %arg34[%dma_start3A_70] : memref<16128xi32, #tpu.memory_space<vmem>> -> memref<128xi32, #tpu.memory_space<vmem>>
    %dma_start3A_72 = arith.constant 0 : i32
    %dma_start3A_73 = tpu.memref_slice %arg16[%dma_start3A_72] : memref<100000xf32, #tpu.memory_space<hbm>> -> memref<100000xf32, #tpu.memory_space<hbm>>
    tpu.enqueue_indirect_dma source(%dma_start3A_73 : memref<100000xf32, #tpu.memory_space<hbm>>) target(%dma_start3A_69 : memref<128xf32, #tpu.memory_space<vmem>>) offsets(%dma_start3A_71 : memref<128xi32, #tpu.memory_space<vmem>>) semaphore(%arg39 : memref<!tpu.dma_semaphore, #tpu.memory_space<semaphore_mem>>)
    %dma_start3A_74 = arith.constant 14080 : i32
    %dma_start3A_75 = tpu.memref_slice %arg37[%dma_start3A_74] : memref<16128xf32, #tpu.memory_space<vmem>> -> memref<128xf32, #tpu.memory_space<vmem>>
    %dma_start3A_76 = arith.constant 14080 : i32
    %dma_start3A_77 = tpu.memref_slice %arg34[%dma_start3A_76] : memref<16128xi32, #tpu.memory_space<vmem>> -> memref<128xi32, #tpu.memory_space<vmem>>
    %dma_start3A_78 = arith.constant 0 : i32
    %dma_start3A_79 = tpu.memref_slice %arg17[%dma_start3A_78] : memref<100000xf32, #tpu.memory_space<hbm>> -> memref<100000xf32, #tpu.memory_space<hbm>>
    tpu.enqueue_indirect_dma source(%dma_start3A_79 : memref<100000xf32, #tpu.memory_space<hbm>>) target(%dma_start3A_75 : memref<128xf32, #tpu.memory_space<vmem>>) offsets(%dma_start3A_77 : memref<128xi32, #tpu.memory_space<vmem>>) semaphore(%arg39 : memref<!tpu.dma_semaphore, #tpu.memory_space<semaphore_mem>>)
    %dma_start3A_80 = arith.constant 14208 : i32
    %dma_start3A_81 = tpu.memref_slice %arg37[%dma_start3A_80] : memref<16128xf32, #tpu.memory_space<vmem>> -> memref<128xf32, #tpu.memory_space<vmem>>
    %dma_start3A_82 = arith.constant 14208 : i32
    %dma_start3A_83 = tpu.memref_slice %arg34[%dma_start3A_82] : memref<16128xi32, #tpu.memory_space<vmem>> -> memref<128xi32, #tpu.memory_space<vmem>>
    %dma_start3A_84 = arith.constant 0 : i32
    %dma_start3A_85 = tpu.memref_slice %arg18[%dma_start3A_84] : memref<100000xf32, #tpu.memory_space<hbm>> -> memref<100000xf32, #tpu.memory_space<hbm>>
    tpu.enqueue_indirect_dma source(%dma_start3A_85 : memref<100000xf32, #tpu.memory_space<hbm>>) target(%dma_start3A_81 : memref<128xf32, #tpu.memory_space<vmem>>) offsets(%dma_start3A_83 : memref<128xi32, #tpu.memory_space<vmem>>) semaphore(%arg39 : memref<!tpu.dma_semaphore, #tpu.memory_space<semaphore_mem>>)
    %dma_start3A_86 = arith.constant 14336 : i32
    %dma_start3A_87 = tpu.memref_slice %arg37[%dma_start3A_86] : memref<16128xf32, #tpu.memory_space<vmem>> -> memref<128xf32, #tpu.memory_space<vmem>>
    %dma_start3A_88 = arith.constant 14336 : i32
    %dma_start3A_89 = tpu.memref_slice %arg34[%dma_start3A_88] : memref<16128xi32, #tpu.memory_space<vmem>> -> memref<128xi32, #tpu.memory_space<vmem>>
    %dma_start3A_90 = arith.constant 0 : i32
    %dma_start3A_91 = tpu.memref_slice %arg19[%dma_start3A_90] : memref<100000xf32, #tpu.memory_space<hbm>> -> memref<100000xf32, #tpu.memory_space<hbm>>
    tpu.enqueue_indirect_dma source(%dma_start3A_91 : memref<100000xf32, #tpu.memory_space<hbm>>) target(%dma_start3A_87 : memref<128xf32, #tpu.memory_space<vmem>>) offsets(%dma_start3A_89 : memref<128xi32, #tpu.memory_space<vmem>>) semaphore(%arg39 : memref<!tpu.dma_semaphore, #tpu.memory_space<semaphore_mem>>)
    %dma_start3A_92 = arith.constant 14464 : i32
    %dma_start3A_93 = tpu.memref_slice %arg37[%dma_start3A_92] : memref<16128xf32, #tpu.memory_space<vmem>> -> memref<128xf32, #tpu.memory_space<vmem>>
    %dma_start3A_94 = arith.constant 14464 : i32
    %dma_start3A_95 = tpu.memref_slice %arg34[%dma_start3A_94] : memref<16128xi32, #tpu.memory_space<vmem>> -> memref<128xi32, #tpu.memory_space<vmem>>
    %dma_start3A_96 = arith.constant 0 : i32
    %dma_start3A_97 = tpu.memref_slice %arg20[%dma_start3A_96] : memref<100000xf32, #tpu.memory_space<hbm>> -> memref<100000xf32, #tpu.memory_space<hbm>>
    tpu.enqueue_indirect_dma source(%dma_start3A_97 : memref<100000xf32, #tpu.memory_space<hbm>>) target(%dma_start3A_93 : memref<128xf32, #tpu.memory_space<vmem>>) offsets(%dma_start3A_95 : memref<128xi32, #tpu.memory_space<vmem>>) semaphore(%arg39 : memref<!tpu.dma_semaphore, #tpu.memory_space<semaphore_mem>>)
    %dma_start3A_98 = arith.constant 14592 : i32
    %dma_start3A_99 = tpu.memref_slice %arg37[%dma_start3A_98] : memref<16128xf32, #tpu.memory_space<vmem>> -> memref<128xf32, #tpu.memory_space<vmem>>
    %dma_start3A_100 = arith.constant 14592 : i32
    %dma_start3A_101 = tpu.memref_slice %arg34[%dma_start3A_100] : memref<16128xi32, #tpu.memory_space<vmem>> -> memref<128xi32, #tpu.memory_space<vmem>>
    %dma_start3A_102 = arith.constant 0 : i32
    %dma_start3A_103 = tpu.memref_slice %arg21[%dma_start3A_102] : memref<100000xf32, #tpu.memory_space<hbm>> -> memref<100000xf32, #tpu.memory_space<hbm>>
    tpu.enqueue_indirect_dma source(%dma_start3A_103 : memref<100000xf32, #tpu.memory_space<hbm>>) target(%dma_start3A_99 : memref<128xf32, #tpu.memory_space<vmem>>) offsets(%dma_start3A_101 : memref<128xi32, #tpu.memory_space<vmem>>) semaphore(%arg39 : memref<!tpu.dma_semaphore, #tpu.memory_space<semaphore_mem>>)
    %dma_start3A_104 = arith.constant 14720 : i32
    %dma_start3A_105 = tpu.memref_slice %arg37[%dma_start3A_104] : memref<16128xf32, #tpu.memory_space<vmem>> -> memref<128xf32, #tpu.memory_space<vmem>>
    %dma_start3A_106 = arith.constant 14720 : i32
    %dma_start3A_107 = tpu.memref_slice %arg34[%dma_start3A_106] : memref<16128xi32, #tpu.memory_space<vmem>> -> memref<128xi32, #tpu.memory_space<vmem>>
    %dma_start3A_108 = arith.constant 0 : i32
    %dma_start3A_109 = tpu.memref_slice %arg22[%dma_start3A_108] : memref<100000xf32, #tpu.memory_space<hbm>> -> memref<100000xf32, #tpu.memory_space<hbm>>
    tpu.enqueue_indirect_dma source(%dma_start3A_109 : memref<100000xf32, #tpu.memory_space<hbm>>) target(%dma_start3A_105 : memref<128xf32, #tpu.memory_space<vmem>>) offsets(%dma_start3A_107 : memref<128xi32, #tpu.memory_space<vmem>>) semaphore(%arg39 : memref<!tpu.dma_semaphore, #tpu.memory_space<semaphore_mem>>)
    %dma_start3A_110 = arith.constant 14848 : i32
    %dma_start3A_111 = tpu.memref_slice %arg37[%dma_start3A_110] : memref<16128xf32, #tpu.memory_space<vmem>> -> memref<128xf32, #tpu.memory_space<vmem>>
    %dma_start3A_112 = arith.constant 14848 : i32
    %dma_start3A_113 = tpu.memref_slice %arg34[%dma_start3A_112] : memref<16128xi32, #tpu.memory_space<vmem>> -> memref<128xi32, #tpu.memory_space<vmem>>
    %dma_start3A_114 = arith.constant 0 : i32
    %dma_start3A_115 = tpu.memref_slice %arg23[%dma_start3A_114] : memref<100000xf32, #tpu.memory_space<hbm>> -> memref<100000xf32, #tpu.memory_space<hbm>>
    tpu.enqueue_indirect_dma source(%dma_start3A_115 : memref<100000xf32, #tpu.memory_space<hbm>>) target(%dma_start3A_111 : memref<128xf32, #tpu.memory_space<vmem>>) offsets(%dma_start3A_113 : memref<128xi32, #tpu.memory_space<vmem>>) semaphore(%arg39 : memref<!tpu.dma_semaphore, #tpu.memory_space<semaphore_mem>>)
    %dma_start3A_116 = arith.constant 14976 : i32
    %dma_start3A_117 = tpu.memref_slice %arg37[%dma_start3A_116] : memref<16128xf32, #tpu.memory_space<vmem>> -> memref<128xf32, #tpu.memory_space<vmem>>
    %dma_start3A_118 = arith.constant 14976 : i32
    %dma_start3A_119 = tpu.memref_slice %arg34[%dma_start3A_118] : memref<16128xi32, #tpu.memory_space<vmem>> -> memref<128xi32, #tpu.memory_space<vmem>>
    %dma_start3A_120 = arith.constant 0 : i32
    %dma_start3A_121 = tpu.memref_slice %arg24[%dma_start3A_120] : memref<100000xf32, #tpu.memory_space<hbm>> -> memref<100000xf32, #tpu.memory_space<hbm>>
    tpu.enqueue_indirect_dma source(%dma_start3A_121 : memref<100000xf32, #tpu.memory_space<hbm>>) target(%dma_start3A_117 : memref<128xf32, #tpu.memory_space<vmem>>) offsets(%dma_start3A_119 : memref<128xi32, #tpu.memory_space<vmem>>) semaphore(%arg39 : memref<!tpu.dma_semaphore, #tpu.memory_space<semaphore_mem>>)
    %dma_start3A_122 = arith.constant 15104 : i32
    %dma_start3A_123 = tpu.memref_slice %arg37[%dma_start3A_122] : memref<16128xf32, #tpu.memory_space<vmem>> -> memref<128xf32, #tpu.memory_space<vmem>>
    %dma_start3A_124 = arith.constant 15104 : i32
    %dma_start3A_125 = tpu.memref_slice %arg34[%dma_start3A_124] : memref<16128xi32, #tpu.memory_space<vmem>> -> memref<128xi32, #tpu.memory_space<vmem>>
    %dma_start3A_126 = arith.constant 0 : i32
    %dma_start3A_127 = tpu.memref_slice %arg25[%dma_start3A_126] : memref<100000xf32, #tpu.memory_space<hbm>> -> memref<100000xf32, #tpu.memory_space<hbm>>
    tpu.enqueue_indirect_dma source(%dma_start3A_127 : memref<100000xf32, #tpu.memory_space<hbm>>) target(%dma_start3A_123 : memref<128xf32, #tpu.memory_space<vmem>>) offsets(%dma_start3A_125 : memref<128xi32, #tpu.memory_space<vmem>>) semaphore(%arg39 : memref<!tpu.dma_semaphore, #tpu.memory_space<semaphore_mem>>)
    %dma_start3A_128 = arith.constant 15232 : i32
    %dma_start3A_129 = tpu.memref_slice %arg37[%dma_start3A_128] : memref<16128xf32, #tpu.memory_space<vmem>> -> memref<128xf32, #tpu.memory_space<vmem>>
    %dma_start3A_130 = arith.constant 15232 : i32
    %dma_start3A_131 = tpu.memref_slice %arg34[%dma_start3A_130] : memref<16128xi32, #tpu.memory_space<vmem>> -> memref<128xi32, #tpu.memory_space<vmem>>
    %dma_start3A_132 = arith.constant 0 : i32
    %dma_start3A_133 = tpu.memref_slice %arg26[%dma_start3A_132] : memref<100000xf32, #tpu.memory_space<hbm>> -> memref<100000xf32, #tpu.memory_space<hbm>>
    tpu.enqueue_indirect_dma source(%dma_start3A_133 : memref<100000xf32, #tpu.memory_space<hbm>>) target(%dma_start3A_129 : memref<128xf32, #tpu.memory_space<vmem>>) offsets(%dma_start3A_131 : memref<128xi32, #tpu.memory_space<vmem>>) semaphore(%arg39 : memref<!tpu.dma_semaphore, #tpu.memory_space<semaphore_mem>>)
    %dma_start3A_134 = arith.constant 15360 : i32
    %dma_start3A_135 = tpu.memref_slice %arg37[%dma_start3A_134] : memref<16128xf32, #tpu.memory_space<vmem>> -> memref<128xf32, #tpu.memory_space<vmem>>
    %dma_start3A_136 = arith.constant 15360 : i32
    %dma_start3A_137 = tpu.memref_slice %arg34[%dma_start3A_136] : memref<16128xi32, #tpu.memory_space<vmem>> -> memref<128xi32, #tpu.memory_space<vmem>>
    %dma_start3A_138 = arith.constant 0 : i32
    %dma_start3A_139 = tpu.memref_slice %arg27[%dma_start3A_138] : memref<100000xf32, #tpu.memory_space<hbm>> -> memref<100000xf32, #tpu.memory_space<hbm>>
    tpu.enqueue_indirect_dma source(%dma_start3A_139 : memref<100000xf32, #tpu.memory_space<hbm>>) target(%dma_start3A_135 : memref<128xf32, #tpu.memory_space<vmem>>) offsets(%dma_start3A_137 : memref<128xi32, #tpu.memory_space<vmem>>) semaphore(%arg39 : memref<!tpu.dma_semaphore, #tpu.memory_space<semaphore_mem>>)
    %dma_start3A_140 = arith.constant 15488 : i32
    %dma_start3A_141 = tpu.memref_slice %arg37[%dma_start3A_140] : memref<16128xf32, #tpu.memory_space<vmem>> -> memref<128xf32, #tpu.memory_space<vmem>>
    %dma_start3A_142 = arith.constant 15488 : i32
    %dma_start3A_143 = tpu.memref_slice %arg34[%dma_start3A_142] : memref<16128xi32, #tpu.memory_space<vmem>> -> memref<128xi32, #tpu.memory_space<vmem>>
    %dma_start3A_144 = arith.constant 0 : i32
    %dma_start3A_145 = tpu.memref_slice %arg28[%dma_start3A_144] : memref<100000xf32, #tpu.memory_space<hbm>> -> memref<100000xf32, #tpu.memory_space<hbm>>
    tpu.enqueue_indirect_dma source(%dma_start3A_145 : memref<100000xf32, #tpu.memory_space<hbm>>) target(%dma_start3A_141 : memref<128xf32, #tpu.memory_space<vmem>>) offsets(%dma_start3A_143 : memref<128xi32, #tpu.memory_space<vmem>>) semaphore(%arg39 : memref<!tpu.dma_semaphore, #tpu.memory_space<semaphore_mem>>)
    %dma_start3A_146 = arith.constant 15616 : i32
    %dma_start3A_147 = tpu.memref_slice %arg37[%dma_start3A_146] : memref<16128xf32, #tpu.memory_space<vmem>> -> memref<128xf32, #tpu.memory_space<vmem>>
    %dma_start3A_148 = arith.constant 15616 : i32
    %dma_start3A_149 = tpu.memref_slice %arg34[%dma_start3A_148] : memref<16128xi32, #tpu.memory_space<vmem>> -> memref<128xi32, #tpu.memory_space<vmem>>
    %dma_start3A_150 = arith.constant 0 : i32
    %dma_start3A_151 = tpu.memref_slice %arg29[%dma_start3A_150] : memref<100000xf32, #tpu.memory_space<hbm>> -> memref<100000xf32, #tpu.memory_space<hbm>>
    tpu.enqueue_indirect_dma source(%dma_start3A_151 : memref<100000xf32, #tpu.memory_space<hbm>>) target(%dma_start3A_147 : memref<128xf32, #tpu.memory_space<vmem>>) offsets(%dma_start3A_149 : memref<128xi32, #tpu.memory_space<vmem>>) semaphore(%arg39 : memref<!tpu.dma_semaphore, #tpu.memory_space<semaphore_mem>>)
    %dma_start3A_152 = arith.constant 15744 : i32
    %dma_start3A_153 = tpu.memref_slice %arg37[%dma_start3A_152] : memref<16128xf32, #tpu.memory_space<vmem>> -> memref<128xf32, #tpu.memory_space<vmem>>
    %dma_start3A_154 = arith.constant 15744 : i32
    %dma_start3A_155 = tpu.memref_slice %arg34[%dma_start3A_154] : memref<16128xi32, #tpu.memory_space<vmem>> -> memref<128xi32, #tpu.memory_space<vmem>>
    %dma_start3A_156 = arith.constant 0 : i32
    %dma_start3A_157 = tpu.memref_slice %arg30[%dma_start3A_156] : memref<100000xf32, #tpu.memory_space<hbm>> -> memref<100000xf32, #tpu.memory_space<hbm>>
    tpu.enqueue_indirect_dma source(%dma_start3A_157 : memref<100000xf32, #tpu.memory_space<hbm>>) target(%dma_start3A_153 : memref<128xf32, #tpu.memory_space<vmem>>) offsets(%dma_start3A_155 : memref<128xi32, #tpu.memory_space<vmem>>) semaphore(%arg39 : memref<!tpu.dma_semaphore, #tpu.memory_space<semaphore_mem>>)
    %dma_start3A_158 = arith.constant 15872 : i32
    %dma_start3A_159 = tpu.memref_slice %arg37[%dma_start3A_158] : memref<16128xf32, #tpu.memory_space<vmem>> -> memref<128xf32, #tpu.memory_space<vmem>>
    %dma_start3A_160 = arith.constant 15872 : i32
    %dma_start3A_161 = tpu.memref_slice %arg34[%dma_start3A_160] : memref<16128xi32, #tpu.memory_space<vmem>> -> memref<128xi32, #tpu.memory_space<vmem>>
    %dma_start3A_162 = arith.constant 0 : i32
    %dma_start3A_163 = tpu.memref_slice %arg31[%dma_start3A_162] : memref<1000000xf32, #tpu.memory_space<hbm>> -> memref<1000000xf32, #tpu.memory_space<hbm>>
    tpu.enqueue_indirect_dma source(%dma_start3A_163 : memref<1000000xf32, #tpu.memory_space<hbm>>) target(%dma_start3A_159 : memref<128xf32, #tpu.memory_space<vmem>>) offsets(%dma_start3A_161 : memref<128xi32, #tpu.memory_space<vmem>>) semaphore(%arg39 : memref<!tpu.dma_semaphore, #tpu.memory_space<semaphore_mem>>)
    %dma_start3A_164 = arith.constant 16000 : i32
    %dma_start3A_165 = tpu.memref_slice %arg37[%dma_start3A_164] : memref<16128xf32, #tpu.memory_space<vmem>> -> memref<128xf32, #tpu.memory_space<vmem>>
    %dma_start3A_166 = arith.constant 16000 : i32
    %dma_start3A_167 = tpu.memref_slice %arg34[%dma_start3A_166] : memref<16128xi32, #tpu.memory_space<vmem>> -> memref<128xi32, #tpu.memory_space<vmem>>
    %dma_start3A_168 = arith.constant 0 : i32
    %dma_start3A_169 = tpu.memref_slice %arg32[%dma_start3A_168] : memref<1000000xf32, #tpu.memory_space<hbm>> -> memref<1000000xf32, #tpu.memory_space<hbm>>
    tpu.enqueue_indirect_dma source(%dma_start3A_169 : memref<1000000xf32, #tpu.memory_space<hbm>>) target(%dma_start3A_165 : memref<128xf32, #tpu.memory_space<vmem>>) offsets(%dma_start3A_167 : memref<128xi32, #tpu.memory_space<vmem>>) semaphore(%arg39 : memref<!tpu.dma_semaphore, #tpu.memory_space<semaphore_mem>>)
    %dma_wait3A = arith.constant 0 : i32
    %dma_wait3A_170 = tpu.memref_slice %arg37[%dma_wait3A] : memref<16128xf32, #tpu.memory_space<vmem>> -> memref<6400xf32, #tpu.memory_space<vmem>>
    %dma_wait3A_171 = arith.constant 0 : i32
    %dma_wait3A_172 = tpu.memref_slice %arg34[%dma_wait3A_171] : memref<16128xi32, #tpu.memory_space<vmem>> -> memref<6400xi32, #tpu.memory_space<vmem>>
    %dma_wait3A_173 = arith.constant 0 : i32
    %dma_wait3A_174 = tpu.memref_slice %arg5[%dma_wait3A_173] : memref<100000xf32, #tpu.memory_space<hbm>> -> memref<100000xf32, #tpu.memory_space<hbm>>
    tpu.wait_indirect_dma semaphore(%arg39 : memref<!tpu.dma_semaphore, #tpu.memory_space<semaphore_mem>>) src(%dma_wait3A_174 : memref<100000xf32, #tpu.memory_space<hbm>>) dst(%dma_wait3A_170 : memref<6400xf32, #tpu.memory_space<vmem>>)
    %dma_wait3A_175 = arith.constant 6400 : i32
    %dma_wait3A_176 = tpu.memref_slice %arg37[%dma_wait3A_175] : memref<16128xf32, #tpu.memory_space<vmem>> -> memref<6400xf32, #tpu.memory_space<vmem>>
    %dma_wait3A_177 = arith.constant 6400 : i32
    %dma_wait3A_178 = tpu.memref_slice %arg34[%dma_wait3A_177] : memref<16128xi32, #tpu.memory_space<vmem>> -> memref<6400xi32, #tpu.memory_space<vmem>>
    %dma_wait3A_179 = arith.constant 0 : i32
    %dma_wait3A_180 = tpu.memref_slice %arg6[%dma_wait3A_179] : memref<100000xf32, #tpu.memory_space<hbm>> -> memref<100000xf32, #tpu.memory_space<hbm>>
    tpu.wait_indirect_dma semaphore(%arg39 : memref<!tpu.dma_semaphore, #tpu.memory_space<semaphore_mem>>) src(%dma_wait3A_180 : memref<100000xf32, #tpu.memory_space<hbm>>) dst(%dma_wait3A_176 : memref<6400xf32, #tpu.memory_space<vmem>>)
    %dma_wait3A_181 = arith.constant 12800 : i32
    %dma_wait3A_182 = tpu.memref_slice %arg37[%dma_wait3A_181] : memref<16128xf32, #tpu.memory_space<vmem>> -> memref<128xf32, #tpu.memory_space<vmem>>
    %dma_wait3A_183 = arith.constant 12800 : i32
    %dma_wait3A_184 = tpu.memref_slice %arg34[%dma_wait3A_183] : memref<16128xi32, #tpu.memory_space<vmem>> -> memref<128xi32, #tpu.memory_space<vmem>>
    %dma_wait3A_185 = arith.constant 0 : i32
    %dma_wait3A_186 = tpu.memref_slice %arg7[%dma_wait3A_185] : memref<100000xf32, #tpu.memory_space<hbm>> -> memref<100000xf32, #tpu.memory_space<hbm>>
    tpu.wait_indirect_dma semaphore(%arg39 : memref<!tpu.dma_semaphore, #tpu.memory_space<semaphore_mem>>) src(%dma_wait3A_186 : memref<100000xf32, #tpu.memory_space<hbm>>) dst(%dma_wait3A_182 : memref<128xf32, #tpu.memory_space<vmem>>)
    %dma_wait3A_187 = arith.constant 12928 : i32
    %dma_wait3A_188 = tpu.memref_slice %arg37[%dma_wait3A_187] : memref<16128xf32, #tpu.memory_space<vmem>> -> memref<128xf32, #tpu.memory_space<vmem>>
    %dma_wait3A_189 = arith.constant 12928 : i32
    %dma_wait3A_190 = tpu.memref_slice %arg34[%dma_wait3A_189] : memref<16128xi32, #tpu.memory_space<vmem>> -> memref<128xi32, #tpu.memory_space<vmem>>
    %dma_wait3A_191 = arith.constant 0 : i32
    %dma_wait3A_192 = tpu.memref_slice %arg8[%dma_wait3A_191] : memref<100000xf32, #tpu.memory_space<hbm>> -> memref<100000xf32, #tpu.memory_space<hbm>>
    tpu.wait_indirect_dma semaphore(%arg39 : memref<!tpu.dma_semaphore, #tpu.memory_space<semaphore_mem>>) src(%dma_wait3A_192 : memref<100000xf32, #tpu.memory_space<hbm>>) dst(%dma_wait3A_188 : memref<128xf32, #tpu.memory_space<vmem>>)
    %dma_wait3A_193 = arith.constant 13056 : i32
    %dma_wait3A_194 = tpu.memref_slice %arg37[%dma_wait3A_193] : memref<16128xf32, #tpu.memory_space<vmem>> -> memref<128xf32, #tpu.memory_space<vmem>>
    %dma_wait3A_195 = arith.constant 13056 : i32
    %dma_wait3A_196 = tpu.memref_slice %arg34[%dma_wait3A_195] : memref<16128xi32, #tpu.memory_space<vmem>> -> memref<128xi32, #tpu.memory_space<vmem>>
    %dma_wait3A_197 = arith.constant 0 : i32
    %dma_wait3A_198 = tpu.memref_slice %arg9[%dma_wait3A_197] : memref<100000xf32, #tpu.memory_space<hbm>> -> memref<100000xf32, #tpu.memory_space<hbm>>
    tpu.wait_indirect_dma semaphore(%arg39 : memref<!tpu.dma_semaphore, #tpu.memory_space<semaphore_mem>>) src(%dma_wait3A_198 : memref<100000xf32, #tpu.memory_space<hbm>>) dst(%dma_wait3A_194 : memref<128xf32, #tpu.memory_space<vmem>>)
    %dma_wait3A_199 = arith.constant 13184 : i32
    %dma_wait3A_200 = tpu.memref_slice %arg37[%dma_wait3A_199] : memref<16128xf32, #tpu.memory_space<vmem>> -> memref<128xf32, #tpu.memory_space<vmem>>
    %dma_wait3A_201 = arith.constant 13184 : i32
    %dma_wait3A_202 = tpu.memref_slice %arg34[%dma_wait3A_201] : memref<16128xi32, #tpu.memory_space<vmem>> -> memref<128xi32, #tpu.memory_space<vmem>>
    %dma_wait3A_203 = arith.constant 0 : i32
    %dma_wait3A_204 = tpu.memref_slice %arg10[%dma_wait3A_203] : memref<100000xf32, #tpu.memory_space<hbm>> -> memref<100000xf32, #tpu.memory_space<hbm>>
    tpu.wait_indirect_dma semaphore(%arg39 : memref<!tpu.dma_semaphore, #tpu.memory_space<semaphore_mem>>) src(%dma_wait3A_204 : memref<100000xf32, #tpu.memory_space<hbm>>) dst(%dma_wait3A_200 : memref<128xf32, #tpu.memory_space<vmem>>)
    %dma_wait3A_205 = arith.constant 13312 : i32
    %dma_wait3A_206 = tpu.memref_slice %arg37[%dma_wait3A_205] : memref<16128xf32, #tpu.memory_space<vmem>> -> memref<128xf32, #tpu.memory_space<vmem>>
    %dma_wait3A_207 = arith.constant 13312 : i32
    %dma_wait3A_208 = tpu.memref_slice %arg34[%dma_wait3A_207] : memref<16128xi32, #tpu.memory_space<vmem>> -> memref<128xi32, #tpu.memory_space<vmem>>
    %dma_wait3A_209 = arith.constant 0 : i32
    %dma_wait3A_210 = tpu.memref_slice %arg11[%dma_wait3A_209] : memref<100000xf32, #tpu.memory_space<hbm>> -> memref<100000xf32, #tpu.memory_space<hbm>>
    tpu.wait_indirect_dma semaphore(%arg39 : memref<!tpu.dma_semaphore, #tpu.memory_space<semaphore_mem>>) src(%dma_wait3A_210 : memref<100000xf32, #tpu.memory_space<hbm>>) dst(%dma_wait3A_206 : memref<128xf32, #tpu.memory_space<vmem>>)
    %dma_wait3A_211 = arith.constant 13440 : i32
    %dma_wait3A_212 = tpu.memref_slice %arg37[%dma_wait3A_211] : memref<16128xf32, #tpu.memory_space<vmem>> -> memref<128xf32, #tpu.memory_space<vmem>>
    %dma_wait3A_213 = arith.constant 13440 : i32
    %dma_wait3A_214 = tpu.memref_slice %arg34[%dma_wait3A_213] : memref<16128xi32, #tpu.memory_space<vmem>> -> memref<128xi32, #tpu.memory_space<vmem>>
    %dma_wait3A_215 = arith.constant 0 : i32
    %dma_wait3A_216 = tpu.memref_slice %arg12[%dma_wait3A_215] : memref<100000xf32, #tpu.memory_space<hbm>> -> memref<100000xf32, #tpu.memory_space<hbm>>
    tpu.wait_indirect_dma semaphore(%arg39 : memref<!tpu.dma_semaphore, #tpu.memory_space<semaphore_mem>>) src(%dma_wait3A_216 : memref<100000xf32, #tpu.memory_space<hbm>>) dst(%dma_wait3A_212 : memref<128xf32, #tpu.memory_space<vmem>>)
    %dma_wait3A_217 = arith.constant 13568 : i32
    %dma_wait3A_218 = tpu.memref_slice %arg37[%dma_wait3A_217] : memref<16128xf32, #tpu.memory_space<vmem>> -> memref<128xf32, #tpu.memory_space<vmem>>
    %dma_wait3A_219 = arith.constant 13568 : i32
    %dma_wait3A_220 = tpu.memref_slice %arg34[%dma_wait3A_219] : memref<16128xi32, #tpu.memory_space<vmem>> -> memref<128xi32, #tpu.memory_space<vmem>>
    %dma_wait3A_221 = arith.constant 0 : i32
    %dma_wait3A_222 = tpu.memref_slice %arg13[%dma_wait3A_221] : memref<100000xf32, #tpu.memory_space<hbm>> -> memref<100000xf32, #tpu.memory_space<hbm>>
    tpu.wait_indirect_dma semaphore(%arg39 : memref<!tpu.dma_semaphore, #tpu.memory_space<semaphore_mem>>) src(%dma_wait3A_222 : memref<100000xf32, #tpu.memory_space<hbm>>) dst(%dma_wait3A_218 : memref<128xf32, #tpu.memory_space<vmem>>)
    %dma_wait3A_223 = arith.constant 13696 : i32
    %dma_wait3A_224 = tpu.memref_slice %arg37[%dma_wait3A_223] : memref<16128xf32, #tpu.memory_space<vmem>> -> memref<128xf32, #tpu.memory_space<vmem>>
    %dma_wait3A_225 = arith.constant 13696 : i32
    %dma_wait3A_226 = tpu.memref_slice %arg34[%dma_wait3A_225] : memref<16128xi32, #tpu.memory_space<vmem>> -> memref<128xi32, #tpu.memory_space<vmem>>
    %dma_wait3A_227 = arith.constant 0 : i32
    %dma_wait3A_228 = tpu.memref_slice %arg14[%dma_wait3A_227] : memref<100000xf32, #tpu.memory_space<hbm>> -> memref<100000xf32, #tpu.memory_space<hbm>>
    tpu.wait_indirect_dma semaphore(%arg39 : memref<!tpu.dma_semaphore, #tpu.memory_space<semaphore_mem>>) src(%dma_wait3A_228 : memref<100000xf32, #tpu.memory_space<hbm>>) dst(%dma_wait3A_224 : memref<128xf32, #tpu.memory_space<vmem>>)
    %dma_wait3A_229 = arith.constant 13824 : i32
    %dma_wait3A_230 = tpu.memref_slice %arg37[%dma_wait3A_229] : memref<16128xf32, #tpu.memory_space<vmem>> -> memref<128xf32, #tpu.memory_space<vmem>>
    %dma_wait3A_231 = arith.constant 13824 : i32
    %dma_wait3A_232 = tpu.memref_slice %arg34[%dma_wait3A_231] : memref<16128xi32, #tpu.memory_space<vmem>> -> memref<128xi32, #tpu.memory_space<vmem>>
    %dma_wait3A_233 = arith.constant 0 : i32
    %dma_wait3A_234 = tpu.memref_slice %arg15[%dma_wait3A_233] : memref<100000xf32, #tpu.memory_space<hbm>> -> memref<100000xf32, #tpu.memory_space<hbm>>
    tpu.wait_indirect_dma semaphore(%arg39 : memref<!tpu.dma_semaphore, #tpu.memory_space<semaphore_mem>>) src(%dma_wait3A_234 : memref<100000xf32, #tpu.memory_space<hbm>>) dst(%dma_wait3A_230 : memref<128xf32, #tpu.memory_space<vmem>>)
    %dma_wait3A_235 = arith.constant 13952 : i32
    %dma_wait3A_236 = tpu.memref_slice %arg37[%dma_wait3A_235] : memref<16128xf32, #tpu.memory_space<vmem>> -> memref<128xf32, #tpu.memory_space<vmem>>
    %dma_wait3A_237 = arith.constant 13952 : i32
    %dma_wait3A_238 = tpu.memref_slice %arg34[%dma_wait3A_237] : memref<16128xi32, #tpu.memory_space<vmem>> -> memref<128xi32, #tpu.memory_space<vmem>>
    %dma_wait3A_239 = arith.constant 0 : i32
    %dma_wait3A_240 = tpu.memref_slice %arg16[%dma_wait3A_239] : memref<100000xf32, #tpu.memory_space<hbm>> -> memref<100000xf32, #tpu.memory_space<hbm>>
    tpu.wait_indirect_dma semaphore(%arg39 : memref<!tpu.dma_semaphore, #tpu.memory_space<semaphore_mem>>) src(%dma_wait3A_240 : memref<100000xf32, #tpu.memory_space<hbm>>) dst(%dma_wait3A_236 : memref<128xf32, #tpu.memory_space<vmem>>)
    %dma_wait3A_241 = arith.constant 14080 : i32
    %dma_wait3A_242 = tpu.memref_slice %arg37[%dma_wait3A_241] : memref<16128xf32, #tpu.memory_space<vmem>> -> memref<128xf32, #tpu.memory_space<vmem>>
    %dma_wait3A_243 = arith.constant 14080 : i32
    %dma_wait3A_244 = tpu.memref_slice %arg34[%dma_wait3A_243] : memref<16128xi32, #tpu.memory_space<vmem>> -> memref<128xi32, #tpu.memory_space<vmem>>
    %dma_wait3A_245 = arith.constant 0 : i32
    %dma_wait3A_246 = tpu.memref_slice %arg17[%dma_wait3A_245] : memref<100000xf32, #tpu.memory_space<hbm>> -> memref<100000xf32, #tpu.memory_space<hbm>>
    tpu.wait_indirect_dma semaphore(%arg39 : memref<!tpu.dma_semaphore, #tpu.memory_space<semaphore_mem>>) src(%dma_wait3A_246 : memref<100000xf32, #tpu.memory_space<hbm>>) dst(%dma_wait3A_242 : memref<128xf32, #tpu.memory_space<vmem>>)
    %dma_wait3A_247 = arith.constant 14208 : i32
    %dma_wait3A_248 = tpu.memref_slice %arg37[%dma_wait3A_247] : memref<16128xf32, #tpu.memory_space<vmem>> -> memref<128xf32, #tpu.memory_space<vmem>>
    %dma_wait3A_249 = arith.constant 14208 : i32
    %dma_wait3A_250 = tpu.memref_slice %arg34[%dma_wait3A_249] : memref<16128xi32, #tpu.memory_space<vmem>> -> memref<128xi32, #tpu.memory_space<vmem>>
    %dma_wait3A_251 = arith.constant 0 : i32
    %dma_wait3A_252 = tpu.memref_slice %arg18[%dma_wait3A_251] : memref<100000xf32, #tpu.memory_space<hbm>> -> memref<100000xf32, #tpu.memory_space<hbm>>
    tpu.wait_indirect_dma semaphore(%arg39 : memref<!tpu.dma_semaphore, #tpu.memory_space<semaphore_mem>>) src(%dma_wait3A_252 : memref<100000xf32, #tpu.memory_space<hbm>>) dst(%dma_wait3A_248 : memref<128xf32, #tpu.memory_space<vmem>>)
    %dma_wait3A_253 = arith.constant 14336 : i32
    %dma_wait3A_254 = tpu.memref_slice %arg37[%dma_wait3A_253] : memref<16128xf32, #tpu.memory_space<vmem>> -> memref<128xf32, #tpu.memory_space<vmem>>
    %dma_wait3A_255 = arith.constant 14336 : i32
    %dma_wait3A_256 = tpu.memref_slice %arg34[%dma_wait3A_255] : memref<16128xi32, #tpu.memory_space<vmem>> -> memref<128xi32, #tpu.memory_space<vmem>>
    %dma_wait3A_257 = arith.constant 0 : i32
    %dma_wait3A_258 = tpu.memref_slice %arg19[%dma_wait3A_257] : memref<100000xf32, #tpu.memory_space<hbm>> -> memref<100000xf32, #tpu.memory_space<hbm>>
    tpu.wait_indirect_dma semaphore(%arg39 : memref<!tpu.dma_semaphore, #tpu.memory_space<semaphore_mem>>) src(%dma_wait3A_258 : memref<100000xf32, #tpu.memory_space<hbm>>) dst(%dma_wait3A_254 : memref<128xf32, #tpu.memory_space<vmem>>)
    %dma_wait3A_259 = arith.constant 14464 : i32
    %dma_wait3A_260 = tpu.memref_slice %arg37[%dma_wait3A_259] : memref<16128xf32, #tpu.memory_space<vmem>> -> memref<128xf32, #tpu.memory_space<vmem>>
    %dma_wait3A_261 = arith.constant 14464 : i32
    %dma_wait3A_262 = tpu.memref_slice %arg34[%dma_wait3A_261] : memref<16128xi32, #tpu.memory_space<vmem>> -> memref<128xi32, #tpu.memory_space<vmem>>
    %dma_wait3A_263 = arith.constant 0 : i32
    %dma_wait3A_264 = tpu.memref_slice %arg20[%dma_wait3A_263] : memref<100000xf32, #tpu.memory_space<hbm>> -> memref<100000xf32, #tpu.memory_space<hbm>>
    tpu.wait_indirect_dma semaphore(%arg39 : memref<!tpu.dma_semaphore, #tpu.memory_space<semaphore_mem>>) src(%dma_wait3A_264 : memref<100000xf32, #tpu.memory_space<hbm>>) dst(%dma_wait3A_260 : memref<128xf32, #tpu.memory_space<vmem>>)
    %dma_wait3A_265 = arith.constant 14592 : i32
    %dma_wait3A_266 = tpu.memref_slice %arg37[%dma_wait3A_265] : memref<16128xf32, #tpu.memory_space<vmem>> -> memref<128xf32, #tpu.memory_space<vmem>>
    %dma_wait3A_267 = arith.constant 14592 : i32
    %dma_wait3A_268 = tpu.memref_slice %arg34[%dma_wait3A_267] : memref<16128xi32, #tpu.memory_space<vmem>> -> memref<128xi32, #tpu.memory_space<vmem>>
    %dma_wait3A_269 = arith.constant 0 : i32
    %dma_wait3A_270 = tpu.memref_slice %arg21[%dma_wait3A_269] : memref<100000xf32, #tpu.memory_space<hbm>> -> memref<100000xf32, #tpu.memory_space<hbm>>
    tpu.wait_indirect_dma semaphore(%arg39 : memref<!tpu.dma_semaphore, #tpu.memory_space<semaphore_mem>>) src(%dma_wait3A_270 : memref<100000xf32, #tpu.memory_space<hbm>>) dst(%dma_wait3A_266 : memref<128xf32, #tpu.memory_space<vmem>>)
    %dma_wait3A_271 = arith.constant 14720 : i32
    %dma_wait3A_272 = tpu.memref_slice %arg37[%dma_wait3A_271] : memref<16128xf32, #tpu.memory_space<vmem>> -> memref<128xf32, #tpu.memory_space<vmem>>
    %dma_wait3A_273 = arith.constant 14720 : i32
    %dma_wait3A_274 = tpu.memref_slice %arg34[%dma_wait3A_273] : memref<16128xi32, #tpu.memory_space<vmem>> -> memref<128xi32, #tpu.memory_space<vmem>>
    %dma_wait3A_275 = arith.constant 0 : i32
    %dma_wait3A_276 = tpu.memref_slice %arg22[%dma_wait3A_275] : memref<100000xf32, #tpu.memory_space<hbm>> -> memref<100000xf32, #tpu.memory_space<hbm>>
    tpu.wait_indirect_dma semaphore(%arg39 : memref<!tpu.dma_semaphore, #tpu.memory_space<semaphore_mem>>) src(%dma_wait3A_276 : memref<100000xf32, #tpu.memory_space<hbm>>) dst(%dma_wait3A_272 : memref<128xf32, #tpu.memory_space<vmem>>)
    %dma_wait3A_277 = arith.constant 14848 : i32
    %dma_wait3A_278 = tpu.memref_slice %arg37[%dma_wait3A_277] : memref<16128xf32, #tpu.memory_space<vmem>> -> memref<128xf32, #tpu.memory_space<vmem>>
    %dma_wait3A_279 = arith.constant 14848 : i32
    %dma_wait3A_280 = tpu.memref_slice %arg34[%dma_wait3A_279] : memref<16128xi32, #tpu.memory_space<vmem>> -> memref<128xi32, #tpu.memory_space<vmem>>
    %dma_wait3A_281 = arith.constant 0 : i32
    %dma_wait3A_282 = tpu.memref_slice %arg23[%dma_wait3A_281] : memref<100000xf32, #tpu.memory_space<hbm>> -> memref<100000xf32, #tpu.memory_space<hbm>>
    tpu.wait_indirect_dma semaphore(%arg39 : memref<!tpu.dma_semaphore, #tpu.memory_space<semaphore_mem>>) src(%dma_wait3A_282 : memref<100000xf32, #tpu.memory_space<hbm>>) dst(%dma_wait3A_278 : memref<128xf32, #tpu.memory_space<vmem>>)
    %dma_wait3A_283 = arith.constant 14976 : i32
    %dma_wait3A_284 = tpu.memref_slice %arg37[%dma_wait3A_283] : memref<16128xf32, #tpu.memory_space<vmem>> -> memref<128xf32, #tpu.memory_space<vmem>>
    %dma_wait3A_285 = arith.constant 14976 : i32
    %dma_wait3A_286 = tpu.memref_slice %arg34[%dma_wait3A_285] : memref<16128xi32, #tpu.memory_space<vmem>> -> memref<128xi32, #tpu.memory_space<vmem>>
    %dma_wait3A_287 = arith.constant 0 : i32
    %dma_wait3A_288 = tpu.memref_slice %arg24[%dma_wait3A_287] : memref<100000xf32, #tpu.memory_space<hbm>> -> memref<100000xf32, #tpu.memory_space<hbm>>
    tpu.wait_indirect_dma semaphore(%arg39 : memref<!tpu.dma_semaphore, #tpu.memory_space<semaphore_mem>>) src(%dma_wait3A_288 : memref<100000xf32, #tpu.memory_space<hbm>>) dst(%dma_wait3A_284 : memref<128xf32, #tpu.memory_space<vmem>>)
    %dma_wait3A_289 = arith.constant 15104 : i32
    %dma_wait3A_290 = tpu.memref_slice %arg37[%dma_wait3A_289] : memref<16128xf32, #tpu.memory_space<vmem>> -> memref<128xf32, #tpu.memory_space<vmem>>
    %dma_wait3A_291 = arith.constant 15104 : i32
    %dma_wait3A_292 = tpu.memref_slice %arg34[%dma_wait3A_291] : memref<16128xi32, #tpu.memory_space<vmem>> -> memref<128xi32, #tpu.memory_space<vmem>>
    %dma_wait3A_293 = arith.constant 0 : i32
    %dma_wait3A_294 = tpu.memref_slice %arg25[%dma_wait3A_293] : memref<100000xf32, #tpu.memory_space<hbm>> -> memref<100000xf32, #tpu.memory_space<hbm>>
    tpu.wait_indirect_dma semaphore(%arg39 : memref<!tpu.dma_semaphore, #tpu.memory_space<semaphore_mem>>) src(%dma_wait3A_294 : memref<100000xf32, #tpu.memory_space<hbm>>) dst(%dma_wait3A_290 : memref<128xf32, #tpu.memory_space<vmem>>)
    %dma_wait3A_295 = arith.constant 15232 : i32
    %dma_wait3A_296 = tpu.memref_slice %arg37[%dma_wait3A_295] : memref<16128xf32, #tpu.memory_space<vmem>> -> memref<128xf32, #tpu.memory_space<vmem>>
    %dma_wait3A_297 = arith.constant 15232 : i32
    %dma_wait3A_298 = tpu.memref_slice %arg34[%dma_wait3A_297] : memref<16128xi32, #tpu.memory_space<vmem>> -> memref<128xi32, #tpu.memory_space<vmem>>
    %dma_wait3A_299 = arith.constant 0 : i32
    %dma_wait3A_300 = tpu.memref_slice %arg26[%dma_wait3A_299] : memref<100000xf32, #tpu.memory_space<hbm>> -> memref<100000xf32, #tpu.memory_space<hbm>>
    tpu.wait_indirect_dma semaphore(%arg39 : memref<!tpu.dma_semaphore, #tpu.memory_space<semaphore_mem>>) src(%dma_wait3A_300 : memref<100000xf32, #tpu.memory_space<hbm>>) dst(%dma_wait3A_296 : memref<128xf32, #tpu.memory_space<vmem>>)
    %dma_wait3A_301 = arith.constant 15360 : i32
    %dma_wait3A_302 = tpu.memref_slice %arg37[%dma_wait3A_301] : memref<16128xf32, #tpu.memory_space<vmem>> -> memref<128xf32, #tpu.memory_space<vmem>>
    %dma_wait3A_303 = arith.constant 15360 : i32
    %dma_wait3A_304 = tpu.memref_slice %arg34[%dma_wait3A_303] : memref<16128xi32, #tpu.memory_space<vmem>> -> memref<128xi32, #tpu.memory_space<vmem>>
    %dma_wait3A_305 = arith.constant 0 : i32
    %dma_wait3A_306 = tpu.memref_slice %arg27[%dma_wait3A_305] : memref<100000xf32, #tpu.memory_space<hbm>> -> memref<100000xf32, #tpu.memory_space<hbm>>
    tpu.wait_indirect_dma semaphore(%arg39 : memref<!tpu.dma_semaphore, #tpu.memory_space<semaphore_mem>>) src(%dma_wait3A_306 : memref<100000xf32, #tpu.memory_space<hbm>>) dst(%dma_wait3A_302 : memref<128xf32, #tpu.memory_space<vmem>>)
    %dma_wait3A_307 = arith.constant 15488 : i32
    %dma_wait3A_308 = tpu.memref_slice %arg37[%dma_wait3A_307] : memref<16128xf32, #tpu.memory_space<vmem>> -> memref<128xf32, #tpu.memory_space<vmem>>
    %dma_wait3A_309 = arith.constant 15488 : i32
    %dma_wait3A_310 = tpu.memref_slice %arg34[%dma_wait3A_309] : memref<16128xi32, #tpu.memory_space<vmem>> -> memref<128xi32, #tpu.memory_space<vmem>>
    %dma_wait3A_311 = arith.constant 0 : i32
    %dma_wait3A_312 = tpu.memref_slice %arg28[%dma_wait3A_311] : memref<100000xf32, #tpu.memory_space<hbm>> -> memref<100000xf32, #tpu.memory_space<hbm>>
    tpu.wait_indirect_dma semaphore(%arg39 : memref<!tpu.dma_semaphore, #tpu.memory_space<semaphore_mem>>) src(%dma_wait3A_312 : memref<100000xf32, #tpu.memory_space<hbm>>) dst(%dma_wait3A_308 : memref<128xf32, #tpu.memory_space<vmem>>)
    %dma_wait3A_313 = arith.constant 15616 : i32
    %dma_wait3A_314 = tpu.memref_slice %arg37[%dma_wait3A_313] : memref<16128xf32, #tpu.memory_space<vmem>> -> memref<128xf32, #tpu.memory_space<vmem>>
    %dma_wait3A_315 = arith.constant 15616 : i32
    %dma_wait3A_316 = tpu.memref_slice %arg34[%dma_wait3A_315] : memref<16128xi32, #tpu.memory_space<vmem>> -> memref<128xi32, #tpu.memory_space<vmem>>
    %dma_wait3A_317 = arith.constant 0 : i32
    %dma_wait3A_318 = tpu.memref_slice %arg29[%dma_wait3A_317] : memref<100000xf32, #tpu.memory_space<hbm>> -> memref<100000xf32, #tpu.memory_space<hbm>>
    tpu.wait_indirect_dma semaphore(%arg39 : memref<!tpu.dma_semaphore, #tpu.memory_space<semaphore_mem>>) src(%dma_wait3A_318 : memref<100000xf32, #tpu.memory_space<hbm>>) dst(%dma_wait3A_314 : memref<128xf32, #tpu.memory_space<vmem>>)
    %dma_wait3A_319 = arith.constant 15744 : i32
    %dma_wait3A_320 = tpu.memref_slice %arg37[%dma_wait3A_319] : memref<16128xf32, #tpu.memory_space<vmem>> -> memref<128xf32, #tpu.memory_space<vmem>>
    %dma_wait3A_321 = arith.constant 15744 : i32
    %dma_wait3A_322 = tpu.memref_slice %arg34[%dma_wait3A_321] : memref<16128xi32, #tpu.memory_space<vmem>> -> memref<128xi32, #tpu.memory_space<vmem>>
    %dma_wait3A_323 = arith.constant 0 : i32
    %dma_wait3A_324 = tpu.memref_slice %arg30[%dma_wait3A_323] : memref<100000xf32, #tpu.memory_space<hbm>> -> memref<100000xf32, #tpu.memory_space<hbm>>
    tpu.wait_indirect_dma semaphore(%arg39 : memref<!tpu.dma_semaphore, #tpu.memory_space<semaphore_mem>>) src(%dma_wait3A_324 : memref<100000xf32, #tpu.memory_space<hbm>>) dst(%dma_wait3A_320 : memref<128xf32, #tpu.memory_space<vmem>>)
    %dma_wait3A_325 = arith.constant 15872 : i32
    %dma_wait3A_326 = tpu.memref_slice %arg37[%dma_wait3A_325] : memref<16128xf32, #tpu.memory_space<vmem>> -> memref<128xf32, #tpu.memory_space<vmem>>
    %dma_wait3A_327 = arith.constant 15872 : i32
    %dma_wait3A_328 = tpu.memref_slice %arg34[%dma_wait3A_327] : memref<16128xi32, #tpu.memory_space<vmem>> -> memref<128xi32, #tpu.memory_space<vmem>>
    %dma_wait3A_329 = arith.constant 0 : i32
    %dma_wait3A_330 = tpu.memref_slice %arg31[%dma_wait3A_329] : memref<1000000xf32, #tpu.memory_space<hbm>> -> memref<1000000xf32, #tpu.memory_space<hbm>>
    tpu.wait_indirect_dma semaphore(%arg39 : memref<!tpu.dma_semaphore, #tpu.memory_space<semaphore_mem>>) src(%dma_wait3A_330 : memref<1000000xf32, #tpu.memory_space<hbm>>) dst(%dma_wait3A_326 : memref<128xf32, #tpu.memory_space<vmem>>)
    %dma_wait3A_331 = arith.constant 16000 : i32
    %dma_wait3A_332 = tpu.memref_slice %arg37[%dma_wait3A_331] : memref<16128xf32, #tpu.memory_space<vmem>> -> memref<128xf32, #tpu.memory_space<vmem>>
    %dma_wait3A_333 = arith.constant 16000 : i32
    %dma_wait3A_334 = tpu.memref_slice %arg34[%dma_wait3A_333] : memref<16128xi32, #tpu.memory_space<vmem>> -> memref<128xi32, #tpu.memory_space<vmem>>
    %dma_wait3A_335 = arith.constant 0 : i32
    %dma_wait3A_336 = tpu.memref_slice %arg32[%dma_wait3A_335] : memref<1000000xf32, #tpu.memory_space<hbm>> -> memref<1000000xf32, #tpu.memory_space<hbm>>
    tpu.wait_indirect_dma semaphore(%arg39 : memref<!tpu.dma_semaphore, #tpu.memory_space<semaphore_mem>>) src(%dma_wait3A_336 : memref<1000000xf32, #tpu.memory_space<hbm>>) dst(%dma_wait3A_332 : memref<128xf32, #tpu.memory_space<vmem>>)
    %get3A = arith.constant 13 : i32
    %get3A_337 = arith.index_cast %get3A : i32 to index
    %get3A_338 = arith.constant 0 : index
    %get3A_339 = tpu.vector_load %arg36[%get3A_337, %get3A_338] {strides = array<i32>} : memref<14x16xf32, #tpu.memory_space<vmem>>, vector<1x16xf32>,
    %get3A_340 = vector.shape_cast %get3A_339 : vector<1x16xf32> to vector<16xf32>
    %get3A_341 = arith.constant 0 : i32
    %get3A_342 = arith.index_cast %get3A_341 : i32 to index
    %get3A_343 = arith.constant 0 : index
    %get3A_344 = tpu.vector_load %arg35[%get3A_342, %get3A_343] {strides = array<i32>} : memref<13x128xf32, #tpu.memory_space<vmem>>, vector<1x16xf32>,
    %get3A_345 = vector.shape_cast %get3A_344 : vector<1x16xf32> to vector<16xf32>
    %get3A_346 = arith.constant 0 : i32
    %get3A_347 = arith.index_cast %get3A_346 : i32 to index
    %get3A_348 = arith.constant 0 : index
    %get3A_349 = tpu.vector_load %arg36[%get3A_347, %get3A_348] {strides = array<i32>} : memref<14x16xf32, #tpu.memory_space<vmem>>, vector<1x16xf32>,
    %get3A_350 = vector.shape_cast %get3A_349 : vector<1x16xf32> to vector<16xf32>
    %mul3A_351 = arith.mulf %get3A_345, %get3A_350 : vector<16xf32>
    %add3A_352 = arith.addf %get3A_340, %mul3A_351 : vector<16xf32>
    %get3A_353 = arith.constant 1 : i32
    %get3A_354 = arith.index_cast %get3A_353 : i32 to index
    %get3A_355 = arith.constant 0 : index
    %get3A_356 = tpu.vector_load %arg35[%get3A_354, %get3A_355] {strides = array<i32>} : memref<13x128xf32, #tpu.memory_space<vmem>>, vector<1x16xf32>,
    %get3A_357 = vector.shape_cast %get3A_356 : vector<1x16xf32> to vector<16xf32>
    %get3A_358 = arith.constant 1 : i32
    %get3A_359 = arith.index_cast %get3A_358 : i32 to index
    %get3A_360 = arith.constant 0 : index
    %get3A_361 = tpu.vector_load %arg36[%get3A_359, %get3A_360] {strides = array<i32>} : memref<14x16xf32, #tpu.memory_space<vmem>>, vector<1x16xf32>,
    %get3A_362 = vector.shape_cast %get3A_361 : vector<1x16xf32> to vector<16xf32>
    %mul3A_363 = arith.mulf %get3A_357, %get3A_362 : vector<16xf32>
    %add3A_364 = arith.addf %add3A_352, %mul3A_363 : vector<16xf32>
    %get3A_365 = arith.constant 2 : i32
    %get3A_366 = arith.index_cast %get3A_365 : i32 to index
    %get3A_367 = arith.constant 0 : index
    %get3A_368 = tpu.vector_load %arg35[%get3A_366, %get3A_367] {strides = array<i32>} : memref<13x128xf32, #tpu.memory_space<vmem>>, vector<1x16xf32>,
    %get3A_369 = vector.shape_cast %get3A_368 : vector<1x16xf32> to vector<16xf32>
    %get3A_370 = arith.constant 2 : i32
    %get3A_371 = arith.index_cast %get3A_370 : i32 to index
    %get3A_372 = arith.constant 0 : index
    %get3A_373 = tpu.vector_load %arg36[%get3A_371, %get3A_372] {strides = array<i32>} : memref<14x16xf32, #tpu.memory_space<vmem>>, vector<1x16xf32>,
    %get3A_374 = vector.shape_cast %get3A_373 : vector<1x16xf32> to vector<16xf32>
    %mul3A_375 = arith.mulf %get3A_369, %get3A_374 : vector<16xf32>
    %add3A_376 = arith.addf %add3A_364, %mul3A_375 : vector<16xf32>
    %get3A_377 = arith.constant 3 : i32
    %get3A_378 = arith.index_cast %get3A_377 : i32 to index
    %get3A_379 = arith.constant 0 : index
    %get3A_380 = tpu.vector_load %arg35[%get3A_378, %get3A_379] {strides = array<i32>} : memref<13x128xf32, #tpu.memory_space<vmem>>, vector<1x16xf32>,
    %get3A_381 = vector.shape_cast %get3A_380 : vector<1x16xf32> to vector<16xf32>
    %get3A_382 = arith.constant 3 : i32
    %get3A_383 = arith.index_cast %get3A_382 : i32 to index
    %get3A_384 = arith.constant 0 : index
    %get3A_385 = tpu.vector_load %arg36[%get3A_383, %get3A_384] {strides = array<i32>} : memref<14x16xf32, #tpu.memory_space<vmem>>, vector<1x16xf32>,
    %get3A_386 = vector.shape_cast %get3A_385 : vector<1x16xf32> to vector<16xf32>
    %mul3A_387 = arith.mulf %get3A_381, %get3A_386 : vector<16xf32>
    %add3A_388 = arith.addf %add3A_376, %mul3A_387 : vector<16xf32>
    %get3A_389 = arith.constant 4 : i32
    %get3A_390 = arith.index_cast %get3A_389 : i32 to index
    %get3A_391 = arith.constant 0 : index
    %get3A_392 = tpu.vector_load %arg35[%get3A_390, %get3A_391] {strides = array<i32>} : memref<13x128xf32, #tpu.memory_space<vmem>>, vector<1x16xf32>,
    %get3A_393 = vector.shape_cast %get3A_392 : vector<1x16xf32> to vector<16xf32>
    %get3A_394 = arith.constant 4 : i32
    %get3A_395 = arith.index_cast %get3A_394 : i32 to index
    %get3A_396 = arith.constant 0 : index
    %get3A_397 = tpu.vector_load %arg36[%get3A_395, %get3A_396] {strides = array<i32>} : memref<14x16xf32, #tpu.memory_space<vmem>>, vector<1x16xf32>,
    %get3A_398 = vector.shape_cast %get3A_397 : vector<1x16xf32> to vector<16xf32>
    %mul3A_399 = arith.mulf %get3A_393, %get3A_398 : vector<16xf32>
    %add3A_400 = arith.addf %add3A_388, %mul3A_399 : vector<16xf32>
    %get3A_401 = arith.constant 5 : i32
    %get3A_402 = arith.index_cast %get3A_401 : i32 to index
    %get3A_403 = arith.constant 0 : index
    %get3A_404 = tpu.vector_load %arg35[%get3A_402, %get3A_403] {strides = array<i32>} : memref<13x128xf32, #tpu.memory_space<vmem>>, vector<1x16xf32>,
    %get3A_405 = vector.shape_cast %get3A_404 : vector<1x16xf32> to vector<16xf32>
    %get3A_406 = arith.constant 5 : i32
    %get3A_407 = arith.index_cast %get3A_406 : i32 to index
    %get3A_408 = arith.constant 0 : index
    %get3A_409 = tpu.vector_load %arg36[%get3A_407, %get3A_408] {strides = array<i32>} : memref<14x16xf32, #tpu.memory_space<vmem>>, vector<1x16xf32>,
    %get3A_410 = vector.shape_cast %get3A_409 : vector<1x16xf32> to vector<16xf32>
    %mul3A_411 = arith.mulf %get3A_405, %get3A_410 : vector<16xf32>
    %add3A_412 = arith.addf %add3A_400, %mul3A_411 : vector<16xf32>
    %get3A_413 = arith.constant 6 : i32
    %get3A_414 = arith.index_cast %get3A_413 : i32 to index
    %get3A_415 = arith.constant 0 : index
    %get3A_416 = tpu.vector_load %arg35[%get3A_414, %get3A_415] {strides = array<i32>} : memref<13x128xf32, #tpu.memory_space<vmem>>, vector<1x16xf32>,
    %get3A_417 = vector.shape_cast %get3A_416 : vector<1x16xf32> to vector<16xf32>
    %get3A_418 = arith.constant 6 : i32
    %get3A_419 = arith.index_cast %get3A_418 : i32 to index
    %get3A_420 = arith.constant 0 : index
    %get3A_421 = tpu.vector_load %arg36[%get3A_419, %get3A_420] {strides = array<i32>} : memref<14x16xf32, #tpu.memory_space<vmem>>, vector<1x16xf32>,
    %get3A_422 = vector.shape_cast %get3A_421 : vector<1x16xf32> to vector<16xf32>
    %mul3A_423 = arith.mulf %get3A_417, %get3A_422 : vector<16xf32>
    %add3A_424 = arith.addf %add3A_412, %mul3A_423 : vector<16xf32>
    %get3A_425 = arith.constant 7 : i32
    %get3A_426 = arith.index_cast %get3A_425 : i32 to index
    %get3A_427 = arith.constant 0 : index
    %get3A_428 = tpu.vector_load %arg35[%get3A_426, %get3A_427] {strides = array<i32>} : memref<13x128xf32, #tpu.memory_space<vmem>>, vector<1x16xf32>,
    %get3A_429 = vector.shape_cast %get3A_428 : vector<1x16xf32> to vector<16xf32>
    %get3A_430 = arith.constant 7 : i32
    %get3A_431 = arith.index_cast %get3A_430 : i32 to index
    %get3A_432 = arith.constant 0 : index
    %get3A_433 = tpu.vector_load %arg36[%get3A_431, %get3A_432] {strides = array<i32>} : memref<14x16xf32, #tpu.memory_space<vmem>>, vector<1x16xf32>,
    %get3A_434 = vector.shape_cast %get3A_433 : vector<1x16xf32> to vector<16xf32>
    %mul3A_435 = arith.mulf %get3A_429, %get3A_434 : vector<16xf32>
    %add3A_436 = arith.addf %add3A_424, %mul3A_435 : vector<16xf32>
    %get3A_437 = arith.constant 8 : i32
    %get3A_438 = arith.index_cast %get3A_437 : i32 to index
    %get3A_439 = arith.constant 0 : index
    %get3A_440 = tpu.vector_load %arg35[%get3A_438, %get3A_439] {strides = array<i32>} : memref<13x128xf32, #tpu.memory_space<vmem>>, vector<1x16xf32>,
    %get3A_441 = vector.shape_cast %get3A_440 : vector<1x16xf32> to vector<16xf32>
    %get3A_442 = arith.constant 8 : i32
    %get3A_443 = arith.index_cast %get3A_442 : i32 to index
    %get3A_444 = arith.constant 0 : index
    %get3A_445 = tpu.vector_load %arg36[%get3A_443, %get3A_444] {strides = array<i32>} : memref<14x16xf32, #tpu.memory_space<vmem>>, vector<1x16xf32>,
    %get3A_446 = vector.shape_cast %get3A_445 : vector<1x16xf32> to vector<16xf32>
    %mul3A_447 = arith.mulf %get3A_441, %get3A_446 : vector<16xf32>
    %add3A_448 = arith.addf %add3A_436, %mul3A_447 : vector<16xf32>
    %get3A_449 = arith.constant 9 : i32
    %get3A_450 = arith.index_cast %get3A_449 : i32 to index
    %get3A_451 = arith.constant 0 : index
    %get3A_452 = tpu.vector_load %arg35[%get3A_450, %get3A_451] {strides = array<i32>} : memref<13x128xf32, #tpu.memory_space<vmem>>, vector<1x16xf32>,
    %get3A_453 = vector.shape_cast %get3A_452 : vector<1x16xf32> to vector<16xf32>
    %get3A_454 = arith.constant 9 : i32
    %get3A_455 = arith.index_cast %get3A_454 : i32 to index
    %get3A_456 = arith.constant 0 : index
    %get3A_457 = tpu.vector_load %arg36[%get3A_455, %get3A_456] {strides = array<i32>} : memref<14x16xf32, #tpu.memory_space<vmem>>, vector<1x16xf32>,
    %get3A_458 = vector.shape_cast %get3A_457 : vector<1x16xf32> to vector<16xf32>
    %mul3A_459 = arith.mulf %get3A_453, %get3A_458 : vector<16xf32>
    %add3A_460 = arith.addf %add3A_448, %mul3A_459 : vector<16xf32>
    %get3A_461 = arith.constant 10 : i32
    %get3A_462 = arith.index_cast %get3A_461 : i32 to index
    %get3A_463 = arith.constant 0 : index
    %get3A_464 = tpu.vector_load %arg35[%get3A_462, %get3A_463] {strides = array<i32>} : memref<13x128xf32, #tpu.memory_space<vmem>>, vector<1x16xf32>,
    %get3A_465 = vector.shape_cast %get3A_464 : vector<1x16xf32> to vector<16xf32>
    %get3A_466 = arith.constant 10 : i32
    %get3A_467 = arith.index_cast %get3A_466 : i32 to index
    %get3A_468 = arith.constant 0 : index
    %get3A_469 = tpu.vector_load %arg36[%get3A_467, %get3A_468] {strides = array<i32>} : memref<14x16xf32, #tpu.memory_space<vmem>>, vector<1x16xf32>,
    %get3A_470 = vector.shape_cast %get3A_469 : vector<1x16xf32> to vector<16xf32>
    %mul3A_471 = arith.mulf %get3A_465, %get3A_470 : vector<16xf32>
    %add3A_472 = arith.addf %add3A_460, %mul3A_471 : vector<16xf32>
    %get3A_473 = arith.constant 11 : i32
    %get3A_474 = arith.index_cast %get3A_473 : i32 to index
    %get3A_475 = arith.constant 0 : index
    %get3A_476 = tpu.vector_load %arg35[%get3A_474, %get3A_475] {strides = array<i32>} : memref<13x128xf32, #tpu.memory_space<vmem>>, vector<1x16xf32>,
    %get3A_477 = vector.shape_cast %get3A_476 : vector<1x16xf32> to vector<16xf32>
    %get3A_478 = arith.constant 11 : i32
    %get3A_479 = arith.index_cast %get3A_478 : i32 to index
    %get3A_480 = arith.constant 0 : index
    %get3A_481 = tpu.vector_load %arg36[%get3A_479, %get3A_480] {strides = array<i32>} : memref<14x16xf32, #tpu.memory_space<vmem>>, vector<1x16xf32>,
    %get3A_482 = vector.shape_cast %get3A_481 : vector<1x16xf32> to vector<16xf32>
    %mul3A_483 = arith.mulf %get3A_477, %get3A_482 : vector<16xf32>
    %add3A_484 = arith.addf %add3A_472, %mul3A_483 : vector<16xf32>
    %get3A_485 = arith.constant 12 : i32
    %get3A_486 = arith.index_cast %get3A_485 : i32 to index
    %get3A_487 = arith.constant 0 : index
    %get3A_488 = tpu.vector_load %arg35[%get3A_486, %get3A_487] {strides = array<i32>} : memref<13x128xf32, #tpu.memory_space<vmem>>, vector<1x16xf32>,
    %get3A_489 = vector.shape_cast %get3A_488 : vector<1x16xf32> to vector<16xf32>
    %get3A_490 = arith.constant 12 : i32
    %get3A_491 = arith.index_cast %get3A_490 : i32 to index
    %get3A_492 = arith.constant 0 : index
    %get3A_493 = tpu.vector_load %arg36[%get3A_491, %get3A_492] {strides = array<i32>} : memref<14x16xf32, #tpu.memory_space<vmem>>, vector<1x16xf32>,
    %get3A_494 = vector.shape_cast %get3A_493 : vector<1x16xf32> to vector<16xf32>
    %mul3A_495 = arith.mulf %get3A_489, %get3A_494 : vector<16xf32>
    %add3A_496 = arith.addf %add3A_484, %mul3A_495 : vector<16xf32>
    %scan3A = arith.constant 0 : i32
    %scan3A_497 = arith.constant 126 : i32
    %scan3A_498 = arith.addi %scan3A, %scan3A_497 : i32
    %scan3A_499 = arith.constant 1 : i32
    %scan3A_500 = scf.for %scan3A_1702 = %scan3A to %scan3A_498 step %scan3A_499 iter_args(%scan3A_1703 = %add3A_496) -> (vector<16xf32>)  : i32 {
      %mul3A_1704 = arith.constant 128 : i32
      %mul3A_1705 = arith.muli %scan3A_1702, %mul3A_1704 : i32
      %add3A_1706 = arith.constant 0 : i32
      %add3A_1707 = arith.addi %mul3A_1705, %add3A_1706 : i32
      %get3A_1708 = arith.index_cast %add3A_1707 : i32 to index
      %get3A_1709 = tpu.vector_load %arg37[%get3A_1708] {strides = array<i32>} : memref<16128xf32, #tpu.memory_space<vmem>>, vector<16xf32>,
      %get3A_1710 = vector.shape_cast %get3A_1709 : vector<16xf32> to vector<16xf32>
      %add3A_1711 = arith.addf %scan3A_1703, %get3A_1710 : vector<16xf32>
      scf.yield %add3A_1711 : vector<16xf32>
    }
    %scan3A_501 = arith.constant 126 : i32
    %swap3A = arith.constant 0 : index
    %swap3A_502 = tpu.vector_load %arg38[%swap3A] {strides = array<i32>} : memref<128xf32, #tpu.memory_space<vmem>>, vector<16xf32>,
    %swap3A_503 = vector.shape_cast %swap3A_502 : vector<16xf32> to vector<16xf32>
    %swap3A_504 = vector.shape_cast %scan3A_500 : vector<16xf32> to vector<16xf32>
    tpu.vector_store %arg38[%swap3A], %swap3A_504 {strides = array<i32>} : memref<128xf32, #tpu.memory_space<vmem>>, vector<16xf32>,
    %get3A_505 = arith.constant 13 : i32
    %get3A_506 = arith.index_cast %get3A_505 : i32 to index
    %get3A_507 = arith.constant 0 : index
    %get3A_508 = tpu.vector_load %arg36[%get3A_506, %get3A_507] {strides = array<i32>} : memref<14x16xf32, #tpu.memory_space<vmem>>, vector<1x16xf32>,
    %get3A_509 = vector.shape_cast %get3A_508 : vector<1x16xf32> to vector<16xf32>
    %get3A_510 = arith.constant 0 : i32
    %get3A_511 = arith.index_cast %get3A_510 : i32 to index
    %get3A_512 = arith.constant 16 : index
    %get3A_513 = tpu.vector_load %arg35[%get3A_511, %get3A_512] {strides = array<i32>} : memref<13x128xf32, #tpu.memory_space<vmem>>, vector<1x16xf32>,
    %get3A_514 = vector.shape_cast %get3A_513 : vector<1x16xf32> to vector<16xf32>
    %get3A_515 = arith.constant 0 : i32
    %get3A_516 = arith.index_cast %get3A_515 : i32 to index
    %get3A_517 = arith.constant 0 : index
    %get3A_518 = tpu.vector_load %arg36[%get3A_516, %get3A_517] {strides = array<i32>} : memref<14x16xf32, #tpu.memory_space<vmem>>, vector<1x16xf32>,
    %get3A_519 = vector.shape_cast %get3A_518 : vector<1x16xf32> to vector<16xf32>
    %mul3A_520 = arith.mulf %get3A_514, %get3A_519 : vector<16xf32>
    %add3A_521 = arith.addf %get3A_509, %mul3A_520 : vector<16xf32>
    %get3A_522 = arith.constant 1 : i32
    %get3A_523 = arith.index_cast %get3A_522 : i32 to index
    %get3A_524 = arith.constant 16 : index
    %get3A_525 = tpu.vector_load %arg35[%get3A_523, %get3A_524] {strides = array<i32>} : memref<13x128xf32, #tpu.memory_space<vmem>>, vector<1x16xf32>,
    %get3A_526 = vector.shape_cast %get3A_525 : vector<1x16xf32> to vector<16xf32>
    %get3A_527 = arith.constant 1 : i32
    %get3A_528 = arith.index_cast %get3A_527 : i32 to index
    %get3A_529 = arith.constant 0 : index
    %get3A_530 = tpu.vector_load %arg36[%get3A_528, %get3A_529] {strides = array<i32>} : memref<14x16xf32, #tpu.memory_space<vmem>>, vector<1x16xf32>,
    %get3A_531 = vector.shape_cast %get3A_530 : vector<1x16xf32> to vector<16xf32>
    %mul3A_532 = arith.mulf %get3A_526, %get3A_531 : vector<16xf32>
    %add3A_533 = arith.addf %add3A_521, %mul3A_532 : vector<16xf32>
    %get3A_534 = arith.constant 2 : i32
    %get3A_535 = arith.index_cast %get3A_534 : i32 to index
    %get3A_536 = arith.constant 16 : index
    %get3A_537 = tpu.vector_load %arg35[%get3A_535, %get3A_536] {strides = array<i32>} : memref<13x128xf32, #tpu.memory_space<vmem>>, vector<1x16xf32>,
    %get3A_538 = vector.shape_cast %get3A_537 : vector<1x16xf32> to vector<16xf32>
    %get3A_539 = arith.constant 2 : i32
    %get3A_540 = arith.index_cast %get3A_539 : i32 to index
    %get3A_541 = arith.constant 0 : index
    %get3A_542 = tpu.vector_load %arg36[%get3A_540, %get3A_541] {strides = array<i32>} : memref<14x16xf32, #tpu.memory_space<vmem>>, vector<1x16xf32>,
    %get3A_543 = vector.shape_cast %get3A_542 : vector<1x16xf32> to vector<16xf32>
    %mul3A_544 = arith.mulf %get3A_538, %get3A_543 : vector<16xf32>
    %add3A_545 = arith.addf %add3A_533, %mul3A_544 : vector<16xf32>
    %get3A_546 = arith.constant 3 : i32
    %get3A_547 = arith.index_cast %get3A_546 : i32 to index
    %get3A_548 = arith.constant 16 : index
    %get3A_549 = tpu.vector_load %arg35[%get3A_547, %get3A_548] {strides = array<i32>} : memref<13x128xf32, #tpu.memory_space<vmem>>, vector<1x16xf32>,
    %get3A_550 = vector.shape_cast %get3A_549 : vector<1x16xf32> to vector<16xf32>
    %get3A_551 = arith.constant 3 : i32
    %get3A_552 = arith.index_cast %get3A_551 : i32 to index
    %get3A_553 = arith.constant 0 : index
    %get3A_554 = tpu.vector_load %arg36[%get3A_552, %get3A_553] {strides = array<i32>} : memref<14x16xf32, #tpu.memory_space<vmem>>, vector<1x16xf32>,
    %get3A_555 = vector.shape_cast %get3A_554 : vector<1x16xf32> to vector<16xf32>
    %mul3A_556 = arith.mulf %get3A_550, %get3A_555 : vector<16xf32>
    %add3A_557 = arith.addf %add3A_545, %mul3A_556 : vector<16xf32>
    %get3A_558 = arith.constant 4 : i32
    %get3A_559 = arith.index_cast %get3A_558 : i32 to index
    %get3A_560 = arith.constant 16 : index
    %get3A_561 = tpu.vector_load %arg35[%get3A_559, %get3A_560] {strides = array<i32>} : memref<13x128xf32, #tpu.memory_space<vmem>>, vector<1x16xf32>,
    %get3A_562 = vector.shape_cast %get3A_561 : vector<1x16xf32> to vector<16xf32>
    %get3A_563 = arith.constant 4 : i32
    %get3A_564 = arith.index_cast %get3A_563 : i32 to index
    %get3A_565 = arith.constant 0 : index
    %get3A_566 = tpu.vector_load %arg36[%get3A_564, %get3A_565] {strides = array<i32>} : memref<14x16xf32, #tpu.memory_space<vmem>>, vector<1x16xf32>,
    %get3A_567 = vector.shape_cast %get3A_566 : vector<1x16xf32> to vector<16xf32>
    %mul3A_568 = arith.mulf %get3A_562, %get3A_567 : vector<16xf32>
    %add3A_569 = arith.addf %add3A_557, %mul3A_568 : vector<16xf32>
    %get3A_570 = arith.constant 5 : i32
    %get3A_571 = arith.index_cast %get3A_570 : i32 to index
    %get3A_572 = arith.constant 16 : index
    %get3A_573 = tpu.vector_load %arg35[%get3A_571, %get3A_572] {strides = array<i32>} : memref<13x128xf32, #tpu.memory_space<vmem>>, vector<1x16xf32>,
    %get3A_574 = vector.shape_cast %get3A_573 : vector<1x16xf32> to vector<16xf32>
    %get3A_575 = arith.constant 5 : i32
    %get3A_576 = arith.index_cast %get3A_575 : i32 to index
    %get3A_577 = arith.constant 0 : index
    %get3A_578 = tpu.vector_load %arg36[%get3A_576, %get3A_577] {strides = array<i32>} : memref<14x16xf32, #tpu.memory_space<vmem>>, vector<1x16xf32>,
    %get3A_579 = vector.shape_cast %get3A_578 : vector<1x16xf32> to vector<16xf32>
    %mul3A_580 = arith.mulf %get3A_574, %get3A_579 : vector<16xf32>
    %add3A_581 = arith.addf %add3A_569, %mul3A_580 : vector<16xf32>
    %get3A_582 = arith.constant 6 : i32
    %get3A_583 = arith.index_cast %get3A_582 : i32 to index
    %get3A_584 = arith.constant 16 : index
    %get3A_585 = tpu.vector_load %arg35[%get3A_583, %get3A_584] {strides = array<i32>} : memref<13x128xf32, #tpu.memory_space<vmem>>, vector<1x16xf32>,
    %get3A_586 = vector.shape_cast %get3A_585 : vector<1x16xf32> to vector<16xf32>
    %get3A_587 = arith.constant 6 : i32
    %get3A_588 = arith.index_cast %get3A_587 : i32 to index
    %get3A_589 = arith.constant 0 : index
    %get3A_590 = tpu.vector_load %arg36[%get3A_588, %get3A_589] {strides = array<i32>} : memref<14x16xf32, #tpu.memory_space<vmem>>, vector<1x16xf32>,
    %get3A_591 = vector.shape_cast %get3A_590 : vector<1x16xf32> to vector<16xf32>
    %mul3A_592 = arith.mulf %get3A_586, %get3A_591 : vector<16xf32>
    %add3A_593 = arith.addf %add3A_581, %mul3A_592 : vector<16xf32>
    %get3A_594 = arith.constant 7 : i32
    %get3A_595 = arith.index_cast %get3A_594 : i32 to index
    %get3A_596 = arith.constant 16 : index
    %get3A_597 = tpu.vector_load %arg35[%get3A_595, %get3A_596] {strides = array<i32>} : memref<13x128xf32, #tpu.memory_space<vmem>>, vector<1x16xf32>,
    %get3A_598 = vector.shape_cast %get3A_597 : vector<1x16xf32> to vector<16xf32>
    %get3A_599 = arith.constant 7 : i32
    %get3A_600 = arith.index_cast %get3A_599 : i32 to index
    %get3A_601 = arith.constant 0 : index
    %get3A_602 = tpu.vector_load %arg36[%get3A_600, %get3A_601] {strides = array<i32>} : memref<14x16xf32, #tpu.memory_space<vmem>>, vector<1x16xf32>,
    %get3A_603 = vector.shape_cast %get3A_602 : vector<1x16xf32> to vector<16xf32>
    %mul3A_604 = arith.mulf %get3A_598, %get3A_603 : vector<16xf32>
    %add3A_605 = arith.addf %add3A_593, %mul3A_604 : vector<16xf32>
    %get3A_606 = arith.constant 8 : i32
    %get3A_607 = arith.index_cast %get3A_606 : i32 to index
    %get3A_608 = arith.constant 16 : index
    %get3A_609 = tpu.vector_load %arg35[%get3A_607, %get3A_608] {strides = array<i32>} : memref<13x128xf32, #tpu.memory_space<vmem>>, vector<1x16xf32>,
    %get3A_610 = vector.shape_cast %get3A_609 : vector<1x16xf32> to vector<16xf32>
    %get3A_611 = arith.constant 8 : i32
    %get3A_612 = arith.index_cast %get3A_611 : i32 to index
    %get3A_613 = arith.constant 0 : index
    %get3A_614 = tpu.vector_load %arg36[%get3A_612, %get3A_613] {strides = array<i32>} : memref<14x16xf32, #tpu.memory_space<vmem>>, vector<1x16xf32>,
    %get3A_615 = vector.shape_cast %get3A_614 : vector<1x16xf32> to vector<16xf32>
    %mul3A_616 = arith.mulf %get3A_610, %get3A_615 : vector<16xf32>
    %add3A_617 = arith.addf %add3A_605, %mul3A_616 : vector<16xf32>
    %get3A_618 = arith.constant 9 : i32
    %get3A_619 = arith.index_cast %get3A_618 : i32 to index
    %get3A_620 = arith.constant 16 : index
    %get3A_621 = tpu.vector_load %arg35[%get3A_619, %get3A_620] {strides = array<i32>} : memref<13x128xf32, #tpu.memory_space<vmem>>, vector<1x16xf32>,
    %get3A_622 = vector.shape_cast %get3A_621 : vector<1x16xf32> to vector<16xf32>
    %get3A_623 = arith.constant 9 : i32
    %get3A_624 = arith.index_cast %get3A_623 : i32 to index
    %get3A_625 = arith.constant 0 : index
    %get3A_626 = tpu.vector_load %arg36[%get3A_624, %get3A_625] {strides = array<i32>} : memref<14x16xf32, #tpu.memory_space<vmem>>, vector<1x16xf32>,
    %get3A_627 = vector.shape_cast %get3A_626 : vector<1x16xf32> to vector<16xf32>
    %mul3A_628 = arith.mulf %get3A_622, %get3A_627 : vector<16xf32>
    %add3A_629 = arith.addf %add3A_617, %mul3A_628 : vector<16xf32>
    %get3A_630 = arith.constant 10 : i32
    %get3A_631 = arith.index_cast %get3A_630 : i32 to index
    %get3A_632 = arith.constant 16 : index
    %get3A_633 = tpu.vector_load %arg35[%get3A_631, %get3A_632] {strides = array<i32>} : memref<13x128xf32, #tpu.memory_space<vmem>>, vector<1x16xf32>,
    %get3A_634 = vector.shape_cast %get3A_633 : vector<1x16xf32> to vector<16xf32>
    %get3A_635 = arith.constant 10 : i32
    %get3A_636 = arith.index_cast %get3A_635 : i32 to index
    %get3A_637 = arith.constant 0 : index
    %get3A_638 = tpu.vector_load %arg36[%get3A_636, %get3A_637] {strides = array<i32>} : memref<14x16xf32, #tpu.memory_space<vmem>>, vector<1x16xf32>,
    %get3A_639 = vector.shape_cast %get3A_638 : vector<1x16xf32> to vector<16xf32>
    %mul3A_640 = arith.mulf %get3A_634, %get3A_639 : vector<16xf32>
    %add3A_641 = arith.addf %add3A_629, %mul3A_640 : vector<16xf32>
    %get3A_642 = arith.constant 11 : i32
    %get3A_643 = arith.index_cast %get3A_642 : i32 to index
    %get3A_644 = arith.constant 16 : index
    %get3A_645 = tpu.vector_load %arg35[%get3A_643, %get3A_644] {strides = array<i32>} : memref<13x128xf32, #tpu.memory_space<vmem>>, vector<1x16xf32>,
    %get3A_646 = vector.shape_cast %get3A_645 : vector<1x16xf32> to vector<16xf32>
    %get3A_647 = arith.constant 11 : i32
    %get3A_648 = arith.index_cast %get3A_647 : i32 to index
    %get3A_649 = arith.constant 0 : index
    %get3A_650 = tpu.vector_load %arg36[%get3A_648, %get3A_649] {strides = array<i32>} : memref<14x16xf32, #tpu.memory_space<vmem>>, vector<1x16xf32>,
    %get3A_651 = vector.shape_cast %get3A_650 : vector<1x16xf32> to vector<16xf32>
    %mul3A_652 = arith.mulf %get3A_646, %get3A_651 : vector<16xf32>
    %add3A_653 = arith.addf %add3A_641, %mul3A_652 : vector<16xf32>
    %get3A_654 = arith.constant 12 : i32
    %get3A_655 = arith.index_cast %get3A_654 : i32 to index
    %get3A_656 = arith.constant 16 : index
    %get3A_657 = tpu.vector_load %arg35[%get3A_655, %get3A_656] {strides = array<i32>} : memref<13x128xf32, #tpu.memory_space<vmem>>, vector<1x16xf32>,
    %get3A_658 = vector.shape_cast %get3A_657 : vector<1x16xf32> to vector<16xf32>
    %get3A_659 = arith.constant 12 : i32
    %get3A_660 = arith.index_cast %get3A_659 : i32 to index
    %get3A_661 = arith.constant 0 : index
    %get3A_662 = tpu.vector_load %arg36[%get3A_660, %get3A_661] {strides = array<i32>} : memref<14x16xf32, #tpu.memory_space<vmem>>, vector<1x16xf32>,
    %get3A_663 = vector.shape_cast %get3A_662 : vector<1x16xf32> to vector<16xf32>
    %mul3A_664 = arith.mulf %get3A_658, %get3A_663 : vector<16xf32>
    %add3A_665 = arith.addf %add3A_653, %mul3A_664 : vector<16xf32>
    %scan3A_666 = arith.constant 0 : i32
    %scan3A_667 = arith.constant 126 : i32
    %scan3A_668 = arith.addi %scan3A_666, %scan3A_667 : i32
    %scan3A_669 = arith.constant 1 : i32
    %scan3A_670 = scf.for %scan3A_1702 = %scan3A_666 to %scan3A_668 step %scan3A_669 iter_args(%scan3A_1703 = %add3A_665) -> (vector<16xf32>)  : i32 {
      %mul3A_1704 = arith.constant 128 : i32
      %mul3A_1705 = arith.muli %scan3A_1702, %mul3A_1704 : i32
      %add3A_1706 = arith.constant 16 : i32
      %add3A_1707 = arith.addi %mul3A_1705, %add3A_1706 : i32
      %get3A_1708 = arith.index_cast %add3A_1707 : i32 to index
      %get3A_1709 = tpu.vector_load %arg37[%get3A_1708] {strides = array<i32>} : memref<16128xf32, #tpu.memory_space<vmem>>, vector<16xf32>,
      %get3A_1710 = vector.shape_cast %get3A_1709 : vector<16xf32> to vector<16xf32>
      %add3A_1711 = arith.addf %scan3A_1703, %get3A_1710 : vector<16xf32>
      scf.yield %add3A_1711 : vector<16xf32>
    }
    %scan3A_671 = arith.constant 126 : i32
    %swap3A_672 = arith.constant 16 : index
    %swap3A_673 = tpu.vector_load %arg38[%swap3A_672] {strides = array<i32>} : memref<128xf32, #tpu.memory_space<vmem>>, vector<16xf32>,
    %swap3A_674 = vector.shape_cast %swap3A_673 : vector<16xf32> to vector<16xf32>
    %swap3A_675 = vector.shape_cast %scan3A_670 : vector<16xf32> to vector<16xf32>
    tpu.vector_store %arg38[%swap3A_672], %swap3A_675 {strides = array<i32>} : memref<128xf32, #tpu.memory_space<vmem>>, vector<16xf32>,
    %get3A_676 = arith.constant 13 : i32
    %get3A_677 = arith.index_cast %get3A_676 : i32 to index
    %get3A_678 = arith.constant 0 : index
    %get3A_679 = tpu.vector_load %arg36[%get3A_677, %get3A_678] {strides = array<i32>} : memref<14x16xf32, #tpu.memory_space<vmem>>, vector<1x16xf32>,
    %get3A_680 = vector.shape_cast %get3A_679 : vector<1x16xf32> to vector<16xf32>
    %get3A_681 = arith.constant 0 : i32
    %get3A_682 = arith.index_cast %get3A_681 : i32 to index
    %get3A_683 = arith.constant 32 : index
    %get3A_684 = tpu.vector_load %arg35[%get3A_682, %get3A_683] {strides = array<i32>} : memref<13x128xf32, #tpu.memory_space<vmem>>, vector<1x16xf32>,
    %get3A_685 = vector.shape_cast %get3A_684 : vector<1x16xf32> to vector<16xf32>
    %get3A_686 = arith.constant 0 : i32
    %get3A_687 = arith.index_cast %get3A_686 : i32 to index
    %get3A_688 = arith.constant 0 : index
    %get3A_689 = tpu.vector_load %arg36[%get3A_687, %get3A_688] {strides = array<i32>} : memref<14x16xf32, #tpu.memory_space<vmem>>, vector<1x16xf32>,
    %get3A_690 = vector.shape_cast %get3A_689 : vector<1x16xf32> to vector<16xf32>
    %mul3A_691 = arith.mulf %get3A_685, %get3A_690 : vector<16xf32>
    %add3A_692 = arith.addf %get3A_680, %mul3A_691 : vector<16xf32>
    %get3A_693 = arith.constant 1 : i32
    %get3A_694 = arith.index_cast %get3A_693 : i32 to index
    %get3A_695 = arith.constant 32 : index
    %get3A_696 = tpu.vector_load %arg35[%get3A_694, %get3A_695] {strides = array<i32>} : memref<13x128xf32, #tpu.memory_space<vmem>>, vector<1x16xf32>,
    %get3A_697 = vector.shape_cast %get3A_696 : vector<1x16xf32> to vector<16xf32>
    %get3A_698 = arith.constant 1 : i32
    %get3A_699 = arith.index_cast %get3A_698 : i32 to index
    %get3A_700 = arith.constant 0 : index
    %get3A_701 = tpu.vector_load %arg36[%get3A_699, %get3A_700] {strides = array<i32>} : memref<14x16xf32, #tpu.memory_space<vmem>>, vector<1x16xf32>,
    %get3A_702 = vector.shape_cast %get3A_701 : vector<1x16xf32> to vector<16xf32>
    %mul3A_703 = arith.mulf %get3A_697, %get3A_702 : vector<16xf32>
    %add3A_704 = arith.addf %add3A_692, %mul3A_703 : vector<16xf32>
    %get3A_705 = arith.constant 2 : i32
    %get3A_706 = arith.index_cast %get3A_705 : i32 to index
    %get3A_707 = arith.constant 32 : index
    %get3A_708 = tpu.vector_load %arg35[%get3A_706, %get3A_707] {strides = array<i32>} : memref<13x128xf32, #tpu.memory_space<vmem>>, vector<1x16xf32>,
    %get3A_709 = vector.shape_cast %get3A_708 : vector<1x16xf32> to vector<16xf32>
    %get3A_710 = arith.constant 2 : i32
    %get3A_711 = arith.index_cast %get3A_710 : i32 to index
    %get3A_712 = arith.constant 0 : index
    %get3A_713 = tpu.vector_load %arg36[%get3A_711, %get3A_712] {strides = array<i32>} : memref<14x16xf32, #tpu.memory_space<vmem>>, vector<1x16xf32>,
    %get3A_714 = vector.shape_cast %get3A_713 : vector<1x16xf32> to vector<16xf32>
    %mul3A_715 = arith.mulf %get3A_709, %get3A_714 : vector<16xf32>
    %add3A_716 = arith.addf %add3A_704, %mul3A_715 : vector<16xf32>
    %get3A_717 = arith.constant 3 : i32
    %get3A_718 = arith.index_cast %get3A_717 : i32 to index
    %get3A_719 = arith.constant 32 : index
    %get3A_720 = tpu.vector_load %arg35[%get3A_718, %get3A_719] {strides = array<i32>} : memref<13x128xf32, #tpu.memory_space<vmem>>, vector<1x16xf32>,
    %get3A_721 = vector.shape_cast %get3A_720 : vector<1x16xf32> to vector<16xf32>
    %get3A_722 = arith.constant 3 : i32
    %get3A_723 = arith.index_cast %get3A_722 : i32 to index
    %get3A_724 = arith.constant 0 : index
    %get3A_725 = tpu.vector_load %arg36[%get3A_723, %get3A_724] {strides = array<i32>} : memref<14x16xf32, #tpu.memory_space<vmem>>, vector<1x16xf32>,
    %get3A_726 = vector.shape_cast %get3A_725 : vector<1x16xf32> to vector<16xf32>
    %mul3A_727 = arith.mulf %get3A_721, %get3A_726 : vector<16xf32>
    %add3A_728 = arith.addf %add3A_716, %mul3A_727 : vector<16xf32>
    %get3A_729 = arith.constant 4 : i32
    %get3A_730 = arith.index_cast %get3A_729 : i32 to index
    %get3A_731 = arith.constant 32 : index
    %get3A_732 = tpu.vector_load %arg35[%get3A_730, %get3A_731] {strides = array<i32>} : memref<13x128xf32, #tpu.memory_space<vmem>>, vector<1x16xf32>,
    %get3A_733 = vector.shape_cast %get3A_732 : vector<1x16xf32> to vector<16xf32>
    %get3A_734 = arith.constant 4 : i32
    %get3A_735 = arith.index_cast %get3A_734 : i32 to index
    %get3A_736 = arith.constant 0 : index
    %get3A_737 = tpu.vector_load %arg36[%get3A_735, %get3A_736] {strides = array<i32>} : memref<14x16xf32, #tpu.memory_space<vmem>>, vector<1x16xf32>,
    %get3A_738 = vector.shape_cast %get3A_737 : vector<1x16xf32> to vector<16xf32>
    %mul3A_739 = arith.mulf %get3A_733, %get3A_738 : vector<16xf32>
    %add3A_740 = arith.addf %add3A_728, %mul3A_739 : vector<16xf32>
    %get3A_741 = arith.constant 5 : i32
    %get3A_742 = arith.index_cast %get3A_741 : i32 to index
    %get3A_743 = arith.constant 32 : index
    %get3A_744 = tpu.vector_load %arg35[%get3A_742, %get3A_743] {strides = array<i32>} : memref<13x128xf32, #tpu.memory_space<vmem>>, vector<1x16xf32>,
    %get3A_745 = vector.shape_cast %get3A_744 : vector<1x16xf32> to vector<16xf32>
    %get3A_746 = arith.constant 5 : i32
    %get3A_747 = arith.index_cast %get3A_746 : i32 to index
    %get3A_748 = arith.constant 0 : index
    %get3A_749 = tpu.vector_load %arg36[%get3A_747, %get3A_748] {strides = array<i32>} : memref<14x16xf32, #tpu.memory_space<vmem>>, vector<1x16xf32>,
    %get3A_750 = vector.shape_cast %get3A_749 : vector<1x16xf32> to vector<16xf32>
    %mul3A_751 = arith.mulf %get3A_745, %get3A_750 : vector<16xf32>
    %add3A_752 = arith.addf %add3A_740, %mul3A_751 : vector<16xf32>
    %get3A_753 = arith.constant 6 : i32
    %get3A_754 = arith.index_cast %get3A_753 : i32 to index
    %get3A_755 = arith.constant 32 : index
    %get3A_756 = tpu.vector_load %arg35[%get3A_754, %get3A_755] {strides = array<i32>} : memref<13x128xf32, #tpu.memory_space<vmem>>, vector<1x16xf32>,
    %get3A_757 = vector.shape_cast %get3A_756 : vector<1x16xf32> to vector<16xf32>
    %get3A_758 = arith.constant 6 : i32
    %get3A_759 = arith.index_cast %get3A_758 : i32 to index
    %get3A_760 = arith.constant 0 : index
    %get3A_761 = tpu.vector_load %arg36[%get3A_759, %get3A_760] {strides = array<i32>} : memref<14x16xf32, #tpu.memory_space<vmem>>, vector<1x16xf32>,
    %get3A_762 = vector.shape_cast %get3A_761 : vector<1x16xf32> to vector<16xf32>
    %mul3A_763 = arith.mulf %get3A_757, %get3A_762 : vector<16xf32>
    %add3A_764 = arith.addf %add3A_752, %mul3A_763 : vector<16xf32>
    %get3A_765 = arith.constant 7 : i32
    %get3A_766 = arith.index_cast %get3A_765 : i32 to index
    %get3A_767 = arith.constant 32 : index
    %get3A_768 = tpu.vector_load %arg35[%get3A_766, %get3A_767] {strides = array<i32>} : memref<13x128xf32, #tpu.memory_space<vmem>>, vector<1x16xf32>,
    %get3A_769 = vector.shape_cast %get3A_768 : vector<1x16xf32> to vector<16xf32>
    %get3A_770 = arith.constant 7 : i32
    %get3A_771 = arith.index_cast %get3A_770 : i32 to index
    %get3A_772 = arith.constant 0 : index
    %get3A_773 = tpu.vector_load %arg36[%get3A_771, %get3A_772] {strides = array<i32>} : memref<14x16xf32, #tpu.memory_space<vmem>>, vector<1x16xf32>,
    %get3A_774 = vector.shape_cast %get3A_773 : vector<1x16xf32> to vector<16xf32>
    %mul3A_775 = arith.mulf %get3A_769, %get3A_774 : vector<16xf32>
    %add3A_776 = arith.addf %add3A_764, %mul3A_775 : vector<16xf32>
    %get3A_777 = arith.constant 8 : i32
    %get3A_778 = arith.index_cast %get3A_777 : i32 to index
    %get3A_779 = arith.constant 32 : index
    %get3A_780 = tpu.vector_load %arg35[%get3A_778, %get3A_779] {strides = array<i32>} : memref<13x128xf32, #tpu.memory_space<vmem>>, vector<1x16xf32>,
    %get3A_781 = vector.shape_cast %get3A_780 : vector<1x16xf32> to vector<16xf32>
    %get3A_782 = arith.constant 8 : i32
    %get3A_783 = arith.index_cast %get3A_782 : i32 to index
    %get3A_784 = arith.constant 0 : index
    %get3A_785 = tpu.vector_load %arg36[%get3A_783, %get3A_784] {strides = array<i32>} : memref<14x16xf32, #tpu.memory_space<vmem>>, vector<1x16xf32>,
    %get3A_786 = vector.shape_cast %get3A_785 : vector<1x16xf32> to vector<16xf32>
    %mul3A_787 = arith.mulf %get3A_781, %get3A_786 : vector<16xf32>
    %add3A_788 = arith.addf %add3A_776, %mul3A_787 : vector<16xf32>
    %get3A_789 = arith.constant 9 : i32
    %get3A_790 = arith.index_cast %get3A_789 : i32 to index
    %get3A_791 = arith.constant 32 : index
    %get3A_792 = tpu.vector_load %arg35[%get3A_790, %get3A_791] {strides = array<i32>} : memref<13x128xf32, #tpu.memory_space<vmem>>, vector<1x16xf32>,
    %get3A_793 = vector.shape_cast %get3A_792 : vector<1x16xf32> to vector<16xf32>
    %get3A_794 = arith.constant 9 : i32
    %get3A_795 = arith.index_cast %get3A_794 : i32 to index
    %get3A_796 = arith.constant 0 : index
    %get3A_797 = tpu.vector_load %arg36[%get3A_795, %get3A_796] {strides = array<i32>} : memref<14x16xf32, #tpu.memory_space<vmem>>, vector<1x16xf32>,
    %get3A_798 = vector.shape_cast %get3A_797 : vector<1x16xf32> to vector<16xf32>
    %mul3A_799 = arith.mulf %get3A_793, %get3A_798 : vector<16xf32>
    %add3A_800 = arith.addf %add3A_788, %mul3A_799 : vector<16xf32>
    %get3A_801 = arith.constant 10 : i32
    %get3A_802 = arith.index_cast %get3A_801 : i32 to index
    %get3A_803 = arith.constant 32 : index
    %get3A_804 = tpu.vector_load %arg35[%get3A_802, %get3A_803] {strides = array<i32>} : memref<13x128xf32, #tpu.memory_space<vmem>>, vector<1x16xf32>,
    %get3A_805 = vector.shape_cast %get3A_804 : vector<1x16xf32> to vector<16xf32>
    %get3A_806 = arith.constant 10 : i32
    %get3A_807 = arith.index_cast %get3A_806 : i32 to index
    %get3A_808 = arith.constant 0 : index
    %get3A_809 = tpu.vector_load %arg36[%get3A_807, %get3A_808] {strides = array<i32>} : memref<14x16xf32, #tpu.memory_space<vmem>>, vector<1x16xf32>,
    %get3A_810 = vector.shape_cast %get3A_809 : vector<1x16xf32> to vector<16xf32>
    %mul3A_811 = arith.mulf %get3A_805, %get3A_810 : vector<16xf32>
    %add3A_812 = arith.addf %add3A_800, %mul3A_811 : vector<16xf32>
    %get3A_813 = arith.constant 11 : i32
    %get3A_814 = arith.index_cast %get3A_813 : i32 to index
    %get3A_815 = arith.constant 32 : index
    %get3A_816 = tpu.vector_load %arg35[%get3A_814, %get3A_815] {strides = array<i32>} : memref<13x128xf32, #tpu.memory_space<vmem>>, vector<1x16xf32>,
    %get3A_817 = vector.shape_cast %get3A_816 : vector<1x16xf32> to vector<16xf32>
    %get3A_818 = arith.constant 11 : i32
    %get3A_819 = arith.index_cast %get3A_818 : i32 to index
    %get3A_820 = arith.constant 0 : index
    %get3A_821 = tpu.vector_load %arg36[%get3A_819, %get3A_820] {strides = array<i32>} : memref<14x16xf32, #tpu.memory_space<vmem>>, vector<1x16xf32>,
    %get3A_822 = vector.shape_cast %get3A_821 : vector<1x16xf32> to vector<16xf32>
    %mul3A_823 = arith.mulf %get3A_817, %get3A_822 : vector<16xf32>
    %add3A_824 = arith.addf %add3A_812, %mul3A_823 : vector<16xf32>
    %get3A_825 = arith.constant 12 : i32
    %get3A_826 = arith.index_cast %get3A_825 : i32 to index
    %get3A_827 = arith.constant 32 : index
    %get3A_828 = tpu.vector_load %arg35[%get3A_826, %get3A_827] {strides = array<i32>} : memref<13x128xf32, #tpu.memory_space<vmem>>, vector<1x16xf32>,
    %get3A_829 = vector.shape_cast %get3A_828 : vector<1x16xf32> to vector<16xf32>
    %get3A_830 = arith.constant 12 : i32
    %get3A_831 = arith.index_cast %get3A_830 : i32 to index
    %get3A_832 = arith.constant 0 : index
    %get3A_833 = tpu.vector_load %arg36[%get3A_831, %get3A_832] {strides = array<i32>} : memref<14x16xf32, #tpu.memory_space<vmem>>, vector<1x16xf32>,
    %get3A_834 = vector.shape_cast %get3A_833 : vector<1x16xf32> to vector<16xf32>
    %mul3A_835 = arith.mulf %get3A_829, %get3A_834 : vector<16xf32>
    %add3A_836 = arith.addf %add3A_824, %mul3A_835 : vector<16xf32>
    %scan3A_837 = arith.constant 0 : i32
    %scan3A_838 = arith.constant 126 : i32
    %scan3A_839 = arith.addi %scan3A_837, %scan3A_838 : i32
    %scan3A_840 = arith.constant 1 : i32
    %scan3A_841 = scf.for %scan3A_1702 = %scan3A_837 to %scan3A_839 step %scan3A_840 iter_args(%scan3A_1703 = %add3A_836) -> (vector<16xf32>)  : i32 {
      %mul3A_1704 = arith.constant 128 : i32
      %mul3A_1705 = arith.muli %scan3A_1702, %mul3A_1704 : i32
      %add3A_1706 = arith.constant 32 : i32
      %add3A_1707 = arith.addi %mul3A_1705, %add3A_1706 : i32
      %get3A_1708 = arith.index_cast %add3A_1707 : i32 to index
      %get3A_1709 = tpu.vector_load %arg37[%get3A_1708] {strides = array<i32>} : memref<16128xf32, #tpu.memory_space<vmem>>, vector<16xf32>,
      %get3A_1710 = vector.shape_cast %get3A_1709 : vector<16xf32> to vector<16xf32>
      %add3A_1711 = arith.addf %scan3A_1703, %get3A_1710 : vector<16xf32>
      scf.yield %add3A_1711 : vector<16xf32>
    }
    %scan3A_842 = arith.constant 126 : i32
    %swap3A_843 = arith.constant 32 : index
    %swap3A_844 = tpu.vector_load %arg38[%swap3A_843] {strides = array<i32>} : memref<128xf32, #tpu.memory_space<vmem>>, vector<16xf32>,
    %swap3A_845 = vector.shape_cast %swap3A_844 : vector<16xf32> to vector<16xf32>
    %swap3A_846 = vector.shape_cast %scan3A_841 : vector<16xf32> to vector<16xf32>
    tpu.vector_store %arg38[%swap3A_843], %swap3A_846 {strides = array<i32>} : memref<128xf32, #tpu.memory_space<vmem>>, vector<16xf32>,
    %get3A_847 = arith.constant 13 : i32
    %get3A_848 = arith.index_cast %get3A_847 : i32 to index
    %get3A_849 = arith.constant 0 : index
    %get3A_850 = tpu.vector_load %arg36[%get3A_848, %get3A_849] {strides = array<i32>} : memref<14x16xf32, #tpu.memory_space<vmem>>, vector<1x16xf32>,
    %get3A_851 = vector.shape_cast %get3A_850 : vector<1x16xf32> to vector<16xf32>
    %get3A_852 = arith.constant 0 : i32
    %get3A_853 = arith.index_cast %get3A_852 : i32 to index
    %get3A_854 = arith.constant 48 : index
    %get3A_855 = tpu.vector_load %arg35[%get3A_853, %get3A_854] {strides = array<i32>} : memref<13x128xf32, #tpu.memory_space<vmem>>, vector<1x16xf32>,
    %get3A_856 = vector.shape_cast %get3A_855 : vector<1x16xf32> to vector<16xf32>
    %get3A_857 = arith.constant 0 : i32
    %get3A_858 = arith.index_cast %get3A_857 : i32 to index
    %get3A_859 = arith.constant 0 : index
    %get3A_860 = tpu.vector_load %arg36[%get3A_858, %get3A_859] {strides = array<i32>} : memref<14x16xf32, #tpu.memory_space<vmem>>, vector<1x16xf32>,
    %get3A_861 = vector.shape_cast %get3A_860 : vector<1x16xf32> to vector<16xf32>
    %mul3A_862 = arith.mulf %get3A_856, %get3A_861 : vector<16xf32>
    %add3A_863 = arith.addf %get3A_851, %mul3A_862 : vector<16xf32>
    %get3A_864 = arith.constant 1 : i32
    %get3A_865 = arith.index_cast %get3A_864 : i32 to index
    %get3A_866 = arith.constant 48 : index
    %get3A_867 = tpu.vector_load %arg35[%get3A_865, %get3A_866] {strides = array<i32>} : memref<13x128xf32, #tpu.memory_space<vmem>>, vector<1x16xf32>,
    %get3A_868 = vector.shape_cast %get3A_867 : vector<1x16xf32> to vector<16xf32>
    %get3A_869 = arith.constant 1 : i32
    %get3A_870 = arith.index_cast %get3A_869 : i32 to index
    %get3A_871 = arith.constant 0 : index
    %get3A_872 = tpu.vector_load %arg36[%get3A_870, %get3A_871] {strides = array<i32>} : memref<14x16xf32, #tpu.memory_space<vmem>>, vector<1x16xf32>,
    %get3A_873 = vector.shape_cast %get3A_872 : vector<1x16xf32> to vector<16xf32>
    %mul3A_874 = arith.mulf %get3A_868, %get3A_873 : vector<16xf32>
    %add3A_875 = arith.addf %add3A_863, %mul3A_874 : vector<16xf32>
    %get3A_876 = arith.constant 2 : i32
    %get3A_877 = arith.index_cast %get3A_876 : i32 to index
    %get3A_878 = arith.constant 48 : index
    %get3A_879 = tpu.vector_load %arg35[%get3A_877, %get3A_878] {strides = array<i32>} : memref<13x128xf32, #tpu.memory_space<vmem>>, vector<1x16xf32>,
    %get3A_880 = vector.shape_cast %get3A_879 : vector<1x16xf32> to vector<16xf32>
    %get3A_881 = arith.constant 2 : i32
    %get3A_882 = arith.index_cast %get3A_881 : i32 to index
    %get3A_883 = arith.constant 0 : index
    %get3A_884 = tpu.vector_load %arg36[%get3A_882, %get3A_883] {strides = array<i32>} : memref<14x16xf32, #tpu.memory_space<vmem>>, vector<1x16xf32>,
    %get3A_885 = vector.shape_cast %get3A_884 : vector<1x16xf32> to vector<16xf32>
    %mul3A_886 = arith.mulf %get3A_880, %get3A_885 : vector<16xf32>
    %add3A_887 = arith.addf %add3A_875, %mul3A_886 : vector<16xf32>
    %get3A_888 = arith.constant 3 : i32
    %get3A_889 = arith.index_cast %get3A_888 : i32 to index
    %get3A_890 = arith.constant 48 : index
    %get3A_891 = tpu.vector_load %arg35[%get3A_889, %get3A_890] {strides = array<i32>} : memref<13x128xf32, #tpu.memory_space<vmem>>, vector<1x16xf32>,
    %get3A_892 = vector.shape_cast %get3A_891 : vector<1x16xf32> to vector<16xf32>
    %get3A_893 = arith.constant 3 : i32
    %get3A_894 = arith.index_cast %get3A_893 : i32 to index
    %get3A_895 = arith.constant 0 : index
    %get3A_896 = tpu.vector_load %arg36[%get3A_894, %get3A_895] {strides = array<i32>} : memref<14x16xf32, #tpu.memory_space<vmem>>, vector<1x16xf32>,
    %get3A_897 = vector.shape_cast %get3A_896 : vector<1x16xf32> to vector<16xf32>
    %mul3A_898 = arith.mulf %get3A_892, %get3A_897 : vector<16xf32>
    %add3A_899 = arith.addf %add3A_887, %mul3A_898 : vector<16xf32>
    %get3A_900 = arith.constant 4 : i32
    %get3A_901 = arith.index_cast %get3A_900 : i32 to index
    %get3A_902 = arith.constant 48 : index
    %get3A_903 = tpu.vector_load %arg35[%get3A_901, %get3A_902] {strides = array<i32>} : memref<13x128xf32, #tpu.memory_space<vmem>>, vector<1x16xf32>,
    %get3A_904 = vector.shape_cast %get3A_903 : vector<1x16xf32> to vector<16xf32>
    %get3A_905 = arith.constant 4 : i32
    %get3A_906 = arith.index_cast %get3A_905 : i32 to index
    %get3A_907 = arith.constant 0 : index
    %get3A_908 = tpu.vector_load %arg36[%get3A_906, %get3A_907] {strides = array<i32>} : memref<14x16xf32, #tpu.memory_space<vmem>>, vector<1x16xf32>,
    %get3A_909 = vector.shape_cast %get3A_908 : vector<1x16xf32> to vector<16xf32>
    %mul3A_910 = arith.mulf %get3A_904, %get3A_909 : vector<16xf32>
    %add3A_911 = arith.addf %add3A_899, %mul3A_910 : vector<16xf32>
    %get3A_912 = arith.constant 5 : i32
    %get3A_913 = arith.index_cast %get3A_912 : i32 to index
    %get3A_914 = arith.constant 48 : index
    %get3A_915 = tpu.vector_load %arg35[%get3A_913, %get3A_914] {strides = array<i32>} : memref<13x128xf32, #tpu.memory_space<vmem>>, vector<1x16xf32>,
    %get3A_916 = vector.shape_cast %get3A_915 : vector<1x16xf32> to vector<16xf32>
    %get3A_917 = arith.constant 5 : i32
    %get3A_918 = arith.index_cast %get3A_917 : i32 to index
    %get3A_919 = arith.constant 0 : index
    %get3A_920 = tpu.vector_load %arg36[%get3A_918, %get3A_919] {strides = array<i32>} : memref<14x16xf32, #tpu.memory_space<vmem>>, vector<1x16xf32>,
    %get3A_921 = vector.shape_cast %get3A_920 : vector<1x16xf32> to vector<16xf32>
    %mul3A_922 = arith.mulf %get3A_916, %get3A_921 : vector<16xf32>
    %add3A_923 = arith.addf %add3A_911, %mul3A_922 : vector<16xf32>
    %get3A_924 = arith.constant 6 : i32
    %get3A_925 = arith.index_cast %get3A_924 : i32 to index
    %get3A_926 = arith.constant 48 : index
    %get3A_927 = tpu.vector_load %arg35[%get3A_925, %get3A_926] {strides = array<i32>} : memref<13x128xf32, #tpu.memory_space<vmem>>, vector<1x16xf32>,
    %get3A_928 = vector.shape_cast %get3A_927 : vector<1x16xf32> to vector<16xf32>
    %get3A_929 = arith.constant 6 : i32
    %get3A_930 = arith.index_cast %get3A_929 : i32 to index
    %get3A_931 = arith.constant 0 : index
    %get3A_932 = tpu.vector_load %arg36[%get3A_930, %get3A_931] {strides = array<i32>} : memref<14x16xf32, #tpu.memory_space<vmem>>, vector<1x16xf32>,
    %get3A_933 = vector.shape_cast %get3A_932 : vector<1x16xf32> to vector<16xf32>
    %mul3A_934 = arith.mulf %get3A_928, %get3A_933 : vector<16xf32>
    %add3A_935 = arith.addf %add3A_923, %mul3A_934 : vector<16xf32>
    %get3A_936 = arith.constant 7 : i32
    %get3A_937 = arith.index_cast %get3A_936 : i32 to index
    %get3A_938 = arith.constant 48 : index
    %get3A_939 = tpu.vector_load %arg35[%get3A_937, %get3A_938] {strides = array<i32>} : memref<13x128xf32, #tpu.memory_space<vmem>>, vector<1x16xf32>,
    %get3A_940 = vector.shape_cast %get3A_939 : vector<1x16xf32> to vector<16xf32>
    %get3A_941 = arith.constant 7 : i32
    %get3A_942 = arith.index_cast %get3A_941 : i32 to index
    %get3A_943 = arith.constant 0 : index
    %get3A_944 = tpu.vector_load %arg36[%get3A_942, %get3A_943] {strides = array<i32>} : memref<14x16xf32, #tpu.memory_space<vmem>>, vector<1x16xf32>,
    %get3A_945 = vector.shape_cast %get3A_944 : vector<1x16xf32> to vector<16xf32>
    %mul3A_946 = arith.mulf %get3A_940, %get3A_945 : vector<16xf32>
    %add3A_947 = arith.addf %add3A_935, %mul3A_946 : vector<16xf32>
    %get3A_948 = arith.constant 8 : i32
    %get3A_949 = arith.index_cast %get3A_948 : i32 to index
    %get3A_950 = arith.constant 48 : index
    %get3A_951 = tpu.vector_load %arg35[%get3A_949, %get3A_950] {strides = array<i32>} : memref<13x128xf32, #tpu.memory_space<vmem>>, vector<1x16xf32>,
    %get3A_952 = vector.shape_cast %get3A_951 : vector<1x16xf32> to vector<16xf32>
    %get3A_953 = arith.constant 8 : i32
    %get3A_954 = arith.index_cast %get3A_953 : i32 to index
    %get3A_955 = arith.constant 0 : index
    %get3A_956 = tpu.vector_load %arg36[%get3A_954, %get3A_955] {strides = array<i32>} : memref<14x16xf32, #tpu.memory_space<vmem>>, vector<1x16xf32>,
    %get3A_957 = vector.shape_cast %get3A_956 : vector<1x16xf32> to vector<16xf32>
    %mul3A_958 = arith.mulf %get3A_952, %get3A_957 : vector<16xf32>
    %add3A_959 = arith.addf %add3A_947, %mul3A_958 : vector<16xf32>
    %get3A_960 = arith.constant 9 : i32
    %get3A_961 = arith.index_cast %get3A_960 : i32 to index
    %get3A_962 = arith.constant 48 : index
    %get3A_963 = tpu.vector_load %arg35[%get3A_961, %get3A_962] {strides = array<i32>} : memref<13x128xf32, #tpu.memory_space<vmem>>, vector<1x16xf32>,
    %get3A_964 = vector.shape_cast %get3A_963 : vector<1x16xf32> to vector<16xf32>
    %get3A_965 = arith.constant 9 : i32
    %get3A_966 = arith.index_cast %get3A_965 : i32 to index
    %get3A_967 = arith.constant 0 : index
    %get3A_968 = tpu.vector_load %arg36[%get3A_966, %get3A_967] {strides = array<i32>} : memref<14x16xf32, #tpu.memory_space<vmem>>, vector<1x16xf32>,
    %get3A_969 = vector.shape_cast %get3A_968 : vector<1x16xf32> to vector<16xf32>
    %mul3A_970 = arith.mulf %get3A_964, %get3A_969 : vector<16xf32>
    %add3A_971 = arith.addf %add3A_959, %mul3A_970 : vector<16xf32>
    %get3A_972 = arith.constant 10 : i32
    %get3A_973 = arith.index_cast %get3A_972 : i32 to index
    %get3A_974 = arith.constant 48 : index
    %get3A_975 = tpu.vector_load %arg35[%get3A_973, %get3A_974] {strides = array<i32>} : memref<13x128xf32, #tpu.memory_space<vmem>>, vector<1x16xf32>,
    %get3A_976 = vector.shape_cast %get3A_975 : vector<1x16xf32> to vector<16xf32>
    %get3A_977 = arith.constant 10 : i32
    %get3A_978 = arith.index_cast %get3A_977 : i32 to index
    %get3A_979 = arith.constant 0 : index
    %get3A_980 = tpu.vector_load %arg36[%get3A_978, %get3A_979] {strides = array<i32>} : memref<14x16xf32, #tpu.memory_space<vmem>>, vector<1x16xf32>,
    %get3A_981 = vector.shape_cast %get3A_980 : vector<1x16xf32> to vector<16xf32>
    %mul3A_982 = arith.mulf %get3A_976, %get3A_981 : vector<16xf32>
    %add3A_983 = arith.addf %add3A_971, %mul3A_982 : vector<16xf32>
    %get3A_984 = arith.constant 11 : i32
    %get3A_985 = arith.index_cast %get3A_984 : i32 to index
    %get3A_986 = arith.constant 48 : index
    %get3A_987 = tpu.vector_load %arg35[%get3A_985, %get3A_986] {strides = array<i32>} : memref<13x128xf32, #tpu.memory_space<vmem>>, vector<1x16xf32>,
    %get3A_988 = vector.shape_cast %get3A_987 : vector<1x16xf32> to vector<16xf32>
    %get3A_989 = arith.constant 11 : i32
    %get3A_990 = arith.index_cast %get3A_989 : i32 to index
    %get3A_991 = arith.constant 0 : index
    %get3A_992 = tpu.vector_load %arg36[%get3A_990, %get3A_991] {strides = array<i32>} : memref<14x16xf32, #tpu.memory_space<vmem>>, vector<1x16xf32>,
    %get3A_993 = vector.shape_cast %get3A_992 : vector<1x16xf32> to vector<16xf32>
    %mul3A_994 = arith.mulf %get3A_988, %get3A_993 : vector<16xf32>
    %add3A_995 = arith.addf %add3A_983, %mul3A_994 : vector<16xf32>
    %get3A_996 = arith.constant 12 : i32
    %get3A_997 = arith.index_cast %get3A_996 : i32 to index
    %get3A_998 = arith.constant 48 : index
    %get3A_999 = tpu.vector_load %arg35[%get3A_997, %get3A_998] {strides = array<i32>} : memref<13x128xf32, #tpu.memory_space<vmem>>, vector<1x16xf32>,
    %get3A_1000 = vector.shape_cast %get3A_999 : vector<1x16xf32> to vector<16xf32>
    %get3A_1001 = arith.constant 12 : i32
    %get3A_1002 = arith.index_cast %get3A_1001 : i32 to index
    %get3A_1003 = arith.constant 0 : index
    %get3A_1004 = tpu.vector_load %arg36[%get3A_1002, %get3A_1003] {strides = array<i32>} : memref<14x16xf32, #tpu.memory_space<vmem>>, vector<1x16xf32>,
    %get3A_1005 = vector.shape_cast %get3A_1004 : vector<1x16xf32> to vector<16xf32>
    %mul3A_1006 = arith.mulf %get3A_1000, %get3A_1005 : vector<16xf32>
    %add3A_1007 = arith.addf %add3A_995, %mul3A_1006 : vector<16xf32>
    %scan3A_1008 = arith.constant 0 : i32
    %scan3A_1009 = arith.constant 126 : i32
    %scan3A_1010 = arith.addi %scan3A_1008, %scan3A_1009 : i32
    %scan3A_1011 = arith.constant 1 : i32
    %scan3A_1012 = scf.for %scan3A_1702 = %scan3A_1008 to %scan3A_1010 step %scan3A_1011 iter_args(%scan3A_1703 = %add3A_1007) -> (vector<16xf32>)  : i32 {
      %mul3A_1704 = arith.constant 128 : i32
      %mul3A_1705 = arith.muli %scan3A_1702, %mul3A_1704 : i32
      %add3A_1706 = arith.constant 48 : i32
      %add3A_1707 = arith.addi %mul3A_1705, %add3A_1706 : i32
      %get3A_1708 = arith.index_cast %add3A_1707 : i32 to index
      %get3A_1709 = tpu.vector_load %arg37[%get3A_1708] {strides = array<i32>} : memref<16128xf32, #tpu.memory_space<vmem>>, vector<16xf32>,
      %get3A_1710 = vector.shape_cast %get3A_1709 : vector<16xf32> to vector<16xf32>
      %add3A_1711 = arith.addf %scan3A_1703, %get3A_1710 : vector<16xf32>
      scf.yield %add3A_1711 : vector<16xf32>
    }
    %scan3A_1013 = arith.constant 126 : i32
    %swap3A_1014 = arith.constant 48 : index
    %swap3A_1015 = tpu.vector_load %arg38[%swap3A_1014] {strides = array<i32>} : memref<128xf32, #tpu.memory_space<vmem>>, vector<16xf32>,
    %swap3A_1016 = vector.shape_cast %swap3A_1015 : vector<16xf32> to vector<16xf32>
    %swap3A_1017 = vector.shape_cast %scan3A_1012 : vector<16xf32> to vector<16xf32>
    tpu.vector_store %arg38[%swap3A_1014], %swap3A_1017 {strides = array<i32>} : memref<128xf32, #tpu.memory_space<vmem>>, vector<16xf32>,
    %get3A_1018 = arith.constant 13 : i32
    %get3A_1019 = arith.index_cast %get3A_1018 : i32 to index
    %get3A_1020 = arith.constant 0 : index
    %get3A_1021 = tpu.vector_load %arg36[%get3A_1019, %get3A_1020] {strides = array<i32>} : memref<14x16xf32, #tpu.memory_space<vmem>>, vector<1x16xf32>,
    %get3A_1022 = vector.shape_cast %get3A_1021 : vector<1x16xf32> to vector<16xf32>
    %get3A_1023 = arith.constant 0 : i32
    %get3A_1024 = arith.index_cast %get3A_1023 : i32 to index
    %get3A_1025 = arith.constant 64 : index
    %get3A_1026 = tpu.vector_load %arg35[%get3A_1024, %get3A_1025] {strides = array<i32>} : memref<13x128xf32, #tpu.memory_space<vmem>>, vector<1x16xf32>,
    %get3A_1027 = vector.shape_cast %get3A_1026 : vector<1x16xf32> to vector<16xf32>
    %get3A_1028 = arith.constant 0 : i32
    %get3A_1029 = arith.index_cast %get3A_1028 : i32 to index
    %get3A_1030 = arith.constant 0 : index
    %get3A_1031 = tpu.vector_load %arg36[%get3A_1029, %get3A_1030] {strides = array<i32>} : memref<14x16xf32, #tpu.memory_space<vmem>>, vector<1x16xf32>,
    %get3A_1032 = vector.shape_cast %get3A_1031 : vector<1x16xf32> to vector<16xf32>
    %mul3A_1033 = arith.mulf %get3A_1027, %get3A_1032 : vector<16xf32>
    %add3A_1034 = arith.addf %get3A_1022, %mul3A_1033 : vector<16xf32>
    %get3A_1035 = arith.constant 1 : i32
    %get3A_1036 = arith.index_cast %get3A_1035 : i32 to index
    %get3A_1037 = arith.constant 64 : index
    %get3A_1038 = tpu.vector_load %arg35[%get3A_1036, %get3A_1037] {strides = array<i32>} : memref<13x128xf32, #tpu.memory_space<vmem>>, vector<1x16xf32>,
    %get3A_1039 = vector.shape_cast %get3A_1038 : vector<1x16xf32> to vector<16xf32>
    %get3A_1040 = arith.constant 1 : i32
    %get3A_1041 = arith.index_cast %get3A_1040 : i32 to index
    %get3A_1042 = arith.constant 0 : index
    %get3A_1043 = tpu.vector_load %arg36[%get3A_1041, %get3A_1042] {strides = array<i32>} : memref<14x16xf32, #tpu.memory_space<vmem>>, vector<1x16xf32>,
    %get3A_1044 = vector.shape_cast %get3A_1043 : vector<1x16xf32> to vector<16xf32>
    %mul3A_1045 = arith.mulf %get3A_1039, %get3A_1044 : vector<16xf32>
    %add3A_1046 = arith.addf %add3A_1034, %mul3A_1045 : vector<16xf32>
    %get3A_1047 = arith.constant 2 : i32
    %get3A_1048 = arith.index_cast %get3A_1047 : i32 to index
    %get3A_1049 = arith.constant 64 : index
    %get3A_1050 = tpu.vector_load %arg35[%get3A_1048, %get3A_1049] {strides = array<i32>} : memref<13x128xf32, #tpu.memory_space<vmem>>, vector<1x16xf32>,
    %get3A_1051 = vector.shape_cast %get3A_1050 : vector<1x16xf32> to vector<16xf32>
    %get3A_1052 = arith.constant 2 : i32
    %get3A_1053 = arith.index_cast %get3A_1052 : i32 to index
    %get3A_1054 = arith.constant 0 : index
    %get3A_1055 = tpu.vector_load %arg36[%get3A_1053, %get3A_1054] {strides = array<i32>} : memref<14x16xf32, #tpu.memory_space<vmem>>, vector<1x16xf32>,
    %get3A_1056 = vector.shape_cast %get3A_1055 : vector<1x16xf32> to vector<16xf32>
    %mul3A_1057 = arith.mulf %get3A_1051, %get3A_1056 : vector<16xf32>
    %add3A_1058 = arith.addf %add3A_1046, %mul3A_1057 : vector<16xf32>
    %get3A_1059 = arith.constant 3 : i32
    %get3A_1060 = arith.index_cast %get3A_1059 : i32 to index
    %get3A_1061 = arith.constant 64 : index
    %get3A_1062 = tpu.vector_load %arg35[%get3A_1060, %get3A_1061] {strides = array<i32>} : memref<13x128xf32, #tpu.memory_space<vmem>>, vector<1x16xf32>,
    %get3A_1063 = vector.shape_cast %get3A_1062 : vector<1x16xf32> to vector<16xf32>
    %get3A_1064 = arith.constant 3 : i32
    %get3A_1065 = arith.index_cast %get3A_1064 : i32 to index
    %get3A_1066 = arith.constant 0 : index
    %get3A_1067 = tpu.vector_load %arg36[%get3A_1065, %get3A_1066] {strides = array<i32>} : memref<14x16xf32, #tpu.memory_space<vmem>>, vector<1x16xf32>,
    %get3A_1068 = vector.shape_cast %get3A_1067 : vector<1x16xf32> to vector<16xf32>
    %mul3A_1069 = arith.mulf %get3A_1063, %get3A_1068 : vector<16xf32>
    %add3A_1070 = arith.addf %add3A_1058, %mul3A_1069 : vector<16xf32>
    %get3A_1071 = arith.constant 4 : i32
    %get3A_1072 = arith.index_cast %get3A_1071 : i32 to index
    %get3A_1073 = arith.constant 64 : index
    %get3A_1074 = tpu.vector_load %arg35[%get3A_1072, %get3A_1073] {strides = array<i32>} : memref<13x128xf32, #tpu.memory_space<vmem>>, vector<1x16xf32>,
    %get3A_1075 = vector.shape_cast %get3A_1074 : vector<1x16xf32> to vector<16xf32>
    %get3A_1076 = arith.constant 4 : i32
    %get3A_1077 = arith.index_cast %get3A_1076 : i32 to index
    %get3A_1078 = arith.constant 0 : index
    %get3A_1079 = tpu.vector_load %arg36[%get3A_1077, %get3A_1078] {strides = array<i32>} : memref<14x16xf32, #tpu.memory_space<vmem>>, vector<1x16xf32>,
    %get3A_1080 = vector.shape_cast %get3A_1079 : vector<1x16xf32> to vector<16xf32>
    %mul3A_1081 = arith.mulf %get3A_1075, %get3A_1080 : vector<16xf32>
    %add3A_1082 = arith.addf %add3A_1070, %mul3A_1081 : vector<16xf32>
    %get3A_1083 = arith.constant 5 : i32
    %get3A_1084 = arith.index_cast %get3A_1083 : i32 to index
    %get3A_1085 = arith.constant 64 : index
    %get3A_1086 = tpu.vector_load %arg35[%get3A_1084, %get3A_1085] {strides = array<i32>} : memref<13x128xf32, #tpu.memory_space<vmem>>, vector<1x16xf32>,
    %get3A_1087 = vector.shape_cast %get3A_1086 : vector<1x16xf32> to vector<16xf32>
    %get3A_1088 = arith.constant 5 : i32
    %get3A_1089 = arith.index_cast %get3A_1088 : i32 to index
    %get3A_1090 = arith.constant 0 : index
    %get3A_1091 = tpu.vector_load %arg36[%get3A_1089, %get3A_1090] {strides = array<i32>} : memref<14x16xf32, #tpu.memory_space<vmem>>, vector<1x16xf32>,
    %get3A_1092 = vector.shape_cast %get3A_1091 : vector<1x16xf32> to vector<16xf32>
    %mul3A_1093 = arith.mulf %get3A_1087, %get3A_1092 : vector<16xf32>
    %add3A_1094 = arith.addf %add3A_1082, %mul3A_1093 : vector<16xf32>
    %get3A_1095 = arith.constant 6 : i32
    %get3A_1096 = arith.index_cast %get3A_1095 : i32 to index
    %get3A_1097 = arith.constant 64 : index
    %get3A_1098 = tpu.vector_load %arg35[%get3A_1096, %get3A_1097] {strides = array<i32>} : memref<13x128xf32, #tpu.memory_space<vmem>>, vector<1x16xf32>,
    %get3A_1099 = vector.shape_cast %get3A_1098 : vector<1x16xf32> to vector<16xf32>
    %get3A_1100 = arith.constant 6 : i32
    %get3A_1101 = arith.index_cast %get3A_1100 : i32 to index
    %get3A_1102 = arith.constant 0 : index
    %get3A_1103 = tpu.vector_load %arg36[%get3A_1101, %get3A_1102] {strides = array<i32>} : memref<14x16xf32, #tpu.memory_space<vmem>>, vector<1x16xf32>,
    %get3A_1104 = vector.shape_cast %get3A_1103 : vector<1x16xf32> to vector<16xf32>
    %mul3A_1105 = arith.mulf %get3A_1099, %get3A_1104 : vector<16xf32>
    %add3A_1106 = arith.addf %add3A_1094, %mul3A_1105 : vector<16xf32>
    %get3A_1107 = arith.constant 7 : i32
    %get3A_1108 = arith.index_cast %get3A_1107 : i32 to index
    %get3A_1109 = arith.constant 64 : index
    %get3A_1110 = tpu.vector_load %arg35[%get3A_1108, %get3A_1109] {strides = array<i32>} : memref<13x128xf32, #tpu.memory_space<vmem>>, vector<1x16xf32>,
    %get3A_1111 = vector.shape_cast %get3A_1110 : vector<1x16xf32> to vector<16xf32>
    %get3A_1112 = arith.constant 7 : i32
    %get3A_1113 = arith.index_cast %get3A_1112 : i32 to index
    %get3A_1114 = arith.constant 0 : index
    %get3A_1115 = tpu.vector_load %arg36[%get3A_1113, %get3A_1114] {strides = array<i32>} : memref<14x16xf32, #tpu.memory_space<vmem>>, vector<1x16xf32>,
    %get3A_1116 = vector.shape_cast %get3A_1115 : vector<1x16xf32> to vector<16xf32>
    %mul3A_1117 = arith.mulf %get3A_1111, %get3A_1116 : vector<16xf32>
    %add3A_1118 = arith.addf %add3A_1106, %mul3A_1117 : vector<16xf32>
    %get3A_1119 = arith.constant 8 : i32
    %get3A_1120 = arith.index_cast %get3A_1119 : i32 to index
    %get3A_1121 = arith.constant 64 : index
    %get3A_1122 = tpu.vector_load %arg35[%get3A_1120, %get3A_1121] {strides = array<i32>} : memref<13x128xf32, #tpu.memory_space<vmem>>, vector<1x16xf32>,
    %get3A_1123 = vector.shape_cast %get3A_1122 : vector<1x16xf32> to vector<16xf32>
    %get3A_1124 = arith.constant 8 : i32
    %get3A_1125 = arith.index_cast %get3A_1124 : i32 to index
    %get3A_1126 = arith.constant 0 : index
    %get3A_1127 = tpu.vector_load %arg36[%get3A_1125, %get3A_1126] {strides = array<i32>} : memref<14x16xf32, #tpu.memory_space<vmem>>, vector<1x16xf32>,
    %get3A_1128 = vector.shape_cast %get3A_1127 : vector<1x16xf32> to vector<16xf32>
    %mul3A_1129 = arith.mulf %get3A_1123, %get3A_1128 : vector<16xf32>
    %add3A_1130 = arith.addf %add3A_1118, %mul3A_1129 : vector<16xf32>
    %get3A_1131 = arith.constant 9 : i32
    %get3A_1132 = arith.index_cast %get3A_1131 : i32 to index
    %get3A_1133 = arith.constant 64 : index
    %get3A_1134 = tpu.vector_load %arg35[%get3A_1132, %get3A_1133] {strides = array<i32>} : memref<13x128xf32, #tpu.memory_space<vmem>>, vector<1x16xf32>,
    %get3A_1135 = vector.shape_cast %get3A_1134 : vector<1x16xf32> to vector<16xf32>
    %get3A_1136 = arith.constant 9 : i32
    %get3A_1137 = arith.index_cast %get3A_1136 : i32 to index
    %get3A_1138 = arith.constant 0 : index
    %get3A_1139 = tpu.vector_load %arg36[%get3A_1137, %get3A_1138] {strides = array<i32>} : memref<14x16xf32, #tpu.memory_space<vmem>>, vector<1x16xf32>,
    %get3A_1140 = vector.shape_cast %get3A_1139 : vector<1x16xf32> to vector<16xf32>
    %mul3A_1141 = arith.mulf %get3A_1135, %get3A_1140 : vector<16xf32>
    %add3A_1142 = arith.addf %add3A_1130, %mul3A_1141 : vector<16xf32>
    %get3A_1143 = arith.constant 10 : i32
    %get3A_1144 = arith.index_cast %get3A_1143 : i32 to index
    %get3A_1145 = arith.constant 64 : index
    %get3A_1146 = tpu.vector_load %arg35[%get3A_1144, %get3A_1145] {strides = array<i32>} : memref<13x128xf32, #tpu.memory_space<vmem>>, vector<1x16xf32>,
    %get3A_1147 = vector.shape_cast %get3A_1146 : vector<1x16xf32> to vector<16xf32>
    %get3A_1148 = arith.constant 10 : i32
    %get3A_1149 = arith.index_cast %get3A_1148 : i32 to index
    %get3A_1150 = arith.constant 0 : index
    %get3A_1151 = tpu.vector_load %arg36[%get3A_1149, %get3A_1150] {strides = array<i32>} : memref<14x16xf32, #tpu.memory_space<vmem>>, vector<1x16xf32>,
    %get3A_1152 = vector.shape_cast %get3A_1151 : vector<1x16xf32> to vector<16xf32>
    %mul3A_1153 = arith.mulf %get3A_1147, %get3A_1152 : vector<16xf32>
    %add3A_1154 = arith.addf %add3A_1142, %mul3A_1153 : vector<16xf32>
    %get3A_1155 = arith.constant 11 : i32
    %get3A_1156 = arith.index_cast %get3A_1155 : i32 to index
    %get3A_1157 = arith.constant 64 : index
    %get3A_1158 = tpu.vector_load %arg35[%get3A_1156, %get3A_1157] {strides = array<i32>} : memref<13x128xf32, #tpu.memory_space<vmem>>, vector<1x16xf32>,
    %get3A_1159 = vector.shape_cast %get3A_1158 : vector<1x16xf32> to vector<16xf32>
    %get3A_1160 = arith.constant 11 : i32
    %get3A_1161 = arith.index_cast %get3A_1160 : i32 to index
    %get3A_1162 = arith.constant 0 : index
    %get3A_1163 = tpu.vector_load %arg36[%get3A_1161, %get3A_1162] {strides = array<i32>} : memref<14x16xf32, #tpu.memory_space<vmem>>, vector<1x16xf32>,
    %get3A_1164 = vector.shape_cast %get3A_1163 : vector<1x16xf32> to vector<16xf32>
    %mul3A_1165 = arith.mulf %get3A_1159, %get3A_1164 : vector<16xf32>
    %add3A_1166 = arith.addf %add3A_1154, %mul3A_1165 : vector<16xf32>
    %get3A_1167 = arith.constant 12 : i32
    %get3A_1168 = arith.index_cast %get3A_1167 : i32 to index
    %get3A_1169 = arith.constant 64 : index
    %get3A_1170 = tpu.vector_load %arg35[%get3A_1168, %get3A_1169] {strides = array<i32>} : memref<13x128xf32, #tpu.memory_space<vmem>>, vector<1x16xf32>,
    %get3A_1171 = vector.shape_cast %get3A_1170 : vector<1x16xf32> to vector<16xf32>
    %get3A_1172 = arith.constant 12 : i32
    %get3A_1173 = arith.index_cast %get3A_1172 : i32 to index
    %get3A_1174 = arith.constant 0 : index
    %get3A_1175 = tpu.vector_load %arg36[%get3A_1173, %get3A_1174] {strides = array<i32>} : memref<14x16xf32, #tpu.memory_space<vmem>>, vector<1x16xf32>,
    %get3A_1176 = vector.shape_cast %get3A_1175 : vector<1x16xf32> to vector<16xf32>
    %mul3A_1177 = arith.mulf %get3A_1171, %get3A_1176 : vector<16xf32>
    %add3A_1178 = arith.addf %add3A_1166, %mul3A_1177 : vector<16xf32>
    %scan3A_1179 = arith.constant 0 : i32
    %scan3A_1180 = arith.constant 126 : i32
    %scan3A_1181 = arith.addi %scan3A_1179, %scan3A_1180 : i32
    %scan3A_1182 = arith.constant 1 : i32
    %scan3A_1183 = scf.for %scan3A_1702 = %scan3A_1179 to %scan3A_1181 step %scan3A_1182 iter_args(%scan3A_1703 = %add3A_1178) -> (vector<16xf32>)  : i32 {
      %mul3A_1704 = arith.constant 128 : i32
      %mul3A_1705 = arith.muli %scan3A_1702, %mul3A_1704 : i32
      %add3A_1706 = arith.constant 64 : i32
      %add3A_1707 = arith.addi %mul3A_1705, %add3A_1706 : i32
      %get3A_1708 = arith.index_cast %add3A_1707 : i32 to index
      %get3A_1709 = tpu.vector_load %arg37[%get3A_1708] {strides = array<i32>} : memref<16128xf32, #tpu.memory_space<vmem>>, vector<16xf32>,
      %get3A_1710 = vector.shape_cast %get3A_1709 : vector<16xf32> to vector<16xf32>
      %add3A_1711 = arith.addf %scan3A_1703, %get3A_1710 : vector<16xf32>
      scf.yield %add3A_1711 : vector<16xf32>
    }
    %scan3A_1184 = arith.constant 126 : i32
    %swap3A_1185 = arith.constant 64 : index
    %swap3A_1186 = tpu.vector_load %arg38[%swap3A_1185] {strides = array<i32>} : memref<128xf32, #tpu.memory_space<vmem>>, vector<16xf32>,
    %swap3A_1187 = vector.shape_cast %swap3A_1186 : vector<16xf32> to vector<16xf32>
    %swap3A_1188 = vector.shape_cast %scan3A_1183 : vector<16xf32> to vector<16xf32>
    tpu.vector_store %arg38[%swap3A_1185], %swap3A_1188 {strides = array<i32>} : memref<128xf32, #tpu.memory_space<vmem>>, vector<16xf32>,
    %get3A_1189 = arith.constant 13 : i32
    %get3A_1190 = arith.index_cast %get3A_1189 : i32 to index
    %get3A_1191 = arith.constant 0 : index
    %get3A_1192 = tpu.vector_load %arg36[%get3A_1190, %get3A_1191] {strides = array<i32>} : memref<14x16xf32, #tpu.memory_space<vmem>>, vector<1x16xf32>,
    %get3A_1193 = vector.shape_cast %get3A_1192 : vector<1x16xf32> to vector<16xf32>
    %get3A_1194 = arith.constant 0 : i32
    %get3A_1195 = arith.index_cast %get3A_1194 : i32 to index
    %get3A_1196 = arith.constant 80 : index
    %get3A_1197 = tpu.vector_load %arg35[%get3A_1195, %get3A_1196] {strides = array<i32>} : memref<13x128xf32, #tpu.memory_space<vmem>>, vector<1x16xf32>,
    %get3A_1198 = vector.shape_cast %get3A_1197 : vector<1x16xf32> to vector<16xf32>
    %get3A_1199 = arith.constant 0 : i32
    %get3A_1200 = arith.index_cast %get3A_1199 : i32 to index
    %get3A_1201 = arith.constant 0 : index
    %get3A_1202 = tpu.vector_load %arg36[%get3A_1200, %get3A_1201] {strides = array<i32>} : memref<14x16xf32, #tpu.memory_space<vmem>>, vector<1x16xf32>,
    %get3A_1203 = vector.shape_cast %get3A_1202 : vector<1x16xf32> to vector<16xf32>
    %mul3A_1204 = arith.mulf %get3A_1198, %get3A_1203 : vector<16xf32>
    %add3A_1205 = arith.addf %get3A_1193, %mul3A_1204 : vector<16xf32>
    %get3A_1206 = arith.constant 1 : i32
    %get3A_1207 = arith.index_cast %get3A_1206 : i32 to index
    %get3A_1208 = arith.constant 80 : index
    %get3A_1209 = tpu.vector_load %arg35[%get3A_1207, %get3A_1208] {strides = array<i32>} : memref<13x128xf32, #tpu.memory_space<vmem>>, vector<1x16xf32>,
    %get3A_1210 = vector.shape_cast %get3A_1209 : vector<1x16xf32> to vector<16xf32>
    %get3A_1211 = arith.constant 1 : i32
    %get3A_1212 = arith.index_cast %get3A_1211 : i32 to index
    %get3A_1213 = arith.constant 0 : index
    %get3A_1214 = tpu.vector_load %arg36[%get3A_1212, %get3A_1213] {strides = array<i32>} : memref<14x16xf32, #tpu.memory_space<vmem>>, vector<1x16xf32>,
    %get3A_1215 = vector.shape_cast %get3A_1214 : vector<1x16xf32> to vector<16xf32>
    %mul3A_1216 = arith.mulf %get3A_1210, %get3A_1215 : vector<16xf32>
    %add3A_1217 = arith.addf %add3A_1205, %mul3A_1216 : vector<16xf32>
    %get3A_1218 = arith.constant 2 : i32
    %get3A_1219 = arith.index_cast %get3A_1218 : i32 to index
    %get3A_1220 = arith.constant 80 : index
    %get3A_1221 = tpu.vector_load %arg35[%get3A_1219, %get3A_1220] {strides = array<i32>} : memref<13x128xf32, #tpu.memory_space<vmem>>, vector<1x16xf32>,
    %get3A_1222 = vector.shape_cast %get3A_1221 : vector<1x16xf32> to vector<16xf32>
    %get3A_1223 = arith.constant 2 : i32
    %get3A_1224 = arith.index_cast %get3A_1223 : i32 to index
    %get3A_1225 = arith.constant 0 : index
    %get3A_1226 = tpu.vector_load %arg36[%get3A_1224, %get3A_1225] {strides = array<i32>} : memref<14x16xf32, #tpu.memory_space<vmem>>, vector<1x16xf32>,
    %get3A_1227 = vector.shape_cast %get3A_1226 : vector<1x16xf32> to vector<16xf32>
    %mul3A_1228 = arith.mulf %get3A_1222, %get3A_1227 : vector<16xf32>
    %add3A_1229 = arith.addf %add3A_1217, %mul3A_1228 : vector<16xf32>
    %get3A_1230 = arith.constant 3 : i32
    %get3A_1231 = arith.index_cast %get3A_1230 : i32 to index
    %get3A_1232 = arith.constant 80 : index
    %get3A_1233 = tpu.vector_load %arg35[%get3A_1231, %get3A_1232] {strides = array<i32>} : memref<13x128xf32, #tpu.memory_space<vmem>>, vector<1x16xf32>,
    %get3A_1234 = vector.shape_cast %get3A_1233 : vector<1x16xf32> to vector<16xf32>
    %get3A_1235 = arith.constant 3 : i32
    %get3A_1236 = arith.index_cast %get3A_1235 : i32 to index
    %get3A_1237 = arith.constant 0 : index
    %get3A_1238 = tpu.vector_load %arg36[%get3A_1236, %get3A_1237] {strides = array<i32>} : memref<14x16xf32, #tpu.memory_space<vmem>>, vector<1x16xf32>,
    %get3A_1239 = vector.shape_cast %get3A_1238 : vector<1x16xf32> to vector<16xf32>
    %mul3A_1240 = arith.mulf %get3A_1234, %get3A_1239 : vector<16xf32>
    %add3A_1241 = arith.addf %add3A_1229, %mul3A_1240 : vector<16xf32>
    %get3A_1242 = arith.constant 4 : i32
    %get3A_1243 = arith.index_cast %get3A_1242 : i32 to index
    %get3A_1244 = arith.constant 80 : index
    %get3A_1245 = tpu.vector_load %arg35[%get3A_1243, %get3A_1244] {strides = array<i32>} : memref<13x128xf32, #tpu.memory_space<vmem>>, vector<1x16xf32>,
    %get3A_1246 = vector.shape_cast %get3A_1245 : vector<1x16xf32> to vector<16xf32>
    %get3A_1247 = arith.constant 4 : i32
    %get3A_1248 = arith.index_cast %get3A_1247 : i32 to index
    %get3A_1249 = arith.constant 0 : index
    %get3A_1250 = tpu.vector_load %arg36[%get3A_1248, %get3A_1249] {strides = array<i32>} : memref<14x16xf32, #tpu.memory_space<vmem>>, vector<1x16xf32>,
    %get3A_1251 = vector.shape_cast %get3A_1250 : vector<1x16xf32> to vector<16xf32>
    %mul3A_1252 = arith.mulf %get3A_1246, %get3A_1251 : vector<16xf32>
    %add3A_1253 = arith.addf %add3A_1241, %mul3A_1252 : vector<16xf32>
    %get3A_1254 = arith.constant 5 : i32
    %get3A_1255 = arith.index_cast %get3A_1254 : i32 to index
    %get3A_1256 = arith.constant 80 : index
    %get3A_1257 = tpu.vector_load %arg35[%get3A_1255, %get3A_1256] {strides = array<i32>} : memref<13x128xf32, #tpu.memory_space<vmem>>, vector<1x16xf32>,
    %get3A_1258 = vector.shape_cast %get3A_1257 : vector<1x16xf32> to vector<16xf32>
    %get3A_1259 = arith.constant 5 : i32
    %get3A_1260 = arith.index_cast %get3A_1259 : i32 to index
    %get3A_1261 = arith.constant 0 : index
    %get3A_1262 = tpu.vector_load %arg36[%get3A_1260, %get3A_1261] {strides = array<i32>} : memref<14x16xf32, #tpu.memory_space<vmem>>, vector<1x16xf32>,
    %get3A_1263 = vector.shape_cast %get3A_1262 : vector<1x16xf32> to vector<16xf32>
    %mul3A_1264 = arith.mulf %get3A_1258, %get3A_1263 : vector<16xf32>
    %add3A_1265 = arith.addf %add3A_1253, %mul3A_1264 : vector<16xf32>
    %get3A_1266 = arith.constant 6 : i32
    %get3A_1267 = arith.index_cast %get3A_1266 : i32 to index
    %get3A_1268 = arith.constant 80 : index
    %get3A_1269 = tpu.vector_load %arg35[%get3A_1267, %get3A_1268] {strides = array<i32>} : memref<13x128xf32, #tpu.memory_space<vmem>>, vector<1x16xf32>,
    %get3A_1270 = vector.shape_cast %get3A_1269 : vector<1x16xf32> to vector<16xf32>
    %get3A_1271 = arith.constant 6 : i32
    %get3A_1272 = arith.index_cast %get3A_1271 : i32 to index
    %get3A_1273 = arith.constant 0 : index
    %get3A_1274 = tpu.vector_load %arg36[%get3A_1272, %get3A_1273] {strides = array<i32>} : memref<14x16xf32, #tpu.memory_space<vmem>>, vector<1x16xf32>,
    %get3A_1275 = vector.shape_cast %get3A_1274 : vector<1x16xf32> to vector<16xf32>
    %mul3A_1276 = arith.mulf %get3A_1270, %get3A_1275 : vector<16xf32>
    %add3A_1277 = arith.addf %add3A_1265, %mul3A_1276 : vector<16xf32>
    %get3A_1278 = arith.constant 7 : i32
    %get3A_1279 = arith.index_cast %get3A_1278 : i32 to index
    %get3A_1280 = arith.constant 80 : index
    %get3A_1281 = tpu.vector_load %arg35[%get3A_1279, %get3A_1280] {strides = array<i32>} : memref<13x128xf32, #tpu.memory_space<vmem>>, vector<1x16xf32>,
    %get3A_1282 = vector.shape_cast %get3A_1281 : vector<1x16xf32> to vector<16xf32>
    %get3A_1283 = arith.constant 7 : i32
    %get3A_1284 = arith.index_cast %get3A_1283 : i32 to index
    %get3A_1285 = arith.constant 0 : index
    %get3A_1286 = tpu.vector_load %arg36[%get3A_1284, %get3A_1285] {strides = array<i32>} : memref<14x16xf32, #tpu.memory_space<vmem>>, vector<1x16xf32>,
    %get3A_1287 = vector.shape_cast %get3A_1286 : vector<1x16xf32> to vector<16xf32>
    %mul3A_1288 = arith.mulf %get3A_1282, %get3A_1287 : vector<16xf32>
    %add3A_1289 = arith.addf %add3A_1277, %mul3A_1288 : vector<16xf32>
    %get3A_1290 = arith.constant 8 : i32
    %get3A_1291 = arith.index_cast %get3A_1290 : i32 to index
    %get3A_1292 = arith.constant 80 : index
    %get3A_1293 = tpu.vector_load %arg35[%get3A_1291, %get3A_1292] {strides = array<i32>} : memref<13x128xf32, #tpu.memory_space<vmem>>, vector<1x16xf32>,
    %get3A_1294 = vector.shape_cast %get3A_1293 : vector<1x16xf32> to vector<16xf32>
    %get3A_1295 = arith.constant 8 : i32
    %get3A_1296 = arith.index_cast %get3A_1295 : i32 to index
    %get3A_1297 = arith.constant 0 : index
    %get3A_1298 = tpu.vector_load %arg36[%get3A_1296, %get3A_1297] {strides = array<i32>} : memref<14x16xf32, #tpu.memory_space<vmem>>, vector<1x16xf32>,
    %get3A_1299 = vector.shape_cast %get3A_1298 : vector<1x16xf32> to vector<16xf32>
    %mul3A_1300 = arith.mulf %get3A_1294, %get3A_1299 : vector<16xf32>
    %add3A_1301 = arith.addf %add3A_1289, %mul3A_1300 : vector<16xf32>
    %get3A_1302 = arith.constant 9 : i32
    %get3A_1303 = arith.index_cast %get3A_1302 : i32 to index
    %get3A_1304 = arith.constant 80 : index
    %get3A_1305 = tpu.vector_load %arg35[%get3A_1303, %get3A_1304] {strides = array<i32>} : memref<13x128xf32, #tpu.memory_space<vmem>>, vector<1x16xf32>,
    %get3A_1306 = vector.shape_cast %get3A_1305 : vector<1x16xf32> to vector<16xf32>
    %get3A_1307 = arith.constant 9 : i32
    %get3A_1308 = arith.index_cast %get3A_1307 : i32 to index
    %get3A_1309 = arith.constant 0 : index
    %get3A_1310 = tpu.vector_load %arg36[%get3A_1308, %get3A_1309] {strides = array<i32>} : memref<14x16xf32, #tpu.memory_space<vmem>>, vector<1x16xf32>,
    %get3A_1311 = vector.shape_cast %get3A_1310 : vector<1x16xf32> to vector<16xf32>
    %mul3A_1312 = arith.mulf %get3A_1306, %get3A_1311 : vector<16xf32>
    %add3A_1313 = arith.addf %add3A_1301, %mul3A_1312 : vector<16xf32>
    %get3A_1314 = arith.constant 10 : i32
    %get3A_1315 = arith.index_cast %get3A_1314 : i32 to index
    %get3A_1316 = arith.constant 80 : index
    %get3A_1317 = tpu.vector_load %arg35[%get3A_1315, %get3A_1316] {strides = array<i32>} : memref<13x128xf32, #tpu.memory_space<vmem>>, vector<1x16xf32>,
    %get3A_1318 = vector.shape_cast %get3A_1317 : vector<1x16xf32> to vector<16xf32>
    %get3A_1319 = arith.constant 10 : i32
    %get3A_1320 = arith.index_cast %get3A_1319 : i32 to index
    %get3A_1321 = arith.constant 0 : index
    %get3A_1322 = tpu.vector_load %arg36[%get3A_1320, %get3A_1321] {strides = array<i32>} : memref<14x16xf32, #tpu.memory_space<vmem>>, vector<1x16xf32>,
    %get3A_1323 = vector.shape_cast %get3A_1322 : vector<1x16xf32> to vector<16xf32>
    %mul3A_1324 = arith.mulf %get3A_1318, %get3A_1323 : vector<16xf32>
    %add3A_1325 = arith.addf %add3A_1313, %mul3A_1324 : vector<16xf32>
    %get3A_1326 = arith.constant 11 : i32
    %get3A_1327 = arith.index_cast %get3A_1326 : i32 to index
    %get3A_1328 = arith.constant 80 : index
    %get3A_1329 = tpu.vector_load %arg35[%get3A_1327, %get3A_1328] {strides = array<i32>} : memref<13x128xf32, #tpu.memory_space<vmem>>, vector<1x16xf32>,
    %get3A_1330 = vector.shape_cast %get3A_1329 : vector<1x16xf32> to vector<16xf32>
    %get3A_1331 = arith.constant 11 : i32
    %get3A_1332 = arith.index_cast %get3A_1331 : i32 to index
    %get3A_1333 = arith.constant 0 : index
    %get3A_1334 = tpu.vector_load %arg36[%get3A_1332, %get3A_1333] {strides = array<i32>} : memref<14x16xf32, #tpu.memory_space<vmem>>, vector<1x16xf32>,
    %get3A_1335 = vector.shape_cast %get3A_1334 : vector<1x16xf32> to vector<16xf32>
    %mul3A_1336 = arith.mulf %get3A_1330, %get3A_1335 : vector<16xf32>
    %add3A_1337 = arith.addf %add3A_1325, %mul3A_1336 : vector<16xf32>
    %get3A_1338 = arith.constant 12 : i32
    %get3A_1339 = arith.index_cast %get3A_1338 : i32 to index
    %get3A_1340 = arith.constant 80 : index
    %get3A_1341 = tpu.vector_load %arg35[%get3A_1339, %get3A_1340] {strides = array<i32>} : memref<13x128xf32, #tpu.memory_space<vmem>>, vector<1x16xf32>,
    %get3A_1342 = vector.shape_cast %get3A_1341 : vector<1x16xf32> to vector<16xf32>
    %get3A_1343 = arith.constant 12 : i32
    %get3A_1344 = arith.index_cast %get3A_1343 : i32 to index
    %get3A_1345 = arith.constant 0 : index
    %get3A_1346 = tpu.vector_load %arg36[%get3A_1344, %get3A_1345] {strides = array<i32>} : memref<14x16xf32, #tpu.memory_space<vmem>>, vector<1x16xf32>,
    %get3A_1347 = vector.shape_cast %get3A_1346 : vector<1x16xf32> to vector<16xf32>
    %mul3A_1348 = arith.mulf %get3A_1342, %get3A_1347 : vector<16xf32>
    %add3A_1349 = arith.addf %add3A_1337, %mul3A_1348 : vector<16xf32>
    %scan3A_1350 = arith.constant 0 : i32
    %scan3A_1351 = arith.constant 126 : i32
    %scan3A_1352 = arith.addi %scan3A_1350, %scan3A_1351 : i32
    %scan3A_1353 = arith.constant 1 : i32
    %scan3A_1354 = scf.for %scan3A_1702 = %scan3A_1350 to %scan3A_1352 step %scan3A_1353 iter_args(%scan3A_1703 = %add3A_1349) -> (vector<16xf32>)  : i32 {
      %mul3A_1704 = arith.constant 128 : i32
      %mul3A_1705 = arith.muli %scan3A_1702, %mul3A_1704 : i32
      %add3A_1706 = arith.constant 80 : i32
      %add3A_1707 = arith.addi %mul3A_1705, %add3A_1706 : i32
      %get3A_1708 = arith.index_cast %add3A_1707 : i32 to index
      %get3A_1709 = tpu.vector_load %arg37[%get3A_1708] {strides = array<i32>} : memref<16128xf32, #tpu.memory_space<vmem>>, vector<16xf32>,
      %get3A_1710 = vector.shape_cast %get3A_1709 : vector<16xf32> to vector<16xf32>
      %add3A_1711 = arith.addf %scan3A_1703, %get3A_1710 : vector<16xf32>
      scf.yield %add3A_1711 : vector<16xf32>
    }
    %scan3A_1355 = arith.constant 126 : i32
    %swap3A_1356 = arith.constant 80 : index
    %swap3A_1357 = tpu.vector_load %arg38[%swap3A_1356] {strides = array<i32>} : memref<128xf32, #tpu.memory_space<vmem>>, vector<16xf32>,
    %swap3A_1358 = vector.shape_cast %swap3A_1357 : vector<16xf32> to vector<16xf32>
    %swap3A_1359 = vector.shape_cast %scan3A_1354 : vector<16xf32> to vector<16xf32>
    tpu.vector_store %arg38[%swap3A_1356], %swap3A_1359 {strides = array<i32>} : memref<128xf32, #tpu.memory_space<vmem>>, vector<16xf32>,
    %get3A_1360 = arith.constant 13 : i32
    %get3A_1361 = arith.index_cast %get3A_1360 : i32 to index
    %get3A_1362 = arith.constant 0 : index
    %get3A_1363 = tpu.vector_load %arg36[%get3A_1361, %get3A_1362] {strides = array<i32>} : memref<14x16xf32, #tpu.memory_space<vmem>>, vector<1x16xf32>,
    %get3A_1364 = vector.shape_cast %get3A_1363 : vector<1x16xf32> to vector<16xf32>
    %get3A_1365 = arith.constant 0 : i32
    %get3A_1366 = arith.index_cast %get3A_1365 : i32 to index
    %get3A_1367 = arith.constant 96 : index
    %get3A_1368 = tpu.vector_load %arg35[%get3A_1366, %get3A_1367] {strides = array<i32>} : memref<13x128xf32, #tpu.memory_space<vmem>>, vector<1x16xf32>,
    %get3A_1369 = vector.shape_cast %get3A_1368 : vector<1x16xf32> to vector<16xf32>
    %get3A_1370 = arith.constant 0 : i32
    %get3A_1371 = arith.index_cast %get3A_1370 : i32 to index
    %get3A_1372 = arith.constant 0 : index
    %get3A_1373 = tpu.vector_load %arg36[%get3A_1371, %get3A_1372] {strides = array<i32>} : memref<14x16xf32, #tpu.memory_space<vmem>>, vector<1x16xf32>,
    %get3A_1374 = vector.shape_cast %get3A_1373 : vector<1x16xf32> to vector<16xf32>
    %mul3A_1375 = arith.mulf %get3A_1369, %get3A_1374 : vector<16xf32>
    %add3A_1376 = arith.addf %get3A_1364, %mul3A_1375 : vector<16xf32>
    %get3A_1377 = arith.constant 1 : i32
    %get3A_1378 = arith.index_cast %get3A_1377 : i32 to index
    %get3A_1379 = arith.constant 96 : index
    %get3A_1380 = tpu.vector_load %arg35[%get3A_1378, %get3A_1379] {strides = array<i32>} : memref<13x128xf32, #tpu.memory_space<vmem>>, vector<1x16xf32>,
    %get3A_1381 = vector.shape_cast %get3A_1380 : vector<1x16xf32> to vector<16xf32>
    %get3A_1382 = arith.constant 1 : i32
    %get3A_1383 = arith.index_cast %get3A_1382 : i32 to index
    %get3A_1384 = arith.constant 0 : index
    %get3A_1385 = tpu.vector_load %arg36[%get3A_1383, %get3A_1384] {strides = array<i32>} : memref<14x16xf32, #tpu.memory_space<vmem>>, vector<1x16xf32>,
    %get3A_1386 = vector.shape_cast %get3A_1385 : vector<1x16xf32> to vector<16xf32>
    %mul3A_1387 = arith.mulf %get3A_1381, %get3A_1386 : vector<16xf32>
    %add3A_1388 = arith.addf %add3A_1376, %mul3A_1387 : vector<16xf32>
    %get3A_1389 = arith.constant 2 : i32
    %get3A_1390 = arith.index_cast %get3A_1389 : i32 to index
    %get3A_1391 = arith.constant 96 : index
    %get3A_1392 = tpu.vector_load %arg35[%get3A_1390, %get3A_1391] {strides = array<i32>} : memref<13x128xf32, #tpu.memory_space<vmem>>, vector<1x16xf32>,
    %get3A_1393 = vector.shape_cast %get3A_1392 : vector<1x16xf32> to vector<16xf32>
    %get3A_1394 = arith.constant 2 : i32
    %get3A_1395 = arith.index_cast %get3A_1394 : i32 to index
    %get3A_1396 = arith.constant 0 : index
    %get3A_1397 = tpu.vector_load %arg36[%get3A_1395, %get3A_1396] {strides = array<i32>} : memref<14x16xf32, #tpu.memory_space<vmem>>, vector<1x16xf32>,
    %get3A_1398 = vector.shape_cast %get3A_1397 : vector<1x16xf32> to vector<16xf32>
    %mul3A_1399 = arith.mulf %get3A_1393, %get3A_1398 : vector<16xf32>
    %add3A_1400 = arith.addf %add3A_1388, %mul3A_1399 : vector<16xf32>
    %get3A_1401 = arith.constant 3 : i32
    %get3A_1402 = arith.index_cast %get3A_1401 : i32 to index
    %get3A_1403 = arith.constant 96 : index
    %get3A_1404 = tpu.vector_load %arg35[%get3A_1402, %get3A_1403] {strides = array<i32>} : memref<13x128xf32, #tpu.memory_space<vmem>>, vector<1x16xf32>,
    %get3A_1405 = vector.shape_cast %get3A_1404 : vector<1x16xf32> to vector<16xf32>
    %get3A_1406 = arith.constant 3 : i32
    %get3A_1407 = arith.index_cast %get3A_1406 : i32 to index
    %get3A_1408 = arith.constant 0 : index
    %get3A_1409 = tpu.vector_load %arg36[%get3A_1407, %get3A_1408] {strides = array<i32>} : memref<14x16xf32, #tpu.memory_space<vmem>>, vector<1x16xf32>,
    %get3A_1410 = vector.shape_cast %get3A_1409 : vector<1x16xf32> to vector<16xf32>
    %mul3A_1411 = arith.mulf %get3A_1405, %get3A_1410 : vector<16xf32>
    %add3A_1412 = arith.addf %add3A_1400, %mul3A_1411 : vector<16xf32>
    %get3A_1413 = arith.constant 4 : i32
    %get3A_1414 = arith.index_cast %get3A_1413 : i32 to index
    %get3A_1415 = arith.constant 96 : index
    %get3A_1416 = tpu.vector_load %arg35[%get3A_1414, %get3A_1415] {strides = array<i32>} : memref<13x128xf32, #tpu.memory_space<vmem>>, vector<1x16xf32>,
    %get3A_1417 = vector.shape_cast %get3A_1416 : vector<1x16xf32> to vector<16xf32>
    %get3A_1418 = arith.constant 4 : i32
    %get3A_1419 = arith.index_cast %get3A_1418 : i32 to index
    %get3A_1420 = arith.constant 0 : index
    %get3A_1421 = tpu.vector_load %arg36[%get3A_1419, %get3A_1420] {strides = array<i32>} : memref<14x16xf32, #tpu.memory_space<vmem>>, vector<1x16xf32>,
    %get3A_1422 = vector.shape_cast %get3A_1421 : vector<1x16xf32> to vector<16xf32>
    %mul3A_1423 = arith.mulf %get3A_1417, %get3A_1422 : vector<16xf32>
    %add3A_1424 = arith.addf %add3A_1412, %mul3A_1423 : vector<16xf32>
    %get3A_1425 = arith.constant 5 : i32
    %get3A_1426 = arith.index_cast %get3A_1425 : i32 to index
    %get3A_1427 = arith.constant 96 : index
    %get3A_1428 = tpu.vector_load %arg35[%get3A_1426, %get3A_1427] {strides = array<i32>} : memref<13x128xf32, #tpu.memory_space<vmem>>, vector<1x16xf32>,
    %get3A_1429 = vector.shape_cast %get3A_1428 : vector<1x16xf32> to vector<16xf32>
    %get3A_1430 = arith.constant 5 : i32
    %get3A_1431 = arith.index_cast %get3A_1430 : i32 to index
    %get3A_1432 = arith.constant 0 : index
    %get3A_1433 = tpu.vector_load %arg36[%get3A_1431, %get3A_1432] {strides = array<i32>} : memref<14x16xf32, #tpu.memory_space<vmem>>, vector<1x16xf32>,
    %get3A_1434 = vector.shape_cast %get3A_1433 : vector<1x16xf32> to vector<16xf32>
    %mul3A_1435 = arith.mulf %get3A_1429, %get3A_1434 : vector<16xf32>
    %add3A_1436 = arith.addf %add3A_1424, %mul3A_1435 : vector<16xf32>
    %get3A_1437 = arith.constant 6 : i32
    %get3A_1438 = arith.index_cast %get3A_1437 : i32 to index
    %get3A_1439 = arith.constant 96 : index
    %get3A_1440 = tpu.vector_load %arg35[%get3A_1438, %get3A_1439] {strides = array<i32>} : memref<13x128xf32, #tpu.memory_space<vmem>>, vector<1x16xf32>,
    %get3A_1441 = vector.shape_cast %get3A_1440 : vector<1x16xf32> to vector<16xf32>
    %get3A_1442 = arith.constant 6 : i32
    %get3A_1443 = arith.index_cast %get3A_1442 : i32 to index
    %get3A_1444 = arith.constant 0 : index
    %get3A_1445 = tpu.vector_load %arg36[%get3A_1443, %get3A_1444] {strides = array<i32>} : memref<14x16xf32, #tpu.memory_space<vmem>>, vector<1x16xf32>,
    %get3A_1446 = vector.shape_cast %get3A_1445 : vector<1x16xf32> to vector<16xf32>
    %mul3A_1447 = arith.mulf %get3A_1441, %get3A_1446 : vector<16xf32>
    %add3A_1448 = arith.addf %add3A_1436, %mul3A_1447 : vector<16xf32>
    %get3A_1449 = arith.constant 7 : i32
    %get3A_1450 = arith.index_cast %get3A_1449 : i32 to index
    %get3A_1451 = arith.constant 96 : index
    %get3A_1452 = tpu.vector_load %arg35[%get3A_1450, %get3A_1451] {strides = array<i32>} : memref<13x128xf32, #tpu.memory_space<vmem>>, vector<1x16xf32>,
    %get3A_1453 = vector.shape_cast %get3A_1452 : vector<1x16xf32> to vector<16xf32>
    %get3A_1454 = arith.constant 7 : i32
    %get3A_1455 = arith.index_cast %get3A_1454 : i32 to index
    %get3A_1456 = arith.constant 0 : index
    %get3A_1457 = tpu.vector_load %arg36[%get3A_1455, %get3A_1456] {strides = array<i32>} : memref<14x16xf32, #tpu.memory_space<vmem>>, vector<1x16xf32>,
    %get3A_1458 = vector.shape_cast %get3A_1457 : vector<1x16xf32> to vector<16xf32>
    %mul3A_1459 = arith.mulf %get3A_1453, %get3A_1458 : vector<16xf32>
    %add3A_1460 = arith.addf %add3A_1448, %mul3A_1459 : vector<16xf32>
    %get3A_1461 = arith.constant 8 : i32
    %get3A_1462 = arith.index_cast %get3A_1461 : i32 to index
    %get3A_1463 = arith.constant 96 : index
    %get3A_1464 = tpu.vector_load %arg35[%get3A_1462, %get3A_1463] {strides = array<i32>} : memref<13x128xf32, #tpu.memory_space<vmem>>, vector<1x16xf32>,
    %get3A_1465 = vector.shape_cast %get3A_1464 : vector<1x16xf32> to vector<16xf32>
    %get3A_1466 = arith.constant 8 : i32
    %get3A_1467 = arith.index_cast %get3A_1466 : i32 to index
    %get3A_1468 = arith.constant 0 : index
    %get3A_1469 = tpu.vector_load %arg36[%get3A_1467, %get3A_1468] {strides = array<i32>} : memref<14x16xf32, #tpu.memory_space<vmem>>, vector<1x16xf32>,
    %get3A_1470 = vector.shape_cast %get3A_1469 : vector<1x16xf32> to vector<16xf32>
    %mul3A_1471 = arith.mulf %get3A_1465, %get3A_1470 : vector<16xf32>
    %add3A_1472 = arith.addf %add3A_1460, %mul3A_1471 : vector<16xf32>
    %get3A_1473 = arith.constant 9 : i32
    %get3A_1474 = arith.index_cast %get3A_1473 : i32 to index
    %get3A_1475 = arith.constant 96 : index
    %get3A_1476 = tpu.vector_load %arg35[%get3A_1474, %get3A_1475] {strides = array<i32>} : memref<13x128xf32, #tpu.memory_space<vmem>>, vector<1x16xf32>,
    %get3A_1477 = vector.shape_cast %get3A_1476 : vector<1x16xf32> to vector<16xf32>
    %get3A_1478 = arith.constant 9 : i32
    %get3A_1479 = arith.index_cast %get3A_1478 : i32 to index
    %get3A_1480 = arith.constant 0 : index
    %get3A_1481 = tpu.vector_load %arg36[%get3A_1479, %get3A_1480] {strides = array<i32>} : memref<14x16xf32, #tpu.memory_space<vmem>>, vector<1x16xf32>,
    %get3A_1482 = vector.shape_cast %get3A_1481 : vector<1x16xf32> to vector<16xf32>
    %mul3A_1483 = arith.mulf %get3A_1477, %get3A_1482 : vector<16xf32>
    %add3A_1484 = arith.addf %add3A_1472, %mul3A_1483 : vector<16xf32>
    %get3A_1485 = arith.constant 10 : i32
    %get3A_1486 = arith.index_cast %get3A_1485 : i32 to index
    %get3A_1487 = arith.constant 96 : index
    %get3A_1488 = tpu.vector_load %arg35[%get3A_1486, %get3A_1487] {strides = array<i32>} : memref<13x128xf32, #tpu.memory_space<vmem>>, vector<1x16xf32>,
    %get3A_1489 = vector.shape_cast %get3A_1488 : vector<1x16xf32> to vector<16xf32>
    %get3A_1490 = arith.constant 10 : i32
    %get3A_1491 = arith.index_cast %get3A_1490 : i32 to index
    %get3A_1492 = arith.constant 0 : index
    %get3A_1493 = tpu.vector_load %arg36[%get3A_1491, %get3A_1492] {strides = array<i32>} : memref<14x16xf32, #tpu.memory_space<vmem>>, vector<1x16xf32>,
    %get3A_1494 = vector.shape_cast %get3A_1493 : vector<1x16xf32> to vector<16xf32>
    %mul3A_1495 = arith.mulf %get3A_1489, %get3A_1494 : vector<16xf32>
    %add3A_1496 = arith.addf %add3A_1484, %mul3A_1495 : vector<16xf32>
    %get3A_1497 = arith.constant 11 : i32
    %get3A_1498 = arith.index_cast %get3A_1497 : i32 to index
    %get3A_1499 = arith.constant 96 : index
    %get3A_1500 = tpu.vector_load %arg35[%get3A_1498, %get3A_1499] {strides = array<i32>} : memref<13x128xf32, #tpu.memory_space<vmem>>, vector<1x16xf32>,
    %get3A_1501 = vector.shape_cast %get3A_1500 : vector<1x16xf32> to vector<16xf32>
    %get3A_1502 = arith.constant 11 : i32
    %get3A_1503 = arith.index_cast %get3A_1502 : i32 to index
    %get3A_1504 = arith.constant 0 : index
    %get3A_1505 = tpu.vector_load %arg36[%get3A_1503, %get3A_1504] {strides = array<i32>} : memref<14x16xf32, #tpu.memory_space<vmem>>, vector<1x16xf32>,
    %get3A_1506 = vector.shape_cast %get3A_1505 : vector<1x16xf32> to vector<16xf32>
    %mul3A_1507 = arith.mulf %get3A_1501, %get3A_1506 : vector<16xf32>
    %add3A_1508 = arith.addf %add3A_1496, %mul3A_1507 : vector<16xf32>
    %get3A_1509 = arith.constant 12 : i32
    %get3A_1510 = arith.index_cast %get3A_1509 : i32 to index
    %get3A_1511 = arith.constant 96 : index
    %get3A_1512 = tpu.vector_load %arg35[%get3A_1510, %get3A_1511] {strides = array<i32>} : memref<13x128xf32, #tpu.memory_space<vmem>>, vector<1x16xf32>,
    %get3A_1513 = vector.shape_cast %get3A_1512 : vector<1x16xf32> to vector<16xf32>
    %get3A_1514 = arith.constant 12 : i32
    %get3A_1515 = arith.index_cast %get3A_1514 : i32 to index
    %get3A_1516 = arith.constant 0 : index
    %get3A_1517 = tpu.vector_load %arg36[%get3A_1515, %get3A_1516] {strides = array<i32>} : memref<14x16xf32, #tpu.memory_space<vmem>>, vector<1x16xf32>,
    %get3A_1518 = vector.shape_cast %get3A_1517 : vector<1x16xf32> to vector<16xf32>
    %mul3A_1519 = arith.mulf %get3A_1513, %get3A_1518 : vector<16xf32>
    %add3A_1520 = arith.addf %add3A_1508, %mul3A_1519 : vector<16xf32>
    %scan3A_1521 = arith.constant 0 : i32
    %scan3A_1522 = arith.constant 126 : i32
    %scan3A_1523 = arith.addi %scan3A_1521, %scan3A_1522 : i32
    %scan3A_1524 = arith.constant 1 : i32
    %scan3A_1525 = scf.for %scan3A_1702 = %scan3A_1521 to %scan3A_1523 step %scan3A_1524 iter_args(%scan3A_1703 = %add3A_1520) -> (vector<16xf32>)  : i32 {
      %mul3A_1704 = arith.constant 128 : i32
      %mul3A_1705 = arith.muli %scan3A_1702, %mul3A_1704 : i32
      %add3A_1706 = arith.constant 96 : i32
      %add3A_1707 = arith.addi %mul3A_1705, %add3A_1706 : i32
      %get3A_1708 = arith.index_cast %add3A_1707 : i32 to index
      %get3A_1709 = tpu.vector_load %arg37[%get3A_1708] {strides = array<i32>} : memref<16128xf32, #tpu.memory_space<vmem>>, vector<16xf32>,
      %get3A_1710 = vector.shape_cast %get3A_1709 : vector<16xf32> to vector<16xf32>
      %add3A_1711 = arith.addf %scan3A_1703, %get3A_1710 : vector<16xf32>
      scf.yield %add3A_1711 : vector<16xf32>
    }
    %scan3A_1526 = arith.constant 126 : i32
    %swap3A_1527 = arith.constant 96 : index
    %swap3A_1528 = tpu.vector_load %arg38[%swap3A_1527] {strides = array<i32>} : memref<128xf32, #tpu.memory_space<vmem>>, vector<16xf32>,
    %swap3A_1529 = vector.shape_cast %swap3A_1528 : vector<16xf32> to vector<16xf32>
    %swap3A_1530 = vector.shape_cast %scan3A_1525 : vector<16xf32> to vector<16xf32>
    tpu.vector_store %arg38[%swap3A_1527], %swap3A_1530 {strides = array<i32>} : memref<128xf32, #tpu.memory_space<vmem>>, vector<16xf32>,
    %get3A_1531 = arith.constant 13 : i32
    %get3A_1532 = arith.index_cast %get3A_1531 : i32 to index
    %get3A_1533 = arith.constant 0 : index
    %get3A_1534 = tpu.vector_load %arg36[%get3A_1532, %get3A_1533] {strides = array<i32>} : memref<14x16xf32, #tpu.memory_space<vmem>>, vector<1x16xf32>,
    %get3A_1535 = vector.shape_cast %get3A_1534 : vector<1x16xf32> to vector<16xf32>
    %get3A_1536 = arith.constant 0 : i32
    %get3A_1537 = arith.index_cast %get3A_1536 : i32 to index
    %get3A_1538 = arith.constant 112 : index
    %get3A_1539 = tpu.vector_load %arg35[%get3A_1537, %get3A_1538] {strides = array<i32>} : memref<13x128xf32, #tpu.memory_space<vmem>>, vector<1x16xf32>,
    %get3A_1540 = vector.shape_cast %get3A_1539 : vector<1x16xf32> to vector<16xf32>
    %get3A_1541 = arith.constant 0 : i32
    %get3A_1542 = arith.index_cast %get3A_1541 : i32 to index
    %get3A_1543 = arith.constant 0 : index
    %get3A_1544 = tpu.vector_load %arg36[%get3A_1542, %get3A_1543] {strides = array<i32>} : memref<14x16xf32, #tpu.memory_space<vmem>>, vector<1x16xf32>,
    %get3A_1545 = vector.shape_cast %get3A_1544 : vector<1x16xf32> to vector<16xf32>
    %mul3A_1546 = arith.mulf %get3A_1540, %get3A_1545 : vector<16xf32>
    %add3A_1547 = arith.addf %get3A_1535, %mul3A_1546 : vector<16xf32>
    %get3A_1548 = arith.constant 1 : i32
    %get3A_1549 = arith.index_cast %get3A_1548 : i32 to index
    %get3A_1550 = arith.constant 112 : index
    %get3A_1551 = tpu.vector_load %arg35[%get3A_1549, %get3A_1550] {strides = array<i32>} : memref<13x128xf32, #tpu.memory_space<vmem>>, vector<1x16xf32>,
    %get3A_1552 = vector.shape_cast %get3A_1551 : vector<1x16xf32> to vector<16xf32>
    %get3A_1553 = arith.constant 1 : i32
    %get3A_1554 = arith.index_cast %get3A_1553 : i32 to index
    %get3A_1555 = arith.constant 0 : index
    %get3A_1556 = tpu.vector_load %arg36[%get3A_1554, %get3A_1555] {strides = array<i32>} : memref<14x16xf32, #tpu.memory_space<vmem>>, vector<1x16xf32>,
    %get3A_1557 = vector.shape_cast %get3A_1556 : vector<1x16xf32> to vector<16xf32>
    %mul3A_1558 = arith.mulf %get3A_1552, %get3A_1557 : vector<16xf32>
    %add3A_1559 = arith.addf %add3A_1547, %mul3A_1558 : vector<16xf32>
    %get3A_1560 = arith.constant 2 : i32
    %get3A_1561 = arith.index_cast %get3A_1560 : i32 to index
    %get3A_1562 = arith.constant 112 : index
    %get3A_1563 = tpu.vector_load %arg35[%get3A_1561, %get3A_1562] {strides = array<i32>} : memref<13x128xf32, #tpu.memory_space<vmem>>, vector<1x16xf32>,
    %get3A_1564 = vector.shape_cast %get3A_1563 : vector<1x16xf32> to vector<16xf32>
    %get3A_1565 = arith.constant 2 : i32
    %get3A_1566 = arith.index_cast %get3A_1565 : i32 to index
    %get3A_1567 = arith.constant 0 : index
    %get3A_1568 = tpu.vector_load %arg36[%get3A_1566, %get3A_1567] {strides = array<i32>} : memref<14x16xf32, #tpu.memory_space<vmem>>, vector<1x16xf32>,
    %get3A_1569 = vector.shape_cast %get3A_1568 : vector<1x16xf32> to vector<16xf32>
    %mul3A_1570 = arith.mulf %get3A_1564, %get3A_1569 : vector<16xf32>
    %add3A_1571 = arith.addf %add3A_1559, %mul3A_1570 : vector<16xf32>
    %get3A_1572 = arith.constant 3 : i32
    %get3A_1573 = arith.index_cast %get3A_1572 : i32 to index
    %get3A_1574 = arith.constant 112 : index
    %get3A_1575 = tpu.vector_load %arg35[%get3A_1573, %get3A_1574] {strides = array<i32>} : memref<13x128xf32, #tpu.memory_space<vmem>>, vector<1x16xf32>,
    %get3A_1576 = vector.shape_cast %get3A_1575 : vector<1x16xf32> to vector<16xf32>
    %get3A_1577 = arith.constant 3 : i32
    %get3A_1578 = arith.index_cast %get3A_1577 : i32 to index
    %get3A_1579 = arith.constant 0 : index
    %get3A_1580 = tpu.vector_load %arg36[%get3A_1578, %get3A_1579] {strides = array<i32>} : memref<14x16xf32, #tpu.memory_space<vmem>>, vector<1x16xf32>,
    %get3A_1581 = vector.shape_cast %get3A_1580 : vector<1x16xf32> to vector<16xf32>
    %mul3A_1582 = arith.mulf %get3A_1576, %get3A_1581 : vector<16xf32>
    %add3A_1583 = arith.addf %add3A_1571, %mul3A_1582 : vector<16xf32>
    %get3A_1584 = arith.constant 4 : i32
    %get3A_1585 = arith.index_cast %get3A_1584 : i32 to index
    %get3A_1586 = arith.constant 112 : index
    %get3A_1587 = tpu.vector_load %arg35[%get3A_1585, %get3A_1586] {strides = array<i32>} : memref<13x128xf32, #tpu.memory_space<vmem>>, vector<1x16xf32>,
    %get3A_1588 = vector.shape_cast %get3A_1587 : vector<1x16xf32> to vector<16xf32>
    %get3A_1589 = arith.constant 4 : i32
    %get3A_1590 = arith.index_cast %get3A_1589 : i32 to index
    %get3A_1591 = arith.constant 0 : index
    %get3A_1592 = tpu.vector_load %arg36[%get3A_1590, %get3A_1591] {strides = array<i32>} : memref<14x16xf32, #tpu.memory_space<vmem>>, vector<1x16xf32>,
    %get3A_1593 = vector.shape_cast %get3A_1592 : vector<1x16xf32> to vector<16xf32>
    %mul3A_1594 = arith.mulf %get3A_1588, %get3A_1593 : vector<16xf32>
    %add3A_1595 = arith.addf %add3A_1583, %mul3A_1594 : vector<16xf32>
    %get3A_1596 = arith.constant 5 : i32
    %get3A_1597 = arith.index_cast %get3A_1596 : i32 to index
    %get3A_1598 = arith.constant 112 : index
    %get3A_1599 = tpu.vector_load %arg35[%get3A_1597, %get3A_1598] {strides = array<i32>} : memref<13x128xf32, #tpu.memory_space<vmem>>, vector<1x16xf32>,
    %get3A_1600 = vector.shape_cast %get3A_1599 : vector<1x16xf32> to vector<16xf32>
    %get3A_1601 = arith.constant 5 : i32
    %get3A_1602 = arith.index_cast %get3A_1601 : i32 to index
    %get3A_1603 = arith.constant 0 : index
    %get3A_1604 = tpu.vector_load %arg36[%get3A_1602, %get3A_1603] {strides = array<i32>} : memref<14x16xf32, #tpu.memory_space<vmem>>, vector<1x16xf32>,
    %get3A_1605 = vector.shape_cast %get3A_1604 : vector<1x16xf32> to vector<16xf32>
    %mul3A_1606 = arith.mulf %get3A_1600, %get3A_1605 : vector<16xf32>
    %add3A_1607 = arith.addf %add3A_1595, %mul3A_1606 : vector<16xf32>
    %get3A_1608 = arith.constant 6 : i32
    %get3A_1609 = arith.index_cast %get3A_1608 : i32 to index
    %get3A_1610 = arith.constant 112 : index
    %get3A_1611 = tpu.vector_load %arg35[%get3A_1609, %get3A_1610] {strides = array<i32>} : memref<13x128xf32, #tpu.memory_space<vmem>>, vector<1x16xf32>,
    %get3A_1612 = vector.shape_cast %get3A_1611 : vector<1x16xf32> to vector<16xf32>
    %get3A_1613 = arith.constant 6 : i32
    %get3A_1614 = arith.index_cast %get3A_1613 : i32 to index
    %get3A_1615 = arith.constant 0 : index
    %get3A_1616 = tpu.vector_load %arg36[%get3A_1614, %get3A_1615] {strides = array<i32>} : memref<14x16xf32, #tpu.memory_space<vmem>>, vector<1x16xf32>,
    %get3A_1617 = vector.shape_cast %get3A_1616 : vector<1x16xf32> to vector<16xf32>
    %mul3A_1618 = arith.mulf %get3A_1612, %get3A_1617 : vector<16xf32>
    %add3A_1619 = arith.addf %add3A_1607, %mul3A_1618 : vector<16xf32>
    %get3A_1620 = arith.constant 7 : i32
    %get3A_1621 = arith.index_cast %get3A_1620 : i32 to index
    %get3A_1622 = arith.constant 112 : index
    %get3A_1623 = tpu.vector_load %arg35[%get3A_1621, %get3A_1622] {strides = array<i32>} : memref<13x128xf32, #tpu.memory_space<vmem>>, vector<1x16xf32>,
    %get3A_1624 = vector.shape_cast %get3A_1623 : vector<1x16xf32> to vector<16xf32>
    %get3A_1625 = arith.constant 7 : i32
    %get3A_1626 = arith.index_cast %get3A_1625 : i32 to index
    %get3A_1627 = arith.constant 0 : index
    %get3A_1628 = tpu.vector_load %arg36[%get3A_1626, %get3A_1627] {strides = array<i32>} : memref<14x16xf32, #tpu.memory_space<vmem>>, vector<1x16xf32>,
    %get3A_1629 = vector.shape_cast %get3A_1628 : vector<1x16xf32> to vector<16xf32>
    %mul3A_1630 = arith.mulf %get3A_1624, %get3A_1629 : vector<16xf32>
    %add3A_1631 = arith.addf %add3A_1619, %mul3A_1630 : vector<16xf32>
    %get3A_1632 = arith.constant 8 : i32
    %get3A_1633 = arith.index_cast %get3A_1632 : i32 to index
    %get3A_1634 = arith.constant 112 : index
    %get3A_1635 = tpu.vector_load %arg35[%get3A_1633, %get3A_1634] {strides = array<i32>} : memref<13x128xf32, #tpu.memory_space<vmem>>, vector<1x16xf32>,
    %get3A_1636 = vector.shape_cast %get3A_1635 : vector<1x16xf32> to vector<16xf32>
    %get3A_1637 = arith.constant 8 : i32
    %get3A_1638 = arith.index_cast %get3A_1637 : i32 to index
    %get3A_1639 = arith.constant 0 : index
    %get3A_1640 = tpu.vector_load %arg36[%get3A_1638, %get3A_1639] {strides = array<i32>} : memref<14x16xf32, #tpu.memory_space<vmem>>, vector<1x16xf32>,
    %get3A_1641 = vector.shape_cast %get3A_1640 : vector<1x16xf32> to vector<16xf32>
    %mul3A_1642 = arith.mulf %get3A_1636, %get3A_1641 : vector<16xf32>
    %add3A_1643 = arith.addf %add3A_1631, %mul3A_1642 : vector<16xf32>
    %get3A_1644 = arith.constant 9 : i32
    %get3A_1645 = arith.index_cast %get3A_1644 : i32 to index
    %get3A_1646 = arith.constant 112 : index
    %get3A_1647 = tpu.vector_load %arg35[%get3A_1645, %get3A_1646] {strides = array<i32>} : memref<13x128xf32, #tpu.memory_space<vmem>>, vector<1x16xf32>,
    %get3A_1648 = vector.shape_cast %get3A_1647 : vector<1x16xf32> to vector<16xf32>
    %get3A_1649 = arith.constant 9 : i32
    %get3A_1650 = arith.index_cast %get3A_1649 : i32 to index
    %get3A_1651 = arith.constant 0 : index
    %get3A_1652 = tpu.vector_load %arg36[%get3A_1650, %get3A_1651] {strides = array<i32>} : memref<14x16xf32, #tpu.memory_space<vmem>>, vector<1x16xf32>,
    %get3A_1653 = vector.shape_cast %get3A_1652 : vector<1x16xf32> to vector<16xf32>
    %mul3A_1654 = arith.mulf %get3A_1648, %get3A_1653 : vector<16xf32>
    %add3A_1655 = arith.addf %add3A_1643, %mul3A_1654 : vector<16xf32>
    %get3A_1656 = arith.constant 10 : i32
    %get3A_1657 = arith.index_cast %get3A_1656 : i32 to index
    %get3A_1658 = arith.constant 112 : index
    %get3A_1659 = tpu.vector_load %arg35[%get3A_1657, %get3A_1658] {strides = array<i32>} : memref<13x128xf32, #tpu.memory_space<vmem>>, vector<1x16xf32>,
    %get3A_1660 = vector.shape_cast %get3A_1659 : vector<1x16xf32> to vector<16xf32>
    %get3A_1661 = arith.constant 10 : i32
    %get3A_1662 = arith.index_cast %get3A_1661 : i32 to index
    %get3A_1663 = arith.constant 0 : index
    %get3A_1664 = tpu.vector_load %arg36[%get3A_1662, %get3A_1663] {strides = array<i32>} : memref<14x16xf32, #tpu.memory_space<vmem>>, vector<1x16xf32>,
    %get3A_1665 = vector.shape_cast %get3A_1664 : vector<1x16xf32> to vector<16xf32>
    %mul3A_1666 = arith.mulf %get3A_1660, %get3A_1665 : vector<16xf32>
    %add3A_1667 = arith.addf %add3A_1655, %mul3A_1666 : vector<16xf32>
    %get3A_1668 = arith.constant 11 : i32
    %get3A_1669 = arith.index_cast %get3A_1668 : i32 to index
    %get3A_1670 = arith.constant 112 : index
    %get3A_1671 = tpu.vector_load %arg35[%get3A_1669, %get3A_1670] {strides = array<i32>} : memref<13x128xf32, #tpu.memory_space<vmem>>, vector<1x16xf32>,
    %get3A_1672 = vector.shape_cast %get3A_1671 : vector<1x16xf32> to vector<16xf32>
    %get3A_1673 = arith.constant 11 : i32
    %get3A_1674 = arith.index_cast %get3A_1673 : i32 to index
    %get3A_1675 = arith.constant 0 : index
    %get3A_1676 = tpu.vector_load %arg36[%get3A_1674, %get3A_1675] {strides = array<i32>} : memref<14x16xf32, #tpu.memory_space<vmem>>, vector<1x16xf32>,
    %get3A_1677 = vector.shape_cast %get3A_1676 : vector<1x16xf32> to vector<16xf32>
    %mul3A_1678 = arith.mulf %get3A_1672, %get3A_1677 : vector<16xf32>
    %add3A_1679 = arith.addf %add3A_1667, %mul3A_1678 : vector<16xf32>
    %get3A_1680 = arith.constant 12 : i32
    %get3A_1681 = arith.index_cast %get3A_1680 : i32 to index
    %get3A_1682 = arith.constant 112 : index
    %get3A_1683 = tpu.vector_load %arg35[%get3A_1681, %get3A_1682] {strides = array<i32>} : memref<13x128xf32, #tpu.memory_space<vmem>>, vector<1x16xf32>,
    %get3A_1684 = vector.shape_cast %get3A_1683 : vector<1x16xf32> to vector<16xf32>
    %get3A_1685 = arith.constant 12 : i32
    %get3A_1686 = arith.index_cast %get3A_1685 : i32 to index
    %get3A_1687 = arith.constant 0 : index
    %get3A_1688 = tpu.vector_load %arg36[%get3A_1686, %get3A_1687] {strides = array<i32>} : memref<14x16xf32, #tpu.memory_space<vmem>>, vector<1x16xf32>,
    %get3A_1689 = vector.shape_cast %get3A_1688 : vector<1x16xf32> to vector<16xf32>
    %mul3A_1690 = arith.mulf %get3A_1684, %get3A_1689 : vector<16xf32>
    %add3A_1691 = arith.addf %add3A_1679, %mul3A_1690 : vector<16xf32>
    %scan3A_1692 = arith.constant 0 : i32
    %scan3A_1693 = arith.constant 126 : i32
    %scan3A_1694 = arith.addi %scan3A_1692, %scan3A_1693 : i32
    %scan3A_1695 = arith.constant 1 : i32
    %scan3A_1696 = scf.for %scan3A_1702 = %scan3A_1692 to %scan3A_1694 step %scan3A_1695 iter_args(%scan3A_1703 = %add3A_1691) -> (vector<16xf32>)  : i32 {
      %mul3A_1704 = arith.constant 128 : i32
      %mul3A_1705 = arith.muli %scan3A_1702, %mul3A_1704 : i32
      %add3A_1706 = arith.constant 112 : i32
      %add3A_1707 = arith.addi %mul3A_1705, %add3A_1706 : i32
      %get3A_1708 = arith.index_cast %add3A_1707 : i32 to index
      %get3A_1709 = tpu.vector_load %arg37[%get3A_1708] {strides = array<i32>} : memref<16128xf32, #tpu.memory_space<vmem>>, vector<16xf32>,
      %get3A_1710 = vector.shape_cast %get3A_1709 : vector<16xf32> to vector<16xf32>
      %add3A_1711 = arith.addf %scan3A_1703, %get3A_1710 : vector<16xf32>
      scf.yield %add3A_1711 : vector<16xf32>
    }
    %scan3A_1697 = arith.constant 126 : i32
    %swap3A_1698 = arith.constant 112 : index
    %swap3A_1699 = tpu.vector_load %arg38[%swap3A_1698] {strides = array<i32>} : memref<128xf32, #tpu.memory_space<vmem>>, vector<16xf32>,
    %swap3A_1700 = vector.shape_cast %swap3A_1699 : vector<16xf32> to vector<16xf32>
    %swap3A_1701 = vector.shape_cast %scan3A_1696 : vector<16xf32> to vector<16xf32>
    tpu.vector_store %arg38[%swap3A_1698], %swap3A_1701 {strides = array<i32>} : memref<128xf32, #tpu.memory_space<vmem>>, vector<16xf32>,
    "tpu.region"() ({
      %run_scoped3A = tpu.sem_alloc : memref<!tpu.dma_semaphore, #tpu.memory_space<semaphore_mem>>
      %dma_start3A_1702 = tpu.memref_slice %arg33[%mul3A_2] : memref<4096xf32, #tpu.memory_space<hbm>> -> memref<128xf32, #tpu.memory_space<hbm>>
      %dma_start3A_1703 = tpu.memref_slice %arg33[%mul3A_2] : memref<4096xf32, #tpu.memory_space<hbm>> -> memref<128xf32, #tpu.memory_space<hbm>>
      tpu.enqueue_dma source(%arg38 : memref<128xf32, #tpu.memory_space<vmem>>) target(%dma_start3A_1703 : memref<128xf32, #tpu.memory_space<hbm>>) target_semaphore(%run_scoped3A : memref<!tpu.dma_semaphore, #tpu.memory_space<semaphore_mem>>)
      %dma_wait3A_1704 = tpu.memref_slice %arg33[%mul3A_2] : memref<4096xf32, #tpu.memory_space<hbm>> -> memref<128xf32, #tpu.memory_space<hbm>>
      %dma_wait3A_1705 = tpu.memref_slice %arg33[%mul3A_2] : memref<4096xf32, #tpu.memory_space<hbm>> -> memref<128xf32, #tpu.memory_space<hbm>>
      tpu.wait_dma2 semaphore(%run_scoped3A : memref<!tpu.dma_semaphore, #tpu.memory_space<semaphore_mem>>) src(%arg38 : memref<128xf32, #tpu.memory_space<vmem>>) dst(%dma_wait3A_1705 : memref<128xf32, #tpu.memory_space<hbm>>)
      tpu.yield
    }) : () -> ()
    return
  }
}

</mosaic_0001>

<sc_bundles>
// kernel: _run.3.cloned.1.call-start
scs
__scs_entry_jumppad:
0x0: {  	(pc) =	sbr.rel $0x88, $3  }
0x1: {  	(tag) =	ssettag $0x0;
	lr =	simm.s32 $0x1  }
0x2: {  	[smem:$0x3F82] =	sst lr;
	_ =	strace $0xD0000000  }
0x3: {  	_ = 	snop  }
0x4: {  	_ = 	snop  }
0x5: {  	_ = 	snop  }
0x6: {  	_ = 	snop  }
0x7: {  	_ = 	snop  }
__scs_overlays_trampoline_lowered:
0x8: {  	[smem:$0x3F91] =	sst s0  }
0x9: {  	[smem:$0x3F92] =	sst s1  }
0xa: {  	[smem:$0x3F93] =	sst s2  }
0xb: {  	[smem:$0x3F94] =	sst s3  }
0xc: {  	[smem:$0x3F95] =	sst s4  }
0xd: {  	[smem:$0x3F96] =	sst s5  }
0xe: {  	[smem:$0x3F97] =	sst s6  }
0xf: {  	[smem:$0x3F98] =	sst s7  }
0x10: {  	[smem:$0x3F99] =	sst s8  }
0x11: {  	[smem:$0x3F9A] =	sst s9;
	s0 =	simm.s32 @!p0 $0x0  }
0x12: {  	s1 =	sld [smem:$0x3F80];
	s0 =	simm.s32 @p0 $0x1  }
0x13: {  	[smem:$0x3F9B] =	sst s0;
	s0 =	simm.s32 @!p1 $0x0  }
0x14: {  	s2 =	sld [smem:$0x3F7F];
	s0 =	simm.s32 @p1 $0x1  }
0x15: {  	[smem:$0x3F9C] =	sst s0;
	s0 =	simm.s32 @!p2 $0x0  }
0x16: {  	s3 =	sld [smem:$0x3FDB];
	s0 =	simm.s32 @p2 $0x1  }
0x17: {  	s4 =	simm.s32 $0x1BF5;
	[smem:$0x3F9E] =	sst s0  }
0x18: {  	s0 =	sld [smem:$0x3F81];
	_ =	swait.ge [sflag:s4], $0x0  }
0x19: {  	s7 =	sld [smem:$0x3F82]  }
0x1a: {  	s8 =	sadd.s32 $0xFFFFE003, lr  }
0x1b: {  	s9 =	sadd.s32 $0xFFFFFEF7, lr;
	s5 =	simm.s32 $0xFFFFFFFF;
	p2 =	slt.u32 s8, $0xFFFFF086  }
0x1c: {  	p1 =	slt.u32 s9, $0xF7A;
	s5 =	simm.s32 @!p2 $0x0  }
0x1d: {  	s5 =	simm.s32 @p1 $0x1;
	p0 =	seq.s32 s7, s2  }
0x1e: {  	s7 =	smul.u32 @!p0 $0xF7A, s2;
	p2 =	seq.s32 @!p0 s5, $0x0  }
0x1f: {  	s9 =	smul.u32 $0xF7A, s1;
	s8 =	simm.s32 @!p0 $0x1BF5;
	p2 =	por !p2, p0  }
0x20: {  	[sflag:s8] =	ssyncset.s32 @!p0 $0xFFFFF086;
	s6 =	sadd.s32 @!p0 s3, s7;
	s7 =	simm.s32 @!p0 $0x108  }
0x21: {  	s3 =	sadd.s32 s3, s9;
	s6 =	sadd.s32 @!p0 $0x88, s6;
	s7 =	simm.s32 @p2 $0x1082  }
0x22: {  	[simem:s7], [sflag:s8] =	dma.local @!p0 [hbm:s6], $0xF7A  }
0x23: {  	s9 =	sor.u32 $0xD0000000, s2;
	s6 =	simm.s32 $0x108;
	_ =	swait.ge @!p0 [sflag:s8], $0x0  }
0x24: {  	s3 =	sadd.s32 $0x88, s3;
	s6 =	simm.s32 @!p1 $0x1082;
	[sflag:s4] =	ssyncset.s32 $0xFFFFF086  }
0x25: {  	[simem:s6], [sflag:s4] =	dma.local [hbm:s3], $0xF7A  }
0x26: {  	[smem:$0x3F82] =	sst s1;
	(tag) =	ssettag s2;
	_ =	strace s9  }
0x27: {  	s1 =	sld [smem:$0x3F92]  }
0x28: {  	s2 =	sld [smem:$0x3F93]  }
0x29: {  	s4 =	sld [smem:$0x3F95]  }
0x2a: {  	p0 =	seq.s32 s5, $0x0;
	s5 =	sld [smem:$0x3F96]  }
0x2b: {  	s6 =	sld [smem:$0x3F97]  }
0x2c: {  	s7 =	sld [smem:$0x3F98]  }
0x2d: {  	s3 =	simm.s32 $0x108;
	s8 =	sld [smem:$0x3F99]  }
0x2e: {  	s3 =	simm.s32 @!p0 $0x1082;
	s9 =	sld [smem:$0x3F9A]  }
0x2f: {  	lr =	sadd.s32 s0, s3;
	s0 =	sld [smem:$0x3F91]  }
0x30: {  	s3 =	sld [smem:$0x3F94]  }
0x31: {  	[smem:$0x3F9D] =	sst s10  }
0x32: {  	s10 =	sld [smem:$0x3F9B];
	_ =	sdelay $0x3  }
0x33: {  	p0 =	seq.s32 s10, $0x1;
	s10 =	sld [smem:$0x3F9D];
	_ =	sdelay $0x3  }
0x34: {  	[smem:$0x3F9D] =	sst s10  }
0x35: {  	s10 =	sld [smem:$0x3F9C];
	_ =	sdelay $0x3  }
0x36: {  	p1 =	seq.s32 s10, $0x1;
	s10 =	sld [smem:$0x3F9D];
	_ =	sdelay $0x3  }
0x37: {  	[smem:$0x3F9D] =	sst s10  }
0x38: {  	s10 =	sld [smem:$0x3F9E]  }
0x39: {  	_ = 	snop;
	(pc) =	sbr.ind lr, $3  }
0x3a: {  	_ = 	snop  }
0x3b: {  	_ = 	snop  }
0x3c: {  	p2 =	seq.s32 s10, $0x1;
	s10 =	sld [smem:$0x3F9D]  }
0x3d: {  	_ =	shalt  }
0x3e: {  	_ =	shalt  }
0x3f: {  	_ =	shalt  }
0x40: {  	_ =	shalt  }
0x41: {  	_ =	shalt  }
0x42: {  	_ =	shalt  }
0x43: {  	_ =	shalt  }
0x44: {  	_ =	shalt  }
0x45: {  	_ =	shalt  }
0x46: {  	_ =	shalt  }
0x47: {  	_ =	shalt  }
0x48: {  	_ =	shalt  }
0x49: {  	_ =	shalt  }
0x4a: {  	_ =	shalt  }
0x4b: {  	_ =	shalt  }
0x4c: {  	_ =	shalt  }
0x4d: {  	_ =	shalt  }
0x4e: {  	_ =	shalt  }
0x4f: {  	_ =	shalt  }
0x50: {  	_ =	shalt  }
0x51: {  	_ =	shalt  }
0x52: {  	_ =	shalt  }
0x53: {  	_ =	shalt  }
0x54: {  	_ =	shalt  }
0x55: {  	_ =	shalt  }
0x56: {  	_ =	shalt  }
0x57: {  	_ =	shalt  }
0x58: {  	_ =	shalt  }
0x59: {  	_ =	shalt  }
0x5a: {  	_ =	shalt  }
0x5b: {  	_ =	shalt  }
0x5c: {  	_ =	shalt  }
0x5d: {  	_ =	shalt  }
0x5e: {  	_ =	shalt  }
0x5f: {  	_ =	shalt  }
0x60: {  	_ =	shalt  }
0x61: {  	_ =	shalt  }
0x62: {  	_ =	shalt  }
0x63: {  	_ =	shalt  }
0x64: {  	_ =	shalt  }
0x65: {  	_ =	shalt  }
0x66: {  	_ =	shalt  }
0x67: {  	_ =	shalt  }
0x68: {  	_ =	shalt  }
0x69: {  	_ =	shalt  }
0x6a: {  	_ =	shalt  }
0x6b: {  	_ =	shalt  }
0x6c: {  	_ =	shalt  }
0x6d: {  	_ =	shalt  }
0x6e: {  	_ =	shalt  }
0x6f: {  	_ =	shalt  }
0x70: {  	_ =	shalt  }
0x71: {  	_ =	shalt  }
0x72: {  	_ =	shalt  }
0x73: {  	_ =	shalt  }
0x74: {  	_ =	shalt  }
0x75: {  	_ =	shalt  }
0x76: {  	_ =	shalt  }
0x77: {  	_ =	shalt  }
0x78: {  	_ =	shalt  }
0x79: {  	_ =	shalt  }
0x7a: {  	_ =	shalt  }
0x7b: {  	_ =	shalt  }
0x7c: {  	_ =	shalt  }
0x7d: {  	_ =	shalt  }
0x7e: {  	_ =	shalt  }
0x7f: {  	_ =	shalt  }
0x80: {  	_ =	shalt  }
0x81: {  	_ =	shalt  }
0x82: {  	_ =	shalt  }
0x83: {  	_ =	shalt  }
0x84: {  	_ =	shalt  }
0x85: {  	_ =	shalt  }
0x86: {  	_ =	shalt  }
0x87: {  	_ =	shalt  }
.Lfunc_end0:
.L_simem_size_0:
called_computation_lowered:
.L_overlay_start_0:
0x88: {  	s2 =	sld [smem:$0x3FD9]  }
0x89: {  	s3 =	sld [smem:$0x3FFE];
	_ =	sdelay $0x1  }
0x8a: {  	s5 =	srdreg.scid  }
0x8b: {  	s4 =	sand.u32 $0x1, s5  }
0x8c: {  	s1 =	sshll.u32 s4, $0xA;
	s2 =	sadd.s32 s3, s2  }
0x8d: {  	s2 =	sadd.s32 s2, s1  }
0x8e: {  	[smem:$0x3FA9] =	sst s2  }
0x8f: {  	_ = 	snop  }
0x90: {  	s10 =	sld [smem:$0x3FC1]  }
0x91: {  	s11 =	sld [smem:$0x3FC0]  }
0x92: {  	s12 =	sld [smem:$0x3FBF]  }
0x93: {  	s13 =	sld [smem:$0x3FBE]  }
0x94: {  	s14 =	sld [smem:$0x3FBD]  }
0x95: {  	s15 =	sld [smem:$0x3FBC]  }
0x96: {  	s22 =	sld [smem:$0x3FBB]  }
0x97: {  	s23 =	sld [smem:$0x3FBA]  }
0x98: {  	s24 =	sld [smem:$0x3FB9]  }
0x99: {  	s25 =	sld [smem:$0x3FB8]  }
0x9a: {  	s26 =	sld [smem:$0x3FB7]  }
0x9b: {  	s28 =	sld [smem:$0x3FB6]  }
0x9c: {  	s29 =	sld [smem:$0x3FB5]  }
0x9d: {  	s30 =	sld [smem:$0x3FB4]  }
0x9e: {  	s31 =	sld [smem:$0x3FB3]  }
0x9f: {  	s8 =	sld [smem:$0x3FB2]  }
0xa0: {  	s3 =	sld [smem:$0x3FB1]  }
0xa1: {  	s6 =	sld [smem:$0x3FB0]  }
0xa2: {  	s7 =	sld [smem:$0x3FAF]  }
0xa3: {  	s17 =	sld [smem:$0x3FAE]  }
0xa4: {  	s18 =	sld [smem:$0x3FAD]  }
0xa5: {  	s19 =	sld [smem:$0x3FAC]  }
0xa6: {  	s20 =	sld [smem:$0x3FAB]  }
0xa7: {  	s21 =	sld [smem:$0x3FD0];
	(tm) =	ssettm $0x1  }
0xa8: {  	s16 =	sld [smem:$0x3FFB];
	_ =	sdelay $0x3  }
0xa9: {  	_ =	strace s16  }
0xaa: {  	s16 =	sld [smem:$0x3FFC];
	_ =	sdelay $0x3  }
0xab: {  	_ =	strace s16  }
0xac: {  	s16 =	sld [smem:$0x3FFD];
	_ =	sdelay $0x3  }
0xad: {  	_ =	strace s16  }
0xae: {  	_ =	strace $0x8FFFFFFF  }
0xaf: {  	s2 =	sld [smem:$0x3FDB];
	_ =	sdelay $0x1  }
0xb0: {  	s0 =	simm.s32 $_scs_section_size  }
0xb1: {  	s9 =	simm.s32 $_tile_task_arg_handler_lowered;
	s1 =	simm.s32 $_size__tile_task_arg_handler_lowered  }
0xb2: {  	s1 =	sshll.u32 s1, $0x1;
	s0 =	sadd.s32 s0, s2;
	s2 =	sshll.u32 s9, $0x1  }
0xb3: {  	s16 =	simm.s32 $0x1BFF;
	s9 =	simm.s32 $0x60;
	s2 =	sadd.s32 s2, s0  }
0xb4: {  	[timem:s9], [sflag:s16] =	dma.local [hbm:s2], s1  }
0xb5: {  	_ =	swait.ge [sflag:s16], s1  }
0xb6: {  	s9 =	simm.s32 $_tile_overlayer_lowered;
	s1 =	ssub.s32 $0x0, s1;
	[sflag:s16] =	ssyncset.done $0x0  }
0xb7: {  	[sflag:s16] =	ssyncadd.s32 s1;
	s1 =	sshll.u32 s9, $0x1;
	s9 =	simm.s32 $_size__tile_overlayer_lowered  }
0xb8: {  	s2 =	sshll.u32 s9, $0x1;
	s9 =	sadd.s32 s1, s0;
	s1 =	simm.s32 $0x0  }
0xb9: {  	[timem:s1], [sflag:s16] =	dma.local [hbm:s9], s2  }
0xba: {  	_ =	swait.ge [sflag:s16], s2  }
0xbb: {  	s2 =	ssub.s32 $0x0, s2;
	[sflag:s16] =	ssyncset.done $0x0  }
0xbc: {  	[sflag:s16] =	ssyncadd.s32 s2;
	_ =	sdelay $0x1  }
0xbd: {  	s16 =	simm.s32 $0x1B8B  }
0xbe: {  	_ =	swait.ge [sflag:s16], $0x1  }
0xbf: {  	[sflag:s16] =	ssyncset.done $0x0  }
0xc0: {  	s9 =	simm.s32 $0x1B8E;
	[sflag:s16] =	ssyncadd.s32 $0xFFFFFFFF  }
0xc1: {  	s16 =	simm.s32 $execute0_lowered;
	[smem:$0x3FD2] =	sst s9  }
0xc2: {  	s2 =	sshll.u32 s16, $0x1;
	_ =	strace $0x80000046;
	[dreg:$0x1] =	wrdreg $0xFFFFFFFF  }
0xc3: {  	s9 =	simm.s32 $_size_execute0_lowered;
	s0 =	sadd.s32 s0, s2;
	[dreg:$0x0] =	wrdreg $0x0  }
0xc4: {  	s16 =	sshll.u32 s9, $0x1;
	[dreg:$0x2] =	wrdreg s0  }
0xc5: {  	[dreg:$0x3] =	wrdreg s16  }
0xc6: {  	[dreg:$0x4] =	wrdreg $0xC0  }
0xc7: {  	_ =	task [dreg:s1], $0x5FFFF  }
0xc8: {  	[dreg:$0x1] =	wrdreg $0xFFFFFFFF  }
0xc9: {  	[dreg:$0x0] =	wrdreg $0x30  }
0xca: {  	[dreg:$0x2] =	wrdreg $0x0  }
0xcb: {  	[dreg:$0x3] =	wrdreg s22  }
0xcc: {  	[dreg:$0x4] =	wrdreg s23  }
0xcd: {  	[dreg:$0x5] =	wrdreg s24  }
0xce: {  	[dreg:$0x6] =	wrdreg s25  }
0xcf: {  	[dreg:$0x7] =	wrdreg s26  }
0xd0: {  	[dreg:$0x8] =	wrdreg s28  }
0xd1: {  	[dreg:$0x9] =	wrdreg s29  }
0xd2: {  	[dreg:$0xa] =	wrdreg s30  }
0xd3: {  	[dreg:$0xb] =	wrdreg s31  }
0xd4: {  	[dreg:$0xc] =	wrdreg s8  }
0xd5: {  	[dreg:$0xd] =	wrdreg s3  }
0xd6: {  	[dreg:$0xe] =	wrdreg s6  }
0xd7: {  	[dreg:$0xf] =	wrdreg s7  }
0xd8: {  	_ =	task [dreg:s1], $0x10FFFF  }
0xd9: {  	[dreg:$0x1] =	wrdreg $0xFFFFFFFF  }
0xda: {  	[dreg:$0x0] =	wrdreg $0x30  }
0xdb: {  	[dreg:$0x2] =	wrdreg $0xD  }
0xdc: {  	[dreg:$0x3] =	wrdreg s17  }
0xdd: {  	[dreg:$0x4] =	wrdreg s18  }
0xde: {  	[dreg:$0x5] =	wrdreg s19  }
0xdf: {  	[dreg:$0x6] =	wrdreg s20  }
0xe0: {  	[dreg:$0x7] =	wrdreg s21  }
0xe1: {  	[dreg:$0x8] =	wrdreg $0x9  }
0xe2: {  	_ =	task [dreg:s1], $0x9FFFF  }
0xe3: {  	[dreg:$0x1] =	wrdreg $0xFFFFFFFF  }
0xe4: {  	s19 =	sld [smem:$0x3FC9]  }
0xe5: {  	s20 =	sld [smem:$0x3FC8]  }
0xe6: {  	s21 =	sld [smem:$0x3FC7]  }
0xe7: {  	s22 =	sld [smem:$0x3FC6]  }
0xe8: {  	s23 =	sld [smem:$0x3FC5]  }
0xe9: {  	s24 =	sld [smem:$0x3FC4]  }
0xea: {  	s25 =	sld [smem:$0x3FC3]  }
0xeb: {  	s26 =	sld [smem:$0x3FC2]  }
0xec: {  	[dreg:$0x0] =	wrdreg $0x60  }
0xed: {  	[dreg:$0x2] =	wrdreg s19  }
0xee: {  	[dreg:$0x3] =	wrdreg s20  }
0xef: {  	[dreg:$0x4] =	wrdreg s21  }
0xf0: {  	[dreg:$0x5] =	wrdreg s22  }
0xf1: {  	[dreg:$0x6] =	wrdreg s23  }
0xf2: {  	[dreg:$0x7] =	wrdreg s24  }
0xf3: {  	[dreg:$0x8] =	wrdreg s25  }
0xf4: {  	[dreg:$0x9] =	wrdreg s26  }
0xf5: {  	[dreg:$0xa] =	wrdreg s10  }
0xf6: {  	[dreg:$0xb] =	wrdreg s11  }
0xf7: {  	[dreg:$0xc] =	wrdreg s12  }
0xf8: {  	[dreg:$0xd] =	wrdreg s13  }
0xf9: {  	[dreg:$0xe] =	wrdreg s14  }
0xfa: {  	[dreg:$0xf] =	wrdreg s15  }
0xfb: {  	_ =	task.clear_ibuf [dreg:s1], $0x10FFFF;
	_ =	strace $0x90000046  }
0xfc: {  	s28 =	simm.s32 $0x9;
	_ =	strace $0x80000048  }
0xfd: {  	_ =	swait.ge [sflag:s28], $0x1  }
0xfe: {  	[sflag:s28] =	ssyncadd.s32 $0xFFFFFFFF  }
0xff: {  	_ =	strace $0x90000048  }
0x100: {  	_ =	sfence  }
0x101: {  	s29 =	sld [smem:$0x0];
	_ =	sdelay $0x2  }
0x102: {  	s30 =	sshll.u32 s5, $0xD;
	s31 =	sshrl.u32 s5, $0x2  }
0x103: {  	s2 =	sand.u32 $0x4000, s30;
	s0 =	sadd.s32 s31, s29  }
0x104: {  	s2 =	sor.u32 s2, s4;
	s0 =	sshll.u32 s0, $0x11  }
0x105: {  	s0 =	sor.u32 s0, s2  }
0x106: {  	s0 =	sadd.s32 $0x8F2B, s0  }
0x107: {  	[sflag:s0] =	ssyncadd.remote.s32 $0x1  }
0x108: {  	_ =	sfence.sel $0xFFFF  }
0x109: {  	[dreg:$0x0] =	wrdreg $0xFFFFFFFF;
	(pc) =	sbr.abs _section_cstart, $3  }
0x10a: {  	[dreg:$0x1] =	wrdreg $0xFFFFFFFF  }
0x10b: {  	_ =	task.clear_ibuf [dreg:s1], $0x2FFFF;
	_ =	strace $0x9FFFFFFF  }
0x10c: {  	(tm) =	ssettm $0x7FFFFFFF  }
0x10d: {  	_ =	shalt  }
tec
_tile_task_arg_handler_lowered:
.L_overlay_start_1:
0x0: {  	(tag) =	ssettag $0x1  }
0x1: {  	s0 =	rddreg [dreg:$0x0]  }
0x2: {  	s1 =	rddreg [dreg:$0x1]  }
0x3: {  	s2 =	rddreg [dreg:$0x2]  }
0x4: {  	s3 =	rddreg [dreg:$0x3]  }
0x5: {  	s4 =	rddreg [dreg:$0x4]  }
0x6: {  	s5 =	rddreg [dreg:$0x5]  }
0x7: {  	s6 =	rddreg [dreg:$0x6]  }
0x8: {  	s7 =	rddreg [dreg:$0x7]  }
0x9: {  	s8 =	rddreg [dreg:$0x8]  }
0xa: {  	s9 =	rddreg [dreg:$0x9]  }
0xb: {  	s10 =	rddreg [dreg:$0xa]  }
0xc: {  	s11 =	rddreg [dreg:$0xb]  }
0xd: {  	s12 =	rddreg [dreg:$0xc]  }
0xe: {  	s13 =	rddreg [dreg:$0xd]  }
0xf: {  	[smem:s0] =	sst s1  }
0x10: {  	[smem:s0+$0x1] =	sst s2  }
0x11: {  	[smem:s0+$0x2] =	sst s3  }
0x12: {  	[smem:s0+$0x3] =	sst s4  }
0x13: {  	[smem:s0+$0x4] =	sst s5  }
0x14: {  	[smem:s0+$0x5] =	sst s6  }
0x15: {  	[smem:s0+$0x6] =	sst s7  }
0x16: {  	[smem:s0+$0x7] =	sst s8  }
0x17: {  	[smem:s0+$0x8] =	sst s9  }
0x18: {  	[smem:s0+$0x9] =	sst s10  }
0x19: {  	[smem:s0+$0xA] =	sst s11  }
0x1a: {  	[smem:s0+$0xB] =	sst s12  }
0x1b: {  	[smem:s0+$0xC] =	sst s13;
	_ =	shalt  }
.Lfunc_end2:
execute0_lowered:
.L_overlay_start_2:
0x1c: {  	(tag) =	ssettag $0x2  }
0x1d: {  	s0 =	rddreg [dreg:$0x0]  }
0x1e: {  	s1 =	rddreg [dreg:$0x1];
	s12 =	simm.s32 $0x0  }
0x1f: {  	[smem:$0x7FF] =	sst s12  }
0x20: {  	s13 =	sld [smem:$0x0]  }
0x21: {  	s14 =	sld [smem:$0x1]  }
0x22: {  	s15 =	sld [smem:$0x2]  }
0x23: {  	s16 =	sld [smem:$0x3]  }
0x24: {  	s17 =	sld [smem:$0x4]  }
0x25: {  	s18 =	sld [smem:$0x5]  }
0x26: {  	s19 =	sld [smem:$0x6]  }
0x27: {  	s20 =	sld [smem:$0x7]  }
0x28: {  	s22 =	sld [smem:$0x8]  }
0x29: {  	s23 =	sld [smem:$0x9]  }
0x2a: {  	s24 =	sld [smem:$0xA]  }
0x2b: {  	s25 =	sld [smem:$0xB]  }
0x2c: {  	s2 =	srdreg.scid;
	s26 =	sld [smem:$0xC]  }
0x2d: {  	s4 =	stileid.u32;
	s28 =	sld [smem:$0xD]  }
0x2e: {  	s9 =	simm.s32 $0x1900;
	s2 =	sand.u32 $0x1, s2;
	s29 =	sld [smem:$0xE]  }
0x2f: {  	s3 =	sshll.u32 s4, $0x1;
	s4 =	sshrl.u32 s4, $0x2;
	s10 =	sld [smem:$0x11]  }
0x30: {  	s3 =	sor.u32 s2, s3;
	s4 =	smul.u32 $0x1F800, s4;
	s31 =	sld [smem:$0xF]  }
0x31: {  	s2 =	ssub.s32 $0x2, s2;
	s11 =	sld [smem:$0x12];
	s5 =	sshll.u32 s3, $0x7  }
0x32: {  	s30 =	sld [smem:$0x10];
	s7 =	sshrl.u32 s2, $0x1;
	s6 =	sand.u32 $0x380, s5  }
0x33: {  	s3 =	sshll.u32 s3, $0x4;
	s2 =	ssub.s32 s2, s7;
	s4 =	sor.u32 s4, s6  }
0x34: {  	[dreg:$0xe] =	wrdreg s11;
	s2 =	smax.u32 s2, $0x1;
	s4 =	sshrl.u32 s4, $0x3  }
0x35: {  	s11 =	simm.s32 $0x8E00;
	_ =	strace $0x80000047;
	s21 =	sadd.s32 s0, s4  }
0x36: {  	s0 =	sadd.s32 s1, s5;
	s1 =	sadd.s32 s10, s3;
	s3 =	simm.s32 $0x80  }
0x37: {  	s5 =	simm.s32 $0x2;
	s10 =	simm.s32 $0x1;
	s4 =	simm.s32 $0x0  }
.LBB3_1:
0x38: {  	s6 =	simm.s32 $0x400  }
0x39: {  	[tilespmem:s12], [sflag:$0x2] =	stream.strided.gather [hbm4b:s21+s3], $0x3F00, s6, s3, $0x38;
	[tilespmem:$0x8E80] =	vst v63  }
0x3a: {  	_ =	swait.ge [sflag:s5], $0x3F00  }
0x3b: {  	[sflag:s5] =	ssyncset.done $0x0  }
0x3c: {  	s7 =	simm.s32 $0x3F00;
	[sflag:s5] =	ssyncadd.s32 $0xFFFFC100  }
0x3d: {  	[tilespmem:s7], [sflag:$0x2] =	stream.linear.gather [hbm4b:s0+s12], $0x400, $0x38;
	[tilespmem:$0x8E80] =	vst v63  }
0x3e: {  	s8 =	sadd.s32 $0x1000, s0;
	s7 =	simm.s32 $0x4300  }
0x3f: {  	[tilespmem:s7], [sflag:$0x2] =	stream.linear.gather [hbm4b:s8+s12], $0x280, $0x38;
	[tilespmem:$0x8E80] =	vst v63  }
0x40: {  	_ =	swait.ge [sflag:s5], $0x680  }
0x41: {  	[sflag:s5] =	ssyncset.done $0x0  }
0x42: {  	[sflag:s5] =	ssyncadd.s32 $0xFFFFF980  }
0x43: {  	s8 =	simm.s32 $0x4700;
	s7 =	rddreg [dreg:$0x2]  }
0x44: {  	[tilespmem:s8], [sflag:$0x2] =	stream.linear.gather [hbm4b:s7+s12], $0x700, $0x38;
	[tilespmem:$0x8E80] =	vst v63  }
0x45: {  	_ =	swait.ge [sflag:s5], $0x700  }
0x46: {  	[sflag:s5] =	ssyncset.done $0x0  }
0x47: {  	[sflag:s5] =	ssyncadd.s32 $0xFFFFF900  }
0x48: {  	s8 =	simm.s32 $0x4F00;
	s7 =	rddreg [dreg:$0x3]  }
0x49: {  	[tilespmem:s8], [sflag:$0x1] =	stream.indirect.gather [hbm4b:s7+s9], $0x1, s12, s9, $0xb8;
	[tilespmem:$0x8E80] =	vst v63  }
0x4a: {  	s7 =	rddreg [dreg:$0x4];
	s8 =	simm.s32 $0x6800  }
0x4b: {  	[tilespmem:s8], [sflag:$0x1] =	stream.indirect.gather [hbm4b:s7+s9], $0x1, s9, s9, $0xb8;
	[tilespmem:$0x8E80] =	vst v63  }
0x4c: {  	s6 =	rddreg [dreg:$0x5];
	s7 =	simm.s32 $0x3200;
	s8 =	simm.s32 $0x8100  }
0x4d: {  	[tilespmem:s8], [sflag:$0x1] =	stream.indirect.gather [hbm4b:s6+s3], $0x1, s7, s3, $0xb8;
	[tilespmem:$0x8E80] =	vst v63  }
0x4e: {  	s6 =	rddreg [dreg:$0x6];
	s7 =	simm.s32 $0x3280;
	s8 =	simm.s32 $0x8180  }
0x4f: {  	[tilespmem:s8], [sflag:$0x1] =	stream.indirect.gather [hbm4b:s6+s3], $0x1, s7, s3, $0xb8;
	[tilespmem:$0x8E80] =	vst v63  }
0x50: {  	s6 =	rddreg [dreg:$0x7];
	s7 =	simm.s32 $0x3300;
	s8 =	simm.s32 $0x8200  }
0x51: {  	[tilespmem:s8], [sflag:$0x1] =	stream.indirect.gather [hbm4b:s6+s3], $0x1, s7, s3, $0xb8;
	[tilespmem:$0x8E80] =	vst v63  }
0x52: {  	s6 =	rddreg [dreg:$0x8];
	s7 =	simm.s32 $0x3380;
	s8 =	simm.s32 $0x8280  }
0x53: {  	[tilespmem:s8], [sflag:$0x1] =	stream.indirect.gather [hbm4b:s6+s3], $0x1, s7, s3, $0xb8;
	[tilespmem:$0x8E80] =	vst v63  }
0x54: {  	s6 =	rddreg [dreg:$0x9];
	s7 =	simm.s32 $0x3400;
	s8 =	simm.s32 $0x8300  }
0x55: {  	[tilespmem:s8], [sflag:$0x1] =	stream.indirect.gather [hbm4b:s6+s3], $0x1, s7, s3, $0xb8;
	[tilespmem:$0x8E80] =	vst v63  }
0x56: {  	s6 =	rddreg [dreg:$0xa];
	s7 =	simm.s32 $0x3480;
	s8 =	simm.s32 $0x8380  }
0x57: {  	[tilespmem:s8], [sflag:$0x1] =	stream.indirect.gather [hbm4b:s6+s3], $0x1, s7, s3, $0xb8;
	[tilespmem:$0x8E80] =	vst v63  }
0x58: {  	s6 =	rddreg [dreg:$0xb];
	s7 =	simm.s32 $0x3500;
	s8 =	simm.s32 $0x8400  }
0x59: {  	[tilespmem:s8], [sflag:$0x1] =	stream.indirect.gather [hbm4b:s6+s3], $0x1, s7, s3, $0xb8;
	[tilespmem:$0x8E80] =	vst v63  }
0x5a: {  	s6 =	rddreg [dreg:$0xc];
	s7 =	simm.s32 $0x3580;
	s8 =	simm.s32 $0x8480  }
0x5b: {  	[tilespmem:s8], [sflag:$0x1] =	stream.indirect.gather [hbm4b:s6+s3], $0x1, s7, s3, $0xb8;
	[tilespmem:$0x8E80] =	vst v63  }
0x5c: {  	s6 =	rddreg [dreg:$0xd];
	s7 =	simm.s32 $0x3600;
	s8 =	simm.s32 $0x8500  }
0x5d: {  	[tilespmem:s8], [sflag:$0x1] =	stream.indirect.gather [hbm4b:s6+s3], $0x1, s7, s3, $0xb8;
	[tilespmem:$0x8E80] =	vst v63  }
0x5e: {  	s7 =	simm.s32 $0x3680;
	s8 =	simm.s32 $0x8580  }
0x5f: {  	[tilespmem:s8], [sflag:$0x1] =	stream.indirect.gather [hbm4b:s13+s3], $0x1, s7, s3, $0xb8;
	[tilespmem:$0x8E80] =	vst v63  }
0x60: {  	s7 =	simm.s32 $0x3700;
	s8 =	simm.s32 $0x8600  }
0x61: {  	[tilespmem:s8], [sflag:$0x1] =	stream.indirect.gather [hbm4b:s14+s3], $0x1, s7, s3, $0xb8;
	[tilespmem:$0x8E80] =	vst v63  }
0x62: {  	s7 =	simm.s32 $0x3780;
	s8 =	simm.s32 $0x8680  }
0x63: {  	[tilespmem:s8], [sflag:$0x1] =	stream.indirect.gather [hbm4b:s15+s3], $0x1, s7, s3, $0xb8;
	[tilespmem:$0x8E80] =	vst v63  }
0x64: {  	s7 =	simm.s32 $0x3800;
	s8 =	simm.s32 $0x8700  }
0x65: {  	[tilespmem:s8], [sflag:$0x1] =	stream.indirect.gather [hbm4b:s16+s3], $0x1, s7, s3, $0xb8;
	[tilespmem:$0x8E80] =	vst v63  }
0x66: {  	s7 =	simm.s32 $0x3880;
	s8 =	simm.s32 $0x8780  }
0x67: {  	[tilespmem:s8], [sflag:$0x1] =	stream.indirect.gather [hbm4b:s17+s3], $0x1, s7, s3, $0xb8;
	[tilespmem:$0x8E80] =	vst v63  }
0x68: {  	s7 =	simm.s32 $0x3900;
	s8 =	simm.s32 $0x8800  }
0x69: {  	[tilespmem:s8], [sflag:$0x1] =	stream.indirect.gather [hbm4b:s18+s3], $0x1, s7, s3, $0xb8;
	[tilespmem:$0x8E80] =	vst v63  }
0x6a: {  	s7 =	simm.s32 $0x3980;
	s8 =	simm.s32 $0x8880  }
0x6b: {  	[tilespmem:s8], [sflag:$0x1] =	stream.indirect.gather [hbm4b:s19+s3], $0x1, s7, s3, $0xb8;
	[tilespmem:$0x8E80] =	vst v63  }
0x6c: {  	s7 =	simm.s32 $0x3A00;
	s8 =	simm.s32 $0x8900  }
0x6d: {  	[tilespmem:s8], [sflag:$0x1] =	stream.indirect.gather [hbm4b:s20+s3], $0x1, s7, s3, $0xb8;
	[tilespmem:$0x8E80] =	vst v63  }
0x6e: {  	s7 =	simm.s32 $0x3A80;
	s8 =	simm.s32 $0x8980  }
0x6f: {  	[tilespmem:s8], [sflag:$0x1] =	stream.indirect.gather [hbm4b:s22+s3], $0x1, s7, s3, $0xb8;
	[tilespmem:$0x8E80] =	vst v63  }
0x70: {  	s7 =	simm.s32 $0x3B00;
	s8 =	simm.s32 $0x8A00  }
0x71: {  	[tilespmem:s8], [sflag:$0x1] =	stream.indirect.gather [hbm4b:s23+s3], $0x1, s7, s3, $0xb8;
	[tilespmem:$0x8E80] =	vst v63  }
0x72: {  	s7 =	simm.s32 $0x3B80;
	s8 =	simm.s32 $0x8A80  }
0x73: {  	[tilespmem:s8], [sflag:$0x1] =	stream.indirect.gather [hbm4b:s24+s3], $0x1, s7, s3, $0xb8;
	[tilespmem:$0x8E80] =	vst v63  }
0x74: {  	s7 =	simm.s32 $0x3C00;
	s8 =	simm.s32 $0x8B00  }
0x75: {  	[tilespmem:s8], [sflag:$0x1] =	stream.indirect.gather [hbm4b:s25+s3], $0x1, s7, s3, $0xb8;
	[tilespmem:$0x8E80] =	vst v63  }
0x76: {  	s7 =	simm.s32 $0x3C80;
	s8 =	simm.s32 $0x8B80  }
0x77: {  	[tilespmem:s8], [sflag:$0x1] =	stream.indirect.gather [hbm4b:s26+s3], $0x1, s7, s3, $0xb8;
	[tilespmem:$0x8E80] =	vst v63  }
0x78: {  	s7 =	simm.s32 $0x3D00;
	s8 =	simm.s32 $0x8C00  }
0x79: {  	[tilespmem:s8], [sflag:$0x1] =	stream.indirect.gather [hbm4b:s28+s3], $0x1, s7, s3, $0xb8;
	[tilespmem:$0x8E80] =	vst v63  }
0x7a: {  	s7 =	simm.s32 $0x3D80;
	s8 =	simm.s32 $0x8C80  }
0x7b: {  	[tilespmem:s8], [sflag:$0x1] =	stream.indirect.gather [hbm4b:s29+s3], $0x1, s7, s3, $0xb8;
	[tilespmem:$0x8E80] =	vst v63  }
0x7c: {  	s7 =	simm.s32 $0x3E00;
	s8 =	simm.s32 $0x8D00  }
0x7d: {  	[tilespmem:s8], [sflag:$0x1] =	stream.indirect.gather [hbm4b:s31+s3], $0x1, s7, s3, $0xb8;
	[tilespmem:$0x8E80] =	vst v63  }
0x7e: {  	s7 =	simm.s32 $0x3E80;
	s8 =	simm.s32 $0x8D80  }
0x7f: {  	[tilespmem:s8], [sflag:$0x1] =	stream.indirect.gather [hbm4b:s30+s3], $0x1, s7, s3, $0xb8;
	[tilespmem:$0x8E80] =	vst v63  }
0x80: {  	_ =	swait.ge [sflag:s10], $0x1900  }
0x81: {  	[sflag:s10] =	ssyncset.done $0x0  }
0x82: {  	[sflag:s10] =	ssyncadd.s32 $0xFFFFE700  }
0x83: {  	_ =	swait.ge [sflag:s10], $0x1900  }
0x84: {  	[sflag:s10] =	ssyncset.done $0x0  }
0x85: {  	[sflag:s10] =	ssyncadd.s32 $0xFFFFE700  }
0x86: {  	_ =	swait.ge [sflag:s10], $0x80  }
0x87: {  	[sflag:s10] =	ssyncset.done $0x0  }
0x88: {  	[sflag:s10] =	ssyncadd.s32 $0xFFFFFF80  }
0x89: {  	_ =	swait.ge [sflag:s10], $0x80  }
0x8a: {  	[sflag:s10] =	ssyncset.done $0x0  }
0x8b: {  	[sflag:s10] =	ssyncadd.s32 $0xFFFFFF80  }
0x8c: {  	_ =	swait.ge [sflag:s10], $0x80  }
0x8d: {  	[sflag:s10] =	ssyncset.done $0x0  }
0x8e: {  	[sflag:s10] =	ssyncadd.s32 $0xFFFFFF80  }
0x8f: {  	_ =	swait.ge [sflag:s10], $0x80  }
0x90: {  	[sflag:s10] =	ssyncset.done $0x0  }
0x91: {  	[sflag:s10] =	ssyncadd.s32 $0xFFFFFF80  }
0x92: {  	_ =	swait.ge [sflag:s10], $0x80  }
0x93: {  	[sflag:s10] =	ssyncset.done $0x0  }
0x94: {  	[sflag:s10] =	ssyncadd.s32 $0xFFFFFF80  }
0x95: {  	_ =	swait.ge [sflag:s10], $0x80  }
0x96: {  	[sflag:s10] =	ssyncset.done $0x0  }
0x97: {  	[sflag:s10] =	ssyncadd.s32 $0xFFFFFF80  }
0x98: {  	_ =	swait.ge [sflag:s10], $0x80  }
0x99: {  	[sflag:s10] =	ssyncset.done $0x0  }
0x9a: {  	[sflag:s10] =	ssyncadd.s32 $0xFFFFFF80  }
0x9b: {  	_ =	swait.ge [sflag:s10], $0x80  }
0x9c: {  	[sflag:s10] =	ssyncset.done $0x0  }
0x9d: {  	[sflag:s10] =	ssyncadd.s32 $0xFFFFFF80  }
0x9e: {  	_ =	swait.ge [sflag:s10], $0x80  }
0x9f: {  	[sflag:s10] =	ssyncset.done $0x0  }
0xa0: {  	[sflag:s10] =	ssyncadd.s32 $0xFFFFFF80  }
0xa1: {  	_ =	swait.ge [sflag:s10], $0x80  }
0xa2: {  	[sflag:s10] =	ssyncset.done $0x0  }
0xa3: {  	[sflag:s10] =	ssyncadd.s32 $0xFFFFFF80  }
0xa4: {  	_ =	swait.ge [sflag:s10], $0x80  }
0xa5: {  	[sflag:s10] =	ssyncset.done $0x0  }
0xa6: {  	[sflag:s10] =	ssyncadd.s32 $0xFFFFFF80  }
0xa7: {  	_ =	swait.ge [sflag:s10], $0x80  }
0xa8: {  	[sflag:s10] =	ssyncset.done $0x0  }
0xa9: {  	[sflag:s10] =	ssyncadd.s32 $0xFFFFFF80  }
0xaa: {  	_ =	swait.ge [sflag:s10], $0x80  }
0xab: {  	[sflag:s10] =	ssyncset.done $0x0  }
0xac: {  	[sflag:s10] =	ssyncadd.s32 $0xFFFFFF80  }
0xad: {  	_ =	swait.ge [sflag:s10], $0x80  }
0xae: {  	[sflag:s10] =	ssyncset.done $0x0  }
0xaf: {  	[sflag:s10] =	ssyncadd.s32 $0xFFFFFF80  }
0xb0: {  	_ =	swait.ge [sflag:s10], $0x80  }
0xb1: {  	[sflag:s10] =	ssyncset.done $0x0  }
0xb2: {  	[sflag:s10] =	ssyncadd.s32 $0xFFFFFF80  }
0xb3: {  	_ =	swait.ge [sflag:s10], $0x80  }
0xb4: {  	[sflag:s10] =	ssyncset.done $0x0  }
0xb5: {  	[sflag:s10] =	ssyncadd.s32 $0xFFFFFF80  }
0xb6: {  	_ =	swait.ge [sflag:s10], $0x80  }
0xb7: {  	[sflag:s10] =	ssyncset.done $0x0  }
0xb8: {  	[sflag:s10] =	ssyncadd.s32 $0xFFFFFF80  }
0xb9: {  	_ =	swait.ge [sflag:s10], $0x80  }
0xba: {  	[sflag:s10] =	ssyncset.done $0x0  }
0xbb: {  	[sflag:s10] =	ssyncadd.s32 $0xFFFFFF80  }
0xbc: {  	_ =	swait.ge [sflag:s10], $0x80  }
0xbd: {  	[sflag:s10] =	ssyncset.done $0x0  }
0xbe: {  	[sflag:s10] =	ssyncadd.s32 $0xFFFFFF80  }
0xbf: {  	_ =	swait.ge [sflag:s10], $0x80  }
0xc0: {  	[sflag:s10] =	ssyncset.done $0x0  }
0xc1: {  	[sflag:s10] =	ssyncadd.s32 $0xFFFFFF80  }
0xc2: {  	_ =	swait.ge [sflag:s10], $0x80  }
0xc3: {  	[sflag:s10] =	ssyncset.done $0x0  }
0xc4: {  	[sflag:s10] =	ssyncadd.s32 $0xFFFFFF80  }
0xc5: {  	_ =	swait.ge [sflag:s10], $0x80  }
0xc6: {  	[sflag:s10] =	ssyncset.done $0x0  }
0xc7: {  	[sflag:s10] =	ssyncadd.s32 $0xFFFFFF80  }
0xc8: {  	_ =	swait.ge [sflag:s10], $0x80  }
0xc9: {  	[sflag:s10] =	ssyncset.done $0x0  }
0xca: {  	[sflag:s10] =	ssyncadd.s32 $0xFFFFFF80  }
0xcb: {  	_ =	swait.ge [sflag:s10], $0x80  }
0xcc: {  	[sflag:s10] =	ssyncset.done $0x0  }
0xcd: {  	[sflag:s10] =	ssyncadd.s32 $0xFFFFFF80  }
0xce: {  	_ =	swait.ge [sflag:s10], $0x80  }
0xcf: {  	[sflag:s10] =	ssyncset.done $0x0  }
0xd0: {  	[sflag:s10] =	ssyncadd.s32 $0xFFFFFF80  }
0xd1: {  	_ =	swait.ge [sflag:s10], $0x80  }
0xd2: {  	[sflag:s10] =	ssyncset.done $0x0  }
0xd3: {  	[sflag:s10] =	ssyncadd.s32 $0xFFFFFF80  }
0xd4: {  	v0 =	vld [tilespmem:$0x4D80]  }
0xd5: {  	v1 =	vld [tilespmem:$0x3F00]  }
0xd6: {  	v2 =	vld [tilespmem:$0x4700]  }
0xd7: {  	v3 =	vld [tilespmem:$0x3F80]  }
0xd8: {  	v4 =	vld [tilespmem:$0x4780]  }
0xd9: {  	v5 =	vld [tilespmem:$0x4000]  }
0xda: {  	v6 =	vld [tilespmem:$0x4800]  }
0xdb: {  	v7 =	vld [tilespmem:$0x4880];
	v1 =	vmul.f32 v2, v1  }
0xdc: {  	v2 =	vld [tilespmem:$0x4080]  }
0xdd: {  	v52 =	vld [tilespmem:$0x4900];
	v0 =	vadd.f32 v1, v0;
	v1 =	vmul.f32 v4, v3  }
0xde: {  	v3 =	vld [tilespmem:$0x4100]  }
0xdf: {  	v53 =	vld [tilespmem:$0x4180];
	v0 =	vadd.f32 v1, v0;
	v1 =	vmul.f32 v6, v5  }
0xe0: {  	v54 =	vld [tilespmem:$0x4980]  }
0xe1: {  	v55 =	vld [tilespmem:$0x4A00];
	v0 =	vadd.f32 v1, v0;
	v1 =	vmul.f32 v7, v2  }
0xe2: {  	v2 =	vld [tilespmem:$0x4200]  }
0xe3: {  	v56 =	vld [tilespmem:$0x4A80];
	v0 =	vadd.f32 v1, v0;
	v1 =	vmul.f32 v52, v3  }
0xe4: {  	v3 =	vld [tilespmem:$0x4280]  }
0xe5: {  	v57 =	vld [tilespmem:$0x4300];
	v0 =	vadd.f32 v1, v0;
	v1 =	vmul.f32 v54, v53  }
0xe6: {  	v58 =	vld [tilespmem:$0x4B00]  }
0xe7: {  	v59 =	vld [tilespmem:$0x4B80];
	v0 =	vadd.f32 v1, v0;
	v1 =	vmul.f32 v55, v2  }
0xe8: {  	v2 =	vld [tilespmem:$0x4380]  }
0xe9: {  	v60 =	vld [tilespmem:$0x4C00];
	v0 =	vadd.f32 v1, v0;
	v1 =	vmul.f32 v56, v3  }
0xea: {  	v3 =	vld [tilespmem:$0x4400]  }
0xeb: {  	v61 =	vld [tilespmem:$0x4480];
	v0 =	vadd.f32 v1, v0;
	v1 =	vmul.f32 v58, v57  }
0xec: {  	v62 =	vld [tilespmem:$0x4C80]  }
0xed: {  	v63 =	vld [tilespmem:$0x4D00];
	v0 =	vadd.f32 v1, v0;
	v1 =	vmul.f32 v59, v2  }
0xee: {  	v2 =	vld [tilespmem:$0x4500]  }
0xef: {  	v0 =	vadd.f32 v1, v0;
	v1 =	vmul.f32 v60, v3;
	_ =	sdelay $0x1  }
0xf0: {  	v0 =	vadd.f32 v1, v0;
	v1 =	vmul.f32 v62, v61;
	_ =	sdelay $0x1  }
0xf1: {  	v0 =	vadd.f32 v1, v0;
	v1 =	vmul.f32 v63, v2  }
0xf2: {  	s8 =	simm.s32 $0x0  }
0xf3: {  	s6 =	simm.s32 $0x200;
	v0 =	vadd.f32 v1, v0;
	v1 =	vld [tilespmem:s8+$0x4F00]  }
.LBB3_2:
0xf4: {  	p0 =	sne.s32 s6, $0xFA00  }
.Ltmp0:
0xf5: {  	_ = 	snop;
	(pc) =	sbr.rel @p0 .LBB3_2-.Ltmp0, $3  }
0xf6: {  	_ =	sdelay $0x1  }
0xf7: {  	s7 =	sshra.s32 s6, $0x2;
	s6 =	sadd.s32 $0x200, s6;
	v0 =	vadd.f32 v1, v0  }
0xf8: {  	v1 =	vld [tilespmem:s7+$0x4F00]  }
0xf9: {  	v2 =	vld [tilespmem:$0x4D80]  }
0xfa: {  	v3 =	vld [tilespmem:$0x3F10]  }
0xfb: {  	v4 =	vld [tilespmem:$0x4700]  }
0xfc: {  	v5 =	vld [tilespmem:$0x3F90]  }
0xfd: {  	v6 =	vld [tilespmem:$0x4780]  }
0xfe: {  	v7 =	vld [tilespmem:$0x4010]  }
0xff: {  	v8 =	vld [tilespmem:$0x4800]  }
0x100: {  	v45 =	vld [tilespmem:$0x4090];
	v3 =	vmul.f32 v4, v3  }
0x101: {  	v9 =	vld [tilespmem:$0x4880]  }
0x102: {  	v46 =	vld [tilespmem:$0x4110];
	v2 =	vadd.f32 v3, v2;
	v3 =	vmul.f32 v6, v5  }
0x103: {  	v47 =	vld [tilespmem:$0x4900]  }
0x104: {  	v48 =	vld [tilespmem:$0x4190];
	v2 =	vadd.f32 v3, v2;
	v3 =	vmul.f32 v8, v7  }
0x105: {  	v49 =	vld [tilespmem:$0x4980]  }
0x106: {  	v50 =	vld [tilespmem:$0x4210];
	v2 =	vadd.f32 v3, v2;
	v3 =	vmul.f32 v9, v45  }
0x107: {  	v51 =	vld [tilespmem:$0x4A00]  }
0x108: {  	v52 =	vld [tilespmem:$0x4290];
	v2 =	vadd.f32 v3, v2;
	v3 =	vmul.f32 v47, v46  }
0x109: {  	v53 =	vld [tilespmem:$0x4A80]  }
0x10a: {  	v54 =	vld [tilespmem:$0x4310];
	v2 =	vadd.f32 v3, v2;
	v3 =	vmul.f32 v49, v48  }
0x10b: {  	v55 =	vld [tilespmem:$0x4B00]  }
0x10c: {  	v56 =	vld [tilespmem:$0x4390];
	v2 =	vadd.f32 v3, v2;
	v3 =	vmul.f32 v51, v50  }
0x10d: {  	v57 =	vld [tilespmem:$0x4B80]  }
0x10e: {  	v58 =	vld [tilespmem:$0x4410];
	v2 =	vadd.f32 v3, v2;
	v3 =	vmul.f32 v53, v52  }
0x10f: {  	v59 =	vld [tilespmem:$0x4C00]  }
0x110: {  	v60 =	vld [tilespmem:$0x4490];
	v2 =	vadd.f32 v3, v2;
	v3 =	vmul.f32 v55, v54  }
0x111: {  	v61 =	vld [tilespmem:$0x4C80]  }
0x112: {  	v62 =	vld [tilespmem:$0x4510];
	v2 =	vadd.f32 v3, v2;
	v3 =	vmul.f32 v57, v56  }
0x113: {  	v63 =	vld [tilespmem:$0x4D00]  }
0x114: {  	v2 =	vadd.f32 v3, v2;
	v3 =	vmul.f32 v59, v58;
	_ =	sdelay $0x1  }
0x115: {  	v2 =	vadd.f32 v3, v2;
	v3 =	vmul.f32 v61, v60  }
0x116: {  	v0 =	vadd.f32 v1, v0  }
0x117: {  	v1 =	vadd.f32 v3, v2;
	v2 =	vmul.f32 v63, v62  }
0x118: {  	s7 =	simm.s32 $0x10;
	[tilespmem:$0x8E00] =	vst v0  }
0x119: {  	s6 =	simm.s32 $0x240;
	v0 =	vadd.f32 v2, v1;
	v1 =	vld [tilespmem:s7+$0x4F00]  }
.LBB3_4:
0x11a: {  	p0 =	sne.s32 s6, $0xFA40  }
.Ltmp1:
0x11b: {  	_ = 	snop;
	(pc) =	sbr.rel @p0 .LBB3_4-.Ltmp1, $3  }
0x11c: {  	_ =	sdelay $0x1  }
0x11d: {  	s7 =	sshra.s32 s6, $0x2;
	s6 =	sadd.s32 $0x200, s6;
	v0 =	vadd.f32 v1, v0  }
0x11e: {  	v1 =	vld [tilespmem:s7+$0x4F00]  }
0x11f: {  	v2 =	vld [tilespmem:$0x4D80]  }
0x120: {  	v3 =	vld [tilespmem:$0x3F20]  }
0x121: {  	v4 =	vld [tilespmem:$0x4700]  }
0x122: {  	v5 =	vld [tilespmem:$0x3FA0]  }
0x123: {  	v6 =	vld [tilespmem:$0x4780]  }
0x124: {  	v7 =	vld [tilespmem:$0x4020]  }
0x125: {  	v8 =	vld [tilespmem:$0x4800]  }
0x126: {  	v45 =	vld [tilespmem:$0x40A0];
	v3 =	vmul.f32 v4, v3  }
0x127: {  	v9 =	vld [tilespmem:$0x4880]  }
0x128: {  	v46 =	vld [tilespmem:$0x4120];
	v2 =	vadd.f32 v3, v2;
	v3 =	vmul.f32 v6, v5  }
0x129: {  	v47 =	vld [tilespmem:$0x4900]  }
0x12a: {  	v48 =	vld [tilespmem:$0x41A0];
	v2 =	vadd.f32 v3, v2;
	v3 =	vmul.f32 v8, v7  }
0x12b: {  	v49 =	vld [tilespmem:$0x4980]  }
0x12c: {  	v50 =	vld [tilespmem:$0x4220];
	v2 =	vadd.f32 v3, v2;
	v3 =	vmul.f32 v9, v45  }
0x12d: {  	v51 =	vld [tilespmem:$0x4A00]  }
0x12e: {  	v52 =	vld [tilespmem:$0x42A0];
	v2 =	vadd.f32 v3, v2;
	v3 =	vmul.f32 v47, v46  }
0x12f: {  	v53 =	vld [tilespmem:$0x4A80]  }
0x130: {  	v54 =	vld [tilespmem:$0x4320];
	v2 =	vadd.f32 v3, v2;
	v3 =	vmul.f32 v49, v48  }
0x131: {  	v55 =	vld [tilespmem:$0x4B00]  }
0x132: {  	v56 =	vld [tilespmem:$0x43A0];
	v2 =	vadd.f32 v3, v2;
	v3 =	vmul.f32 v51, v50  }
0x133: {  	v57 =	vld [tilespmem:$0x4B80]  }
0x134: {  	v58 =	vld [tilespmem:$0x4420];
	v2 =	vadd.f32 v3, v2;
	v3 =	vmul.f32 v53, v52  }
0x135: {  	v59 =	vld [tilespmem:$0x4C00]  }
0x136: {  	v60 =	vld [tilespmem:$0x44A0];
	v2 =	vadd.f32 v3, v2;
	v3 =	vmul.f32 v55, v54  }
0x137: {  	v61 =	vld [tilespmem:$0x4C80]  }
0x138: {  	v62 =	vld [tilespmem:$0x4520];
	v2 =	vadd.f32 v3, v2;
	v3 =	vmul.f32 v57, v56  }
0x139: {  	v63 =	vld [tilespmem:$0x4D00]  }
0x13a: {  	v2 =	vadd.f32 v3, v2;
	v3 =	vmul.f32 v59, v58;
	_ =	sdelay $0x1  }
0x13b: {  	v2 =	vadd.f32 v3, v2;
	v3 =	vmul.f32 v61, v60  }
0x13c: {  	v0 =	vadd.f32 v1, v0  }
0x13d: {  	v1 =	vadd.f32 v3, v2;
	v2 =	vmul.f32 v63, v62  }
0x13e: {  	s7 =	simm.s32 $0x20;
	[tilespmem:$0x8E10] =	vst v0  }
0x13f: {  	s6 =	simm.s32 $0x280;
	v0 =	vadd.f32 v2, v1;
	v1 =	vld [tilespmem:s7+$0x4F00]  }
.LBB3_6:
0x140: {  	p0 =	sne.s32 s6, $0xFA80  }
.Ltmp2:
0x141: {  	_ = 	snop;
	(pc) =	sbr.rel @p0 .LBB3_6-.Ltmp2, $3  }
0x142: {  	_ =	sdelay $0x1  }
0x143: {  	s7 =	sshra.s32 s6, $0x2;
	s6 =	sadd.s32 $0x200, s6;
	v0 =	vadd.f32 v1, v0  }
0x144: {  	v1 =	vld [tilespmem:s7+$0x4F00]  }
0x145: {  	v2 =	vld [tilespmem:$0x4D80]  }
0x146: {  	v3 =	vld [tilespmem:$0x3F30]  }
0x147: {  	v4 =	vld [tilespmem:$0x4700]  }
0x148: {  	v5 =	vld [tilespmem:$0x3FB0]  }
0x149: {  	v6 =	vld [tilespmem:$0x4780]  }
0x14a: {  	v7 =	vld [tilespmem:$0x4030]  }
0x14b: {  	v8 =	vld [tilespmem:$0x4800]  }
0x14c: {  	v45 =	vld [tilespmem:$0x40B0];
	v3 =	vmul.f32 v4, v3  }
0x14d: {  	v9 =	vld [tilespmem:$0x4880]  }
0x14e: {  	v46 =	vld [tilespmem:$0x4130];
	v2 =	vadd.f32 v3, v2;
	v3 =	vmul.f32 v6, v5  }
0x14f: {  	v47 =	vld [tilespmem:$0x4900]  }
0x150: {  	v48 =	vld [tilespmem:$0x41B0];
	v2 =	vadd.f32 v3, v2;
	v3 =	vmul.f32 v8, v7  }
0x151: {  	v49 =	vld [tilespmem:$0x4980]  }
0x152: {  	v50 =	vld [tilespmem:$0x4230];
	v2 =	vadd.f32 v3, v2;
	v3 =	vmul.f32 v9, v45  }
0x153: {  	v51 =	vld [tilespmem:$0x4A00]  }
0x154: {  	v52 =	vld [tilespmem:$0x42B0];
	v2 =	vadd.f32 v3, v2;
	v3 =	vmul.f32 v47, v46  }
0x155: {  	v53 =	vld [tilespmem:$0x4A80]  }
0x156: {  	v54 =	vld [tilespmem:$0x4330];
	v2 =	vadd.f32 v3, v2;
	v3 =	vmul.f32 v49, v48  }
0x157: {  	v55 =	vld [tilespmem:$0x4B00]  }
0x158: {  	v56 =	vld [tilespmem:$0x43B0];
	v2 =	vadd.f32 v3, v2;
	v3 =	vmul.f32 v51, v50  }
0x159: {  	v57 =	vld [tilespmem:$0x4B80]  }
0x15a: {  	v58 =	vld [tilespmem:$0x4430];
	v2 =	vadd.f32 v3, v2;
	v3 =	vmul.f32 v53, v52  }
0x15b: {  	v59 =	vld [tilespmem:$0x4C00]  }
0x15c: {  	v60 =	vld [tilespmem:$0x44B0];
	v2 =	vadd.f32 v3, v2;
	v3 =	vmul.f32 v55, v54  }
0x15d: {  	v61 =	vld [tilespmem:$0x4C80]  }
0x15e: {  	v62 =	vld [tilespmem:$0x4530];
	v2 =	vadd.f32 v3, v2;
	v3 =	vmul.f32 v57, v56  }
0x15f: {  	v63 =	vld [tilespmem:$0x4D00]  }
0x160: {  	v2 =	vadd.f32 v3, v2;
	v3 =	vmul.f32 v59, v58;
	_ =	sdelay $0x1  }
0x161: {  	v2 =	vadd.f32 v3, v2;
	v3 =	vmul.f32 v61, v60  }
0x162: {  	v0 =	vadd.f32 v1, v0  }
0x163: {  	v1 =	vadd.f32 v3, v2;
	v2 =	vmul.f32 v63, v62  }
0x164: {  	s7 =	simm.s32 $0x30;
	[tilespmem:$0x8E20] =	vst v0  }
0x165: {  	s6 =	simm.s32 $0x2C0;
	v0 =	vadd.f32 v2, v1;
	v1 =	vld [tilespmem:s7+$0x4F00]  }
.LBB3_8:
0x166: {  	p0 =	sne.s32 s6, $0xFAC0  }
.Ltmp3:
0x167: {  	_ = 	snop;
	(pc) =	sbr.rel @p0 .LBB3_8-.Ltmp3, $3  }
0x168: {  	_ =	sdelay $0x1  }
0x169: {  	s7 =	sshra.s32 s6, $0x2;
	s6 =	sadd.s32 $0x200, s6;
	v0 =	vadd.f32 v1, v0  }
0x16a: {  	v1 =	vld [tilespmem:s7+$0x4F00]  }
0x16b: {  	v2 =	vld [tilespmem:$0x4D80]  }
0x16c: {  	v3 =	vld [tilespmem:$0x3F40]  }
0x16d: {  	v4 =	vld [tilespmem:$0x4700]  }
0x16e: {  	v5 =	vld [tilespmem:$0x3FC0]  }
0x16f: {  	v6 =	vld [tilespmem:$0x4780]  }
0x170: {  	v7 =	vld [tilespmem:$0x4040]  }
0x171: {  	v8 =	vld [tilespmem:$0x4800]  }
0x172: {  	v45 =	vld [tilespmem:$0x40C0];
	v3 =	vmul.f32 v4, v3  }
0x173: {  	v9 =	vld [tilespmem:$0x4880]  }
0x174: {  	v46 =	vld [tilespmem:$0x4140];
	v2 =	vadd.f32 v3, v2;
	v3 =	vmul.f32 v6, v5  }
0x175: {  	v47 =	vld [tilespmem:$0x4900]  }
0x176: {  	v48 =	vld [tilespmem:$0x41C0];
	v2 =	vadd.f32 v3, v2;
	v3 =	vmul.f32 v8, v7  }
0x177: {  	v49 =	vld [tilespmem:$0x4980]  }
0x178: {  	v50 =	vld [tilespmem:$0x4240];
	v2 =	vadd.f32 v3, v2;
	v3 =	vmul.f32 v9, v45  }
0x179: {  	v51 =	vld [tilespmem:$0x4A00]  }
0x17a: {  	v52 =	vld [tilespmem:$0x42C0];
	v2 =	vadd.f32 v3, v2;
	v3 =	vmul.f32 v47, v46  }
0x17b: {  	v53 =	vld [tilespmem:$0x4A80]  }
0x17c: {  	v54 =	vld [tilespmem:$0x4340];
	v2 =	vadd.f32 v3, v2;
	v3 =	vmul.f32 v49, v48  }
0x17d: {  	v55 =	vld [tilespmem:$0x4B00]  }
0x17e: {  	v56 =	vld [tilespmem:$0x43C0];
	v2 =	vadd.f32 v3, v2;
	v3 =	vmul.f32 v51, v50  }
0x17f: {  	v57 =	vld [tilespmem:$0x4B80]  }
0x180: {  	v58 =	vld [tilespmem:$0x4440];
	v2 =	vadd.f32 v3, v2;
	v3 =	vmul.f32 v53, v52  }
0x181: {  	v59 =	vld [tilespmem:$0x4C00]  }
0x182: {  	v60 =	vld [tilespmem:$0x44C0];
	v2 =	vadd.f32 v3, v2;
	v3 =	vmul.f32 v55, v54  }
0x183: {  	v61 =	vld [tilespmem:$0x4C80]  }
0x184: {  	v62 =	vld [tilespmem:$0x4540];
	v2 =	vadd.f32 v3, v2;
	v3 =	vmul.f32 v57, v56  }
0x185: {  	v63 =	vld [tilespmem:$0x4D00]  }
0x186: {  	v2 =	vadd.f32 v3, v2;
	v3 =	vmul.f32 v59, v58;
	_ =	sdelay $0x1  }
0x187: {  	v2 =	vadd.f32 v3, v2;
	v3 =	vmul.f32 v61, v60  }
0x188: {  	v0 =	vadd.f32 v1, v0  }
0x189: {  	v1 =	vadd.f32 v3, v2;
	v2 =	vmul.f32 v63, v62  }
0x18a: {  	s7 =	simm.s32 $0x40;
	[tilespmem:$0x8E30] =	vst v0  }
0x18b: {  	s6 =	simm.s32 $0x300;
	v0 =	vadd.f32 v2, v1;
	v1 =	vld [tilespmem:s7+$0x4F00]  }
.LBB3_10:
0x18c: {  	p0 =	sne.s32 s6, $0xFB00  }
.Ltmp4:
0x18d: {  	_ = 	snop;
	(pc) =	sbr.rel @p0 .LBB3_10-.Ltmp4, $3  }
0x18e: {  	_ =	sdelay $0x1  }
0x18f: {  	s7 =	sshra.s32 s6, $0x2;
	s6 =	sadd.s32 $0x200, s6;
	v0 =	vadd.f32 v1, v0  }
0x190: {  	v1 =	vld [tilespmem:s7+$0x4F00]  }
0x191: {  	v2 =	vld [tilespmem:$0x4D80]  }
0x192: {  	v3 =	vld [tilespmem:$0x3F50]  }
0x193: {  	v4 =	vld [tilespmem:$0x4700]  }
0x194: {  	v5 =	vld [tilespmem:$0x3FD0]  }
0x195: {  	v6 =	vld [tilespmem:$0x4780]  }
0x196: {  	v7 =	vld [tilespmem:$0x4050]  }
0x197: {  	v8 =	vld [tilespmem:$0x4800]  }
0x198: {  	v45 =	vld [tilespmem:$0x40D0];
	v3 =	vmul.f32 v4, v3  }
0x199: {  	v9 =	vld [tilespmem:$0x4880]  }
0x19a: {  	v46 =	vld [tilespmem:$0x4150];
	v2 =	vadd.f32 v3, v2;
	v3 =	vmul.f32 v6, v5  }
0x19b: {  	v47 =	vld [tilespmem:$0x4900]  }
0x19c: {  	v48 =	vld [tilespmem:$0x41D0];
	v2 =	vadd.f32 v3, v2;
	v3 =	vmul.f32 v8, v7  }
0x19d: {  	v49 =	vld [tilespmem:$0x4980]  }
0x19e: {  	v50 =	vld [tilespmem:$0x4250];
	v2 =	vadd.f32 v3, v2;
	v3 =	vmul.f32 v9, v45  }
0x19f: {  	v51 =	vld [tilespmem:$0x4A00]  }
0x1a0: {  	v52 =	vld [tilespmem:$0x42D0];
	v2 =	vadd.f32 v3, v2;
	v3 =	vmul.f32 v47, v46  }
0x1a1: {  	v53 =	vld [tilespmem:$0x4A80]  }
0x1a2: {  	v54 =	vld [tilespmem:$0x4350];
	v2 =	vadd.f32 v3, v2;
	v3 =	vmul.f32 v49, v48  }
0x1a3: {  	v55 =	vld [tilespmem:$0x4B00]  }
0x1a4: {  	v56 =	vld [tilespmem:$0x43D0];
	v2 =	vadd.f32 v3, v2;
	v3 =	vmul.f32 v51, v50  }
0x1a5: {  	v57 =	vld [tilespmem:$0x4B80]  }
0x1a6: {  	v58 =	vld [tilespmem:$0x4450];
	v2 =	vadd.f32 v3, v2;
	v3 =	vmul.f32 v53, v52  }
0x1a7: {  	v59 =	vld [tilespmem:$0x4C00]  }
0x1a8: {  	v60 =	vld [tilespmem:$0x44D0];
	v2 =	vadd.f32 v3, v2;
	v3 =	vmul.f32 v55, v54  }
0x1a9: {  	v61 =	vld [tilespmem:$0x4C80]  }
0x1aa: {  	v62 =	vld [tilespmem:$0x4550];
	v2 =	vadd.f32 v3, v2;
	v3 =	vmul.f32 v57, v56  }
0x1ab: {  	v63 =	vld [tilespmem:$0x4D00]  }
0x1ac: {  	v2 =	vadd.f32 v3, v2;
	v3 =	vmul.f32 v59, v58;
	_ =	sdelay $0x1  }
0x1ad: {  	v2 =	vadd.f32 v3, v2;
	v3 =	vmul.f32 v61, v60  }
0x1ae: {  	v0 =	vadd.f32 v1, v0  }
0x1af: {  	v1 =	vadd.f32 v3, v2;
	v2 =	vmul.f32 v63, v62  }
0x1b0: {  	s7 =	simm.s32 $0x50;
	[tilespmem:$0x8E40] =	vst v0  }
0x1b1: {  	s6 =	simm.s32 $0x340;
	v0 =	vadd.f32 v2, v1;
	v1 =	vld [tilespmem:s7+$0x4F00]  }
.LBB3_12:
0x1b2: {  	p0 =	sne.s32 s6, $0xFB40  }
.Ltmp5:
0x1b3: {  	_ = 	snop;
	(pc) =	sbr.rel @p0 .LBB3_12-.Ltmp5, $3  }
0x1b4: {  	_ =	sdelay $0x1  }
0x1b5: {  	s7 =	sshra.s32 s6, $0x2;
	s6 =	sadd.s32 $0x200, s6;
	v0 =	vadd.f32 v1, v0  }
0x1b6: {  	v1 =	vld [tilespmem:s7+$0x4F00]  }
0x1b7: {  	v2 =	vld [tilespmem:$0x4D80]  }
0x1b8: {  	v3 =	vld [tilespmem:$0x3F60]  }
0x1b9: {  	v4 =	vld [tilespmem:$0x4700]  }
0x1ba: {  	v5 =	vld [tilespmem:$0x3FE0]  }
0x1bb: {  	v6 =	vld [tilespmem:$0x4780]  }
0x1bc: {  	v7 =	vld [tilespmem:$0x4060]  }
0x1bd: {  	v8 =	vld [tilespmem:$0x4800]  }
0x1be: {  	v45 =	vld [tilespmem:$0x40E0];
	v3 =	vmul.f32 v4, v3  }
0x1bf: {  	v9 =	vld [tilespmem:$0x4880]  }
0x1c0: {  	v46 =	vld [tilespmem:$0x4160];
	v2 =	vadd.f32 v3, v2;
	v3 =	vmul.f32 v6, v5  }
0x1c1: {  	v47 =	vld [tilespmem:$0x4900]  }
0x1c2: {  	v48 =	vld [tilespmem:$0x41E0];
	v2 =	vadd.f32 v3, v2;
	v3 =	vmul.f32 v8, v7  }
0x1c3: {  	v49 =	vld [tilespmem:$0x4980]  }
0x1c4: {  	v50 =	vld [tilespmem:$0x4260];
	v2 =	vadd.f32 v3, v2;
	v3 =	vmul.f32 v9, v45  }
0x1c5: {  	v51 =	vld [tilespmem:$0x4A00]  }
0x1c6: {  	v52 =	vld [tilespmem:$0x42E0];
	v2 =	vadd.f32 v3, v2;
	v3 =	vmul.f32 v47, v46  }
0x1c7: {  	v53 =	vld [tilespmem:$0x4A80]  }
0x1c8: {  	v54 =	vld [tilespmem:$0x4360];
	v2 =	vadd.f32 v3, v2;
	v3 =	vmul.f32 v49, v48  }
0x1c9: {  	v55 =	vld [tilespmem:$0x4B00]  }
0x1ca: {  	v56 =	vld [tilespmem:$0x43E0];
	v2 =	vadd.f32 v3, v2;
	v3 =	vmul.f32 v51, v50  }
0x1cb: {  	v57 =	vld [tilespmem:$0x4B80]  }
0x1cc: {  	v58 =	vld [tilespmem:$0x4460];
	v2 =	vadd.f32 v3, v2;
	v3 =	vmul.f32 v53, v52  }
0x1cd: {  	v59 =	vld [tilespmem:$0x4C00]  }
0x1ce: {  	v60 =	vld [tilespmem:$0x44E0];
	v2 =	vadd.f32 v3, v2;
	v3 =	vmul.f32 v55, v54  }
0x1cf: {  	v61 =	vld [tilespmem:$0x4C80]  }
0x1d0: {  	v62 =	vld [tilespmem:$0x4560];
	v2 =	vadd.f32 v3, v2;
	v3 =	vmul.f32 v57, v56  }
0x1d1: {  	v63 =	vld [tilespmem:$0x4D00]  }
0x1d2: {  	v2 =	vadd.f32 v3, v2;
	v3 =	vmul.f32 v59, v58;
	_ =	sdelay $0x1  }
0x1d3: {  	v2 =	vadd.f32 v3, v2;
	v3 =	vmul.f32 v61, v60  }
0x1d4: {  	v0 =	vadd.f32 v1, v0  }
0x1d5: {  	v1 =	vadd.f32 v3, v2;
	v2 =	vmul.f32 v63, v62  }
0x1d6: {  	s7 =	simm.s32 $0x60;
	[tilespmem:$0x8E50] =	vst v0  }
0x1d7: {  	s6 =	simm.s32 $0x380;
	v0 =	vadd.f32 v2, v1;
	v1 =	vld [tilespmem:s7+$0x4F00]  }
.LBB3_14:
0x1d8: {  	p0 =	sne.s32 s6, $0xFB80  }
.Ltmp6:
0x1d9: {  	_ = 	snop;
	(pc) =	sbr.rel @p0 .LBB3_14-.Ltmp6, $3  }
0x1da: {  	_ =	sdelay $0x1  }
0x1db: {  	s7 =	sshra.s32 s6, $0x2;
	s6 =	sadd.s32 $0x200, s6;
	v0 =	vadd.f32 v1, v0  }
0x1dc: {  	v1 =	vld [tilespmem:s7+$0x4F00]  }
0x1dd: {  	v2 =	vld [tilespmem:$0x4D80]  }
0x1de: {  	v3 =	vld [tilespmem:$0x3F70]  }
0x1df: {  	v4 =	vld [tilespmem:$0x4700]  }
0x1e0: {  	v5 =	vld [tilespmem:$0x3FF0]  }
0x1e1: {  	v6 =	vld [tilespmem:$0x4780]  }
0x1e2: {  	v7 =	vld [tilespmem:$0x4070]  }
0x1e3: {  	v8 =	vld [tilespmem:$0x4800]  }
0x1e4: {  	v45 =	vld [tilespmem:$0x40F0];
	v3 =	vmul.f32 v4, v3  }
0x1e5: {  	v9 =	vld [tilespmem:$0x4880]  }
0x1e6: {  	v46 =	vld [tilespmem:$0x4170];
	v2 =	vadd.f32 v3, v2;
	v3 =	vmul.f32 v6, v5  }
0x1e7: {  	v47 =	vld [tilespmem:$0x4900]  }
0x1e8: {  	v48 =	vld [tilespmem:$0x41F0];
	v2 =	vadd.f32 v3, v2;
	v3 =	vmul.f32 v8, v7  }
0x1e9: {  	v49 =	vld [tilespmem:$0x4980]  }
0x1ea: {  	v50 =	vld [tilespmem:$0x4270];
	v2 =	vadd.f32 v3, v2;
	v3 =	vmul.f32 v9, v45  }
0x1eb: {  	v51 =	vld [tilespmem:$0x4A00]  }
0x1ec: {  	v52 =	vld [tilespmem:$0x42F0];
	v2 =	vadd.f32 v3, v2;
	v3 =	vmul.f32 v47, v46  }
0x1ed: {  	v53 =	vld [tilespmem:$0x4A80]  }
0x1ee: {  	v54 =	vld [tilespmem:$0x4370];
	v2 =	vadd.f32 v3, v2;
	v3 =	vmul.f32 v49, v48  }
0x1ef: {  	v55 =	vld [tilespmem:$0x4B00]  }
0x1f0: {  	v56 =	vld [tilespmem:$0x43F0];
	v2 =	vadd.f32 v3, v2;
	v3 =	vmul.f32 v51, v50  }
0x1f1: {  	v57 =	vld [tilespmem:$0x4B80]  }
0x1f2: {  	v58 =	vld [tilespmem:$0x4470];
	v2 =	vadd.f32 v3, v2;
	v3 =	vmul.f32 v53, v52  }
0x1f3: {  	v59 =	vld [tilespmem:$0x4C00]  }
0x1f4: {  	v60 =	vld [tilespmem:$0x44F0];
	v2 =	vadd.f32 v3, v2;
	v3 =	vmul.f32 v55, v54  }
0x1f5: {  	v61 =	vld [tilespmem:$0x4C80]  }
0x1f6: {  	v62 =	vld [tilespmem:$0x4570];
	v2 =	vadd.f32 v3, v2;
	v3 =	vmul.f32 v57, v56  }
0x1f7: {  	v63 =	vld [tilespmem:$0x4D00]  }
0x1f8: {  	v2 =	vadd.f32 v3, v2;
	v3 =	vmul.f32 v59, v58;
	_ =	sdelay $0x1  }
0x1f9: {  	v2 =	vadd.f32 v3, v2;
	v3 =	vmul.f32 v61, v60  }
0x1fa: {  	v0 =	vadd.f32 v1, v0  }
0x1fb: {  	v1 =	vadd.f32 v3, v2;
	v2 =	vmul.f32 v63, v62  }
0x1fc: {  	s7 =	simm.s32 $0x70;
	[tilespmem:$0x8E60] =	vst v0  }
0x1fd: {  	s6 =	simm.s32 $0x3C0;
	v0 =	vadd.f32 v2, v1;
	v1 =	vld [tilespmem:s7+$0x4F00]  }
.LBB3_16:
0x1fe: {  	p0 =	sne.s32 s6, $0xFBC0  }
.Ltmp7:
0x1ff: {  	_ = 	snop;
	(pc) =	sbr.rel @p0 .LBB3_16-.Ltmp7, $3  }
0x200: {  	_ =	sdelay $0x1  }
0x201: {  	s7 =	sshra.s32 s6, $0x2;
	s6 =	sadd.s32 $0x200, s6;
	v0 =	vadd.f32 v1, v0  }
0x202: {  	v1 =	vld [tilespmem:s7+$0x4F00]  }
0x203: {  	_ =	sdelay $0x3  }
0x204: {  	s4 =	sadd.s32 $0x1, s4;
	v0 =	vadd.f32 v1, v0  }
0x205: {  	p0 =	sne.s32 s4, s2  }
.Ltmp8:
0x206: {  	[tilespmem:$0x8E70] =	vst v0;
	(pc) =	sbr.rel @p0 .LBB3_1-.Ltmp8, $4  }
0x207: {  	[hbm4b:s1+s12] =	stream.linear.scatter [tilespmem:s11], [sflag:$0x2], $0x80, $0x38;
	[tilespmem:$0x8E80] =	vst v63  }
0x208: {  	_ =	swait.ge [sflag:s5], $0x80  }
0x209: {  	[sflag:s5] =	ssyncset.done $0x0  }
0x20a: {  	[sflag:s5] =	ssyncadd.s32 $0xFFFFFF80  }
0x20b: {  	_ =	sfence.sel $0x180000  }
0x20c: {  	[bflag:$0x0] =	sbarrier.arrive $0xFFFF  }
0x20d: {  	_ =	strace $0x90000047  }
0x20e: {  	s0 =	stileid.u32;
	[bflag:$0x2] =	sbarrier.arrive $0xFFFF  }
0x20f: {  	p0 =	sne.s32 s0, $0x0;
	s0 =	rddreg [dreg:$0xe]  }
0x210: {  	s0 =	sadd.s32 @!p0 $0x100000, s0  }
0x211: {  	[sflag:s0] =	ssyncadd.tile.s32 @!p0 $0x1;
	_ =	shalt  }
.Lfunc_end3:
_tile_overlayer_lowered:
.L_overlay_start_3:
0x212: {  	(tag) =	ssettag $0x3  }
0x213: {  	s0 =	rddreg [dreg:$0x0];
	s2 =	stileid.u32  }
0x214: {  	s1 =	rddreg [dreg:$0x1];
	p0 =	sne.s32 s2, $0x0  }
0x215: {  	s3 =	rddreg [dreg:$0x2];
	[bflag:$0x3] =	sbarrier.arrive $0xFFFF;
	s2 =	simm.s32 @!p0 $0x1C02  }
0x216: {  	[timem:s3], [sflag:s2] =	dma.local @!p0 [hbm:s0], s1  }
0x217: {  	s0 =	simm.s32 @!p0 $0x2  }
0x218: {  	_ =	swait.ge @!p0 [sflag:s0], s1  }
0x219: {  	s1 =	ssub.s32 @!p0 $0x0, s1;
	[sflag:s0] =	ssyncset.done @!p0 $0x0  }
0x21a: {  	[sflag:s0] =	ssyncadd.s32 @!p0 s1  }
0x21b: {  	[bflag:$0x3] =	sbarrier.arrive $0xFFFF  }
0x21c: {  	_ =	shalt  }

</sc_bundles>
